<compile_context>
chip_gen: v7x
topology: tpu7x:2x2x1
jax: 0.10.2.dev20260603
libtpu: 0.0.44.dev20260713+nightly
codegen_flags: <defaults>
</compile_context>

<pallas_src>
import functools

import jax
import jax.numpy as jnp
from jax import lax
from jax.experimental import pallas as pl
from jax.experimental.pallas import tpu as pltpu
from jax.experimental.pallas import tpu_sc as plsc

_RC = 16
_DEPTH = 3
_PREFETCH = 2


def kernel(x, pos_table):
    B, S, D = x.shape
    xf = x.reshape(B * S, D)

    info = plsc.get_sparse_core_info()
    NC, NS = info.num_cores, info.num_subcores
    NW = NC * NS
    PW = S // NW
    CPB = PW // _RC
    NCH = B * CPB
    LANES = 16

    mesh = plsc.VectorSubcoreMesh(core_axis_name="c", subcore_axis_name="s")

    @functools.partial(
        pl.kernel,
        out_type=jax.ShapeDtypeStruct((B * S, D), x.dtype),
        mesh=mesh,
        scratch_types=[
            pltpu.VMEM((PW, D), x.dtype),
            pltpu.VMEM((_DEPTH, _RC, D), x.dtype),
            pltpu.SemaphoreType.DMA,
            pltpu.SemaphoreType.DMA((_DEPTH,)),
            pltpu.SemaphoreType.DMA((_DEPTH,)),
        ],
    )
    def run(x_hbm, p_hbm, o_hbm, pbuf, xbuf, psem, rsem, wsem):
        w = lax.axis_index("s") * NC + lax.axis_index("c")
        pbase = w * PW

        def row_base(k):
            return (k // CPB) * S + (k % CPB) * _RC + pbase

        def read(k):
            return pltpu.make_async_copy(
                x_hbm.at[pl.ds(row_base(k), _RC)], xbuf.at[k % _DEPTH],
                rsem.at[k % _DEPTH],
            )

        def write(k):
            return pltpu.make_async_copy(
                xbuf.at[k % _DEPTH], o_hbm.at[pl.ds(row_base(k), _RC)],
                wsem.at[k % _DEPTH],
            )

        ptab = pltpu.make_async_copy(p_hbm.at[pl.ds(pbase, PW)], pbuf, psem)
        ptab.start()
        for k in range(min(_PREFETCH, NCH)):
            read(k).start()
        ptab.wait()

        waited_writes = set()
        for k in range(NCH):
            slot = k % _DEPTH
            read(k).wait()
            crow = (k % CPB) * _RC

            groups = D // LANES

            @plsc.parallel_loop(0, _RC * groups, unroll=8)
            def add_one(i, slot=slot, crow=crow):
                r = i // groups
                sl = pl.ds((i % groups) * LANES, LANES)
                plsc.addupdate(xbuf.at[slot, r, sl], pbuf[crow + r, sl])

            write(k).start()
            nk = k + _PREFETCH
            if nk < NCH:
                prev = nk - _DEPTH
                if prev >= 0:
                    write(prev).wait()
                    waited_writes.add(prev)
                read(nk).start()

        for k in range(NCH):
            if k not in waited_writes:
                write(k).wait()

    return run(xf, pos_table[:S]).reshape(B, S, D)

# --- scband reference (transcript-rebuilt; emitter-appended) ---
"""Pipeline reference for scband-learned-positional-embeddings-61675730371227 (READ-ONLY COPY).

The authoritative reference and input builder live on the scoring server;
editing this copy changes nothing except your own understanding.
"""

import jax, jax.numpy as jnp
import numpy as np

D_MODEL = 1024
MAX_LEN = 2048
BATCH = 4
SEQ_LEN = 2048

def setup_inputs(seed: int = 0) -> dict:
    key = jax.random.key(seed)
    k1, k2 = jax.random.split(key)
    x = jax.random.normal(k1, (BATCH, SEQ_LEN, D_MODEL), dtype=jnp.float32)
    # learned positional embedding table, nn.Embedding default init ~ N(0,1)
    pos_table = jax.random.normal(k2, (MAX_LEN, D_MODEL), dtype=jnp.float32)
    return {"x": x, "pos_table": pos_table}

def reference(x, pos_table):
    # positions = arange(0, x.size(1))
    positions = jnp.arange(0, x.shape[1], dtype=jnp.int32)
    # embedding lookup (gather rows of the table)
    positional_embedding = jnp.take(pos_table, positions, axis=0)  # [seq_len, d_model]
    # broadcast add over batch dim: [B, S, D] + [S, D]
    out = x + positional_embedding
    # dropout is identity in eval mode
    return out

if __name__ == "__main__":
    import jax
    _d = setup_inputs()
    print(jax.jit(kernel)(*tuple(_d.values())))

</pallas_src>

<mosaic_0001>
#map = affine_map<(d0, d1) -> (0, 0)>
module attributes {stable_mosaic.version = 14 : i64} {
  func.func @run(%arg0: i32, %arg1: i32, %arg2: memref<8192x1024xf32, #tpu.memory_space<hbm>>, %arg3: memref<2048x1024xf32, #tpu.memory_space<hbm>>, %arg4: memref<8192x1024xf32, #tpu.memory_space<hbm>>, %arg5: memref<64x1024xf32, #tpu.memory_space<vmem>>, %arg6: memref<3x16x1024xf32, #tpu.memory_space<vmem>>, %arg7: memref<!tpu.dma_semaphore, #tpu.memory_space<semaphore_mem>>, %arg8: memref<3x!tpu.dma_semaphore, #tpu.memory_space<semaphore_mem>>, %arg9: memref<3x!tpu.dma_semaphore, #tpu.memory_space<semaphore_mem>>) attributes {dimension_semantics = [#tpu.dimension_semantics<core_parallel>, #tpu.dimension_semantics<subcore_parallel>], iteration_bounds = array<i64: 2, 16>, scalar_prefetch = 0 : i64, scratch_operands = 5 : i64, tpu.core_type = #tpu.core_type<sc_vector_subcore>, window_params = [{transform_indices = #map}, {transform_indices = #map}, {transform_indices = #map}]} {
    %mul3A = arith.constant 2 : i32
    %mul3A_0 = arith.muli %arg1, %mul3A : i32
    %add3A = arith.addi %mul3A_0, %arg0 : i32
    %mul3A_1 = arith.constant 64 : i32
    %mul3A_2 = arith.muli %add3A, %mul3A_1 : i32
    %dma_start3A = arith.constant 0 : i32
    %dma_start3A_3 = tpu.memref_slice %arg3[%mul3A_2, %dma_start3A] : memref<2048x1024xf32, #tpu.memory_space<hbm>> -> memref<64x1024xf32, #tpu.memory_space<hbm>>
    %dma_start3A_4 = arith.constant 0 : i32
    %dma_start3A_5 = tpu.memref_slice %arg3[%mul3A_2, %dma_start3A_4] : memref<2048x1024xf32, #tpu.memory_space<hbm>> -> memref<64x1024xf32, #tpu.memory_space<hbm>>
    tpu.enqueue_dma source(%dma_start3A_5 : memref<64x1024xf32, #tpu.memory_space<hbm>>) target(%arg5 : memref<64x1024xf32, #tpu.memory_space<vmem>>) target_semaphore(%arg7 : memref<!tpu.dma_semaphore, #tpu.memory_space<semaphore_mem>>)
    %add3A_6 = arith.constant 0 : i32
    %add3A_7 = arith.addi %add3A_6, %mul3A_2 : i32
    %dma_start3A_8 = arith.constant 0 : i32
    %dma_start3A_9 = arith.constant 0 : i32
    %dma_start3A_10 = arith.constant 0 : i32
    %dma_start3A_11 = arith.constant 0 : i32
    %dma_start3A_12 = tpu.memref_slice %arg6[%dma_start3A_8, %dma_start3A_10, %dma_start3A_11] : memref<3x16x1024xf32, #tpu.memory_space<vmem>> -> memref<1x16x1024xf32, #tpu.memory_space<vmem>>
    %dma_start3A_13 = tpu.memref_squeeze %dma_start3A_12 : memref<1x16x1024xf32, #tpu.memory_space<vmem>> -> memref<16x1024xf32, #tpu.memory_space<vmem>>
    %dma_start3A_14 = arith.constant 0 : i32
    %dma_start3A_15 = tpu.memref_slice %arg2[%add3A_7, %dma_start3A_14] : memref<8192x1024xf32, #tpu.memory_space<hbm>> -> memref<16x1024xf32, #tpu.memory_space<hbm>>
    %dma_start3A_16 = tpu.memref_slice %arg8[%dma_start3A_9] : memref<3x!tpu.dma_semaphore, #tpu.memory_space<semaphore_mem>> -> memref<1x!tpu.dma_semaphore, #tpu.memory_space<semaphore_mem>>
    %dma_start3A_17 = tpu.memref_squeeze %dma_start3A_16 : memref<1x!tpu.dma_semaphore, #tpu.memory_space<semaphore_mem>> -> memref<!tpu.dma_semaphore, #tpu.memory_space<semaphore_mem>>
    %dma_start3A_18 = arith.constant 0 : i32
    %dma_start3A_19 = arith.constant 0 : i32
    %dma_start3A_20 = tpu.memref_slice %arg6[%dma_start3A_8, %dma_start3A_18, %dma_start3A_19] : memref<3x16x1024xf32, #tpu.memory_space<vmem>> -> memref<1x16x1024xf32, #tpu.memory_space<vmem>>
    %dma_start3A_21 = tpu.memref_squeeze %dma_start3A_20 : memref<1x16x1024xf32, #tpu.memory_space<vmem>> -> memref<16x1024xf32, #tpu.memory_space<vmem>>
    %dma_start3A_22 = arith.constant 0 : i32
    %dma_start3A_23 = tpu.memref_slice %arg2[%add3A_7, %dma_start3A_22] : memref<8192x1024xf32, #tpu.memory_space<hbm>> -> memref<16x1024xf32, #tpu.memory_space<hbm>>
    tpu.enqueue_dma source(%dma_start3A_23 : memref<16x1024xf32, #tpu.memory_space<hbm>>) target(%dma_start3A_21 : memref<16x1024xf32, #tpu.memory_space<vmem>>) target_semaphore(%dma_start3A_17 : memref<!tpu.dma_semaphore, #tpu.memory_space<semaphore_mem>>)
    %add3A_24 = arith.constant 16 : i32
    %add3A_25 = arith.addi %add3A_24, %mul3A_2 : i32
    %dma_start3A_26 = arith.constant 1 : i32
    %dma_start3A_27 = arith.constant 1 : i32
    %dma_start3A_28 = arith.constant 0 : i32
    %dma_start3A_29 = arith.constant 0 : i32
    %dma_start3A_30 = tpu.memref_slice %arg6[%dma_start3A_26, %dma_start3A_28, %dma_start3A_29] : memref<3x16x1024xf32, #tpu.memory_space<vmem>> -> memref<1x16x1024xf32, #tpu.memory_space<vmem>>
    %dma_start3A_31 = tpu.memref_squeeze %dma_start3A_30 : memref<1x16x1024xf32, #tpu.memory_space<vmem>> -> memref<16x1024xf32, #tpu.memory_space<vmem>>
    %dma_start3A_32 = arith.constant 0 : i32
    %dma_start3A_33 = tpu.memref_slice %arg2[%add3A_25, %dma_start3A_32] : memref<8192x1024xf32, #tpu.memory_space<hbm>> -> memref<16x1024xf32, #tpu.memory_space<hbm>>
    %dma_start3A_34 = tpu.memref_slice %arg8[%dma_start3A_27] : memref<3x!tpu.dma_semaphore, #tpu.memory_space<semaphore_mem>> -> memref<1x!tpu.dma_semaphore, #tpu.memory_space<semaphore_mem>>
    %dma_start3A_35 = tpu.memref_squeeze %dma_start3A_34 : memref<1x!tpu.dma_semaphore, #tpu.memory_space<semaphore_mem>> -> memref<!tpu.dma_semaphore, #tpu.memory_space<semaphore_mem>>
    %dma_start3A_36 = arith.constant 0 : i32
    %dma_start3A_37 = arith.constant 0 : i32
    %dma_start3A_38 = tpu.memref_slice %arg6[%dma_start3A_26, %dma_start3A_36, %dma_start3A_37] : memref<3x16x1024xf32, #tpu.memory_space<vmem>> -> memref<1x16x1024xf32, #tpu.memory_space<vmem>>
    %dma_start3A_39 = tpu.memref_squeeze %dma_start3A_38 : memref<1x16x1024xf32, #tpu.memory_space<vmem>> -> memref<16x1024xf32, #tpu.memory_space<vmem>>
    %dma_start3A_40 = arith.constant 0 : i32
    %dma_start3A_41 = tpu.memref_slice %arg2[%add3A_25, %dma_start3A_40] : memref<8192x1024xf32, #tpu.memory_space<hbm>> -> memref<16x1024xf32, #tpu.memory_space<hbm>>
    tpu.enqueue_dma source(%dma_start3A_41 : memref<16x1024xf32, #tpu.memory_space<hbm>>) target(%dma_start3A_39 : memref<16x1024xf32, #tpu.memory_space<vmem>>) target_semaphore(%dma_start3A_35 : memref<!tpu.dma_semaphore, #tpu.memory_space<semaphore_mem>>)
    %dma_wait3A = arith.constant 0 : i32
    %dma_wait3A_42 = tpu.memref_slice %arg3[%mul3A_2, %dma_wait3A] : memref<2048x1024xf32, #tpu.memory_space<hbm>> -> memref<64x1024xf32, #tpu.memory_space<hbm>>
    %dma_wait3A_43 = arith.constant 0 : i32
    %dma_wait3A_44 = tpu.memref_slice %arg3[%mul3A_2, %dma_wait3A_43] : memref<2048x1024xf32, #tpu.memory_space<hbm>> -> memref<64x1024xf32, #tpu.memory_space<hbm>>
    tpu.wait_dma2 semaphore(%arg7 : memref<!tpu.dma_semaphore, #tpu.memory_space<semaphore_mem>>) src(%dma_wait3A_44 : memref<64x1024xf32, #tpu.memory_space<hbm>>) dst(%arg5 : memref<64x1024xf32, #tpu.memory_space<vmem>>)
    %add3A_45 = arith.constant 0 : i32
    %add3A_46 = arith.addi %add3A_45, %mul3A_2 : i32
    %dma_wait3A_47 = arith.constant 0 : i32
    %dma_wait3A_48 = arith.constant 0 : i32
    %dma_wait3A_49 = arith.constant 0 : i32
    %dma_wait3A_50 = arith.constant 0 : i32
    %dma_wait3A_51 = tpu.memref_slice %arg6[%dma_wait3A_47, %dma_wait3A_49, %dma_wait3A_50] : memref<3x16x1024xf32, #tpu.memory_space<vmem>> -> memref<1x16x1024xf32, #tpu.memory_space<vmem>>
    %dma_wait3A_52 = tpu.memref_squeeze %dma_wait3A_51 : memref<1x16x1024xf32, #tpu.memory_space<vmem>> -> memref<16x1024xf32, #tpu.memory_space<vmem>>
    %dma_wait3A_53 = arith.constant 0 : i32
    %dma_wait3A_54 = tpu.memref_slice %arg2[%add3A_46, %dma_wait3A_53] : memref<8192x1024xf32, #tpu.memory_space<hbm>> -> memref<16x1024xf32, #tpu.memory_space<hbm>>
    %dma_wait3A_55 = tpu.memref_slice %arg8[%dma_wait3A_48] : memref<3x!tpu.dma_semaphore, #tpu.memory_space<semaphore_mem>> -> memref<1x!tpu.dma_semaphore, #tpu.memory_space<semaphore_mem>>
    %dma_wait3A_56 = tpu.memref_squeeze %dma_wait3A_55 : memref<1x!tpu.dma_semaphore, #tpu.memory_space<semaphore_mem>> -> memref<!tpu.dma_semaphore, #tpu.memory_space<semaphore_mem>>
    %dma_wait3A_57 = arith.constant 0 : i32
    %dma_wait3A_58 = arith.constant 0 : i32
    %dma_wait3A_59 = tpu.memref_slice %arg6[%dma_wait3A_47, %dma_wait3A_57, %dma_wait3A_58] : memref<3x16x1024xf32, #tpu.memory_space<vmem>> -> memref<1x16x1024xf32, #tpu.memory_space<vmem>>
    %dma_wait3A_60 = tpu.memref_squeeze %dma_wait3A_59 : memref<1x16x1024xf32, #tpu.memory_space<vmem>> -> memref<16x1024xf32, #tpu.memory_space<vmem>>
    %dma_wait3A_61 = arith.constant 0 : i32
    %dma_wait3A_62 = tpu.memref_slice %arg2[%add3A_46, %dma_wait3A_61] : memref<8192x1024xf32, #tpu.memory_space<hbm>> -> memref<16x1024xf32, #tpu.memory_space<hbm>>
    tpu.wait_dma2 semaphore(%dma_wait3A_56 : memref<!tpu.dma_semaphore, #tpu.memory_space<semaphore_mem>>) src(%dma_wait3A_62 : memref<16x1024xf32, #tpu.memory_space<hbm>>) dst(%dma_wait3A_60 : memref<16x1024xf32, #tpu.memory_space<vmem>>)
    %parallel_loop3A = arith.constant 0 : i32
    %parallel_loop3A_63 = arith.constant 1024 : i32
    %parallel_loop3A_64 = arith.constant 1 : i32
    scf.for %parallel_loop3A_1208 = %parallel_loop3A to %parallel_loop3A_63 step %parallel_loop3A_64  : i32 {
      %parallel_loop3A_1209 = arith.constant 64 : i32
      %parallel_loop3A_1210 = arith.divsi %parallel_loop3A_1208, %parallel_loop3A_1209 : i32
      %parallel_loop3A_1211 = arith.constant 0 : i32
      %parallel_loop3A_1212 = arith.cmpi sgt, %parallel_loop3A_1208, %parallel_loop3A_1211 : i32
      %parallel_loop3A_1213 = arith.extui %parallel_loop3A_1212 : i1 to i32
      %parallel_loop3A_1214 = arith.constant 0 : i32
      %parallel_loop3A_1215 = arith.cmpi slt, %parallel_loop3A_1208, %parallel_loop3A_1214 : i32
      %parallel_loop3A_1216 = arith.extui %parallel_loop3A_1215 : i1 to i32
      %parallel_loop3A_1217 = arith.subi %parallel_loop3A_1213, %parallel_loop3A_1216 : i32
      %parallel_loop3A_1218 = arith.constant 0 : i32
      %parallel_loop3A_1219 = arith.cmpi sgt, %parallel_loop3A_1209, %parallel_loop3A_1218 : i32
      %parallel_loop3A_1220 = arith.extui %parallel_loop3A_1219 : i1 to i32
      %parallel_loop3A_1221 = arith.constant 0 : i32
      %parallel_loop3A_1222 = arith.cmpi slt, %parallel_loop3A_1209, %parallel_loop3A_1221 : i32
      %parallel_loop3A_1223 = arith.extui %parallel_loop3A_1222 : i1 to i32
      %parallel_loop3A_1224 = arith.subi %parallel_loop3A_1220, %parallel_loop3A_1223 : i32
      %parallel_loop3A_1225 = arith.cmpi ne, %parallel_loop3A_1217, %parallel_loop3A_1224 : i32
      %parallel_loop3A_1226 = arith.remsi %parallel_loop3A_1208, %parallel_loop3A_1209 : i32
      %parallel_loop3A_1227 = arith.constant 0 : i32
      %parallel_loop3A_1228 = arith.cmpi ne, %parallel_loop3A_1226, %parallel_loop3A_1227 : i32
      %parallel_loop3A_1229 = arith.andi %parallel_loop3A_1225, %parallel_loop3A_1228 : i1
      %parallel_loop3A_1230 = arith.constant 1 : i32
      %parallel_loop3A_1231 = arith.subi %parallel_loop3A_1210, %parallel_loop3A_1230 : i32
      %parallel_loop3A_1232 = arith.select %parallel_loop3A_1229, %parallel_loop3A_1231, %parallel_loop3A_1210 : i32
      %parallel_loop3A_1233 = arith.constant 64 : i32
      %parallel_loop3A_1234 = arith.constant 0 : i32
      %parallel_loop3A_1235 = arith.cmpi eq, %parallel_loop3A_1233, %parallel_loop3A_1234 : i32
      %parallel_loop3A_1236 = arith.constant 1 : i32
      %parallel_loop3A_1237 = arith.select %parallel_loop3A_1235, %parallel_loop3A_1236, %parallel_loop3A_1233 : i32
      %parallel_loop3A_1238 = arith.remsi %parallel_loop3A_1208, %parallel_loop3A_1237 : i32
      %parallel_loop3A_1239 = arith.constant 0 : i32
      %parallel_loop3A_1240 = arith.cmpi ne, %parallel_loop3A_1238, %parallel_loop3A_1239 : i32
      %parallel_loop3A_1241 = arith.constant 0 : i32
      %parallel_loop3A_1242 = arith.cmpi slt, %parallel_loop3A_1238, %parallel_loop3A_1241 : i32
      %parallel_loop3A_1243 = arith.constant 0 : i32
      %parallel_loop3A_1244 = arith.cmpi slt, %parallel_loop3A_1237, %parallel_loop3A_1243 : i32
      %parallel_loop3A_1245 = arith.xori %parallel_loop3A_1242, %parallel_loop3A_1244 : i1
      %parallel_loop3A_1246 = arith.andi %parallel_loop3A_1245, %parallel_loop3A_1240 : i1
      %parallel_loop3A_1247 = arith.addi %parallel_loop3A_1238, %parallel_loop3A_1237 : i32
      %parallel_loop3A_1248 = arith.select %parallel_loop3A_1246, %parallel_loop3A_1247, %parallel_loop3A_1238 : i32
      %parallel_loop3A_1249 = arith.constant 16 : i32
      %parallel_loop3A_1250 = arith.muli %parallel_loop3A_1248, %parallel_loop3A_1249 : i32
      %parallel_loop3A_1251 = arith.constant 0 : i32
      %parallel_loop3A_1252 = arith.addi %parallel_loop3A_1251, %parallel_loop3A_1232 : i32
      %parallel_loop3A_1253 = arith.index_cast %parallel_loop3A_1252 : i32 to index
      %parallel_loop3A_1254 = arith.index_cast %parallel_loop3A_1250 : i32 to index
      %parallel_loop3A_1255 = tpu.vector_load %arg5[%parallel_loop3A_1253, %parallel_loop3A_1254] {strides = array<i32>} : memref<64x1024xf32, #tpu.memory_space<vmem>>, vector<1x16xf32>,
      %parallel_loop3A_1256 = vector.shape_cast %parallel_loop3A_1255 : vector<1x16xf32> to vector<16xf32>
      %parallel_loop3A_1257 = arith.constant 0 : i32
      %parallel_loop3A_1258 = arith.index_cast %parallel_loop3A_1257 : i32 to index
      %parallel_loop3A_1259 = arith.index_cast %parallel_loop3A_1232 : i32 to index
      %parallel_loop3A_1260 = arith.index_cast %parallel_loop3A_1250 : i32 to index
      %parallel_loop3A_1261 = tpu.vector_load %arg6[%parallel_loop3A_1258, %parallel_loop3A_1259, %parallel_loop3A_1260] {strides = array<i32>} : memref<3x16x1024xf32, #tpu.memory_space<vmem>>, vector<1x1x16xf32>,
      %parallel_loop3A_1262 = vector.shape_cast %parallel_loop3A_1261 : vector<1x1x16xf32> to vector<16xf32>
      %parallel_loop3A_1263 = vector.shape_cast %parallel_loop3A_1256 : vector<16xf32> to vector<1x1x16xf32>
      tpu.vector_store %arg6[%parallel_loop3A_1258, %parallel_loop3A_1259, %parallel_loop3A_1260], %parallel_loop3A_1263 {add = true, strides = array<i32>} : memref<3x16x1024xf32, #tpu.memory_space<vmem>>, vector<1x1x16xf32>,
    } {sc.loop_unroll_factor = 8 : i64, sc.parallel_access}
    %add3A_65 = arith.constant 0 : i32
    %add3A_66 = arith.addi %add3A_65, %mul3A_2 : i32
    %dma_start3A_67 = arith.constant 0 : i32
    %dma_start3A_68 = arith.constant 0 : i32
    %dma_start3A_69 = arith.constant 0 : i32
    %dma_start3A_70 = arith.constant 0 : i32
    %dma_start3A_71 = tpu.memref_slice %arg6[%dma_start3A_67, %dma_start3A_69, %dma_start3A_70] : memref<3x16x1024xf32, #tpu.memory_space<vmem>> -> memref<1x16x1024xf32, #tpu.memory_space<vmem>>
    %dma_start3A_72 = tpu.memref_squeeze %dma_start3A_71 : memref<1x16x1024xf32, #tpu.memory_space<vmem>> -> memref<16x1024xf32, #tpu.memory_space<vmem>>
    %dma_start3A_73 = arith.constant 0 : i32
    %dma_start3A_74 = tpu.memref_slice %arg4[%add3A_66, %dma_start3A_73] : memref<8192x1024xf32, #tpu.memory_space<hbm>> -> memref<16x1024xf32, #tpu.memory_space<hbm>>
    %dma_start3A_75 = tpu.memref_slice %arg9[%dma_start3A_68] : memref<3x!tpu.dma_semaphore, #tpu.memory_space<semaphore_mem>> -> memref<1x!tpu.dma_semaphore, #tpu.memory_space<semaphore_mem>>
    %dma_start3A_76 = tpu.memref_squeeze %dma_start3A_75 : memref<1x!tpu.dma_semaphore, #tpu.memory_space<semaphore_mem>> -> memref<!tpu.dma_semaphore, #tpu.memory_space<semaphore_mem>>
    %dma_start3A_77 = arith.constant 0 : i32
    %dma_start3A_78 = tpu.memref_slice %arg4[%add3A_66, %dma_start3A_77] : memref<8192x1024xf32, #tpu.memory_space<hbm>> -> memref<16x1024xf32, #tpu.memory_space<hbm>>
    %dma_start3A_79 = arith.constant 0 : i32
    %dma_start3A_80 = arith.constant 0 : i32
    %dma_start3A_81 = tpu.memref_slice %arg6[%dma_start3A_67, %dma_start3A_79, %dma_start3A_80] : memref<3x16x1024xf32, #tpu.memory_space<vmem>> -> memref<1x16x1024xf32, #tpu.memory_space<vmem>>
    %dma_start3A_82 = tpu.memref_squeeze %dma_start3A_81 : memref<1x16x1024xf32, #tpu.memory_space<vmem>> -> memref<16x1024xf32, #tpu.memory_space<vmem>>
    tpu.enqueue_dma source(%dma_start3A_82 : memref<16x1024xf32, #tpu.memory_space<vmem>>) target(%dma_start3A_78 : memref<16x1024xf32, #tpu.memory_space<hbm>>) target_semaphore(%dma_start3A_76 : memref<!tpu.dma_semaphore, #tpu.memory_space<semaphore_mem>>)
    %add3A_83 = arith.constant 32 : i32
    %add3A_84 = arith.addi %add3A_83, %mul3A_2 : i32
    %dma_start3A_85 = arith.constant 2 : i32
    %dma_start3A_86 = arith.constant 2 : i32
    %dma_start3A_87 = arith.constant 0 : i32
    %dma_start3A_88 = arith.constant 0 : i32
    %dma_start3A_89 = tpu.memref_slice %arg6[%dma_start3A_85, %dma_start3A_87, %dma_start3A_88] : memref<3x16x1024xf32, #tpu.memory_space<vmem>> -> memref<1x16x1024xf32, #tpu.memory_space<vmem>>
    %dma_start3A_90 = tpu.memref_squeeze %dma_start3A_89 : memref<1x16x1024xf32, #tpu.memory_space<vmem>> -> memref<16x1024xf32, #tpu.memory_space<vmem>>
    %dma_start3A_91 = arith.constant 0 : i32
    %dma_start3A_92 = tpu.memref_slice %arg2[%add3A_84, %dma_start3A_91] : memref<8192x1024xf32, #tpu.memory_space<hbm>> -> memref<16x1024xf32, #tpu.memory_space<hbm>>
    %dma_start3A_93 = tpu.memref_slice %arg8[%dma_start3A_86] : memref<3x!tpu.dma_semaphore, #tpu.memory_space<semaphore_mem>> -> memref<1x!tpu.dma_semaphore, #tpu.memory_space<semaphore_mem>>
    %dma_start3A_94 = tpu.memref_squeeze %dma_start3A_93 : memref<1x!tpu.dma_semaphore, #tpu.memory_space<semaphore_mem>> -> memref<!tpu.dma_semaphore, #tpu.memory_space<semaphore_mem>>
    %dma_start3A_95 = arith.constant 0 : i32
    %dma_start3A_96 = arith.constant 0 : i32
    %dma_start3A_97 = tpu.memref_slice %arg6[%dma_start3A_85, %dma_start3A_95, %dma_start3A_96] : memref<3x16x1024xf32, #tpu.memory_space<vmem>> -> memref<1x16x1024xf32, #tpu.memory_space<vmem>>
    %dma_start3A_98 = tpu.memref_squeeze %dma_start3A_97 : memref<1x16x1024xf32, #tpu.memory_space<vmem>> -> memref<16x1024xf32, #tpu.memory_space<vmem>>
    %dma_start3A_99 = arith.constant 0 : i32
    %dma_start3A_100 = tpu.memref_slice %arg2[%add3A_84, %dma_start3A_99] : memref<8192x1024xf32, #tpu.memory_space<hbm>> -> memref<16x1024xf32, #tpu.memory_space<hbm>>
    tpu.enqueue_dma source(%dma_start3A_100 : memref<16x1024xf32, #tpu.memory_space<hbm>>) target(%dma_start3A_98 : memref<16x1024xf32, #tpu.memory_space<vmem>>) target_semaphore(%dma_start3A_94 : memref<!tpu.dma_semaphore, #tpu.memory_space<semaphore_mem>>)
    %add3A_101 = arith.constant 16 : i32
    %add3A_102 = arith.addi %add3A_101, %mul3A_2 : i32
    %dma_wait3A_103 = arith.constant 1 : i32
    %dma_wait3A_104 = arith.constant 1 : i32
    %dma_wait3A_105 = arith.constant 0 : i32
    %dma_wait3A_106 = arith.constant 0 : i32
    %dma_wait3A_107 = tpu.memref_slice %arg6[%dma_wait3A_103, %dma_wait3A_105, %dma_wait3A_106] : memref<3x16x1024xf32, #tpu.memory_space<vmem>> -> memref<1x16x1024xf32, #tpu.memory_space<vmem>>
    %dma_wait3A_108 = tpu.memref_squeeze %dma_wait3A_107 : memref<1x16x1024xf32, #tpu.memory_space<vmem>> -> memref<16x1024xf32, #tpu.memory_space<vmem>>
    %dma_wait3A_109 = arith.constant 0 : i32
    %dma_wait3A_110 = tpu.memref_slice %arg2[%add3A_102, %dma_wait3A_109] : memref<8192x1024xf32, #tpu.memory_space<hbm>> -> memref<16x1024xf32, #tpu.memory_space<hbm>>
    %dma_wait3A_111 = tpu.memref_slice %arg8[%dma_wait3A_104] : memref<3x!tpu.dma_semaphore, #tpu.memory_space<semaphore_mem>> -> memref<1x!tpu.dma_semaphore, #tpu.memory_space<semaphore_mem>>
    %dma_wait3A_112 = tpu.memref_squeeze %dma_wait3A_111 : memref<1x!tpu.dma_semaphore, #tpu.memory_space<semaphore_mem>> -> memref<!tpu.dma_semaphore, #tpu.memory_space<semaphore_mem>>
    %dma_wait3A_113 = arith.constant 0 : i32
    %dma_wait3A_114 = arith.constant 0 : i32
    %dma_wait3A_115 = tpu.memref_slice %arg6[%dma_wait3A_103, %dma_wait3A_113, %dma_wait3A_114] : memref<3x16x1024xf32, #tpu.memory_space<vmem>> -> memref<1x16x1024xf32, #tpu.memory_space<vmem>>
    %dma_wait3A_116 = tpu.memref_squeeze %dma_wait3A_115 : memref<1x16x1024xf32, #tpu.memory_space<vmem>> -> memref<16x1024xf32, #tpu.memory_space<vmem>>
    %dma_wait3A_117 = arith.constant 0 : i32
    %dma_wait3A_118 = tpu.memref_slice %arg2[%add3A_102, %dma_wait3A_117] : memref<8192x1024xf32, #tpu.memory_space<hbm>> -> memref<16x1024xf32, #tpu.memory_space<hbm>>
    tpu.wait_dma2 semaphore(%dma_wait3A_112 : memref<!tpu.dma_semaphore, #tpu.memory_space<semaphore_mem>>) src(%dma_wait3A_118 : memref<16x1024xf32, #tpu.memory_space<hbm>>) dst(%dma_wait3A_116 : memref<16x1024xf32, #tpu.memory_space<vmem>>)
    %parallel_loop3A_119 = arith.constant 0 : i32
    %parallel_loop3A_120 = arith.constant 1024 : i32
    %parallel_loop3A_121 = arith.constant 1 : i32
    scf.for %parallel_loop3A_1208 = %parallel_loop3A_119 to %parallel_loop3A_120 step %parallel_loop3A_121  : i32 {
      %parallel_loop3A_1209 = arith.constant 64 : i32
      %parallel_loop3A_1210 = arith.divsi %parallel_loop3A_1208, %parallel_loop3A_1209 : i32
      %parallel_loop3A_1211 = arith.constant 0 : i32
      %parallel_loop3A_1212 = arith.cmpi sgt, %parallel_loop3A_1208, %parallel_loop3A_1211 : i32
      %parallel_loop3A_1213 = arith.extui %parallel_loop3A_1212 : i1 to i32
      %parallel_loop3A_1214 = arith.constant 0 : i32
      %parallel_loop3A_1215 = arith.cmpi slt, %parallel_loop3A_1208, %parallel_loop3A_1214 : i32
      %parallel_loop3A_1216 = arith.extui %parallel_loop3A_1215 : i1 to i32
      %parallel_loop3A_1217 = arith.subi %parallel_loop3A_1213, %parallel_loop3A_1216 : i32
      %parallel_loop3A_1218 = arith.constant 0 : i32
      %parallel_loop3A_1219 = arith.cmpi sgt, %parallel_loop3A_1209, %parallel_loop3A_1218 : i32
      %parallel_loop3A_1220 = arith.extui %parallel_loop3A_1219 : i1 to i32
      %parallel_loop3A_1221 = arith.constant 0 : i32
      %parallel_loop3A_1222 = arith.cmpi slt, %parallel_loop3A_1209, %parallel_loop3A_1221 : i32
      %parallel_loop3A_1223 = arith.extui %parallel_loop3A_1222 : i1 to i32
      %parallel_loop3A_1224 = arith.subi %parallel_loop3A_1220, %parallel_loop3A_1223 : i32
      %parallel_loop3A_1225 = arith.cmpi ne, %parallel_loop3A_1217, %parallel_loop3A_1224 : i32
      %parallel_loop3A_1226 = arith.remsi %parallel_loop3A_1208, %parallel_loop3A_1209 : i32
      %parallel_loop3A_1227 = arith.constant 0 : i32
      %parallel_loop3A_1228 = arith.cmpi ne, %parallel_loop3A_1226, %parallel_loop3A_1227 : i32
      %parallel_loop3A_1229 = arith.andi %parallel_loop3A_1225, %parallel_loop3A_1228 : i1
      %parallel_loop3A_1230 = arith.constant 1 : i32
      %parallel_loop3A_1231 = arith.subi %parallel_loop3A_1210, %parallel_loop3A_1230 : i32
      %parallel_loop3A_1232 = arith.select %parallel_loop3A_1229, %parallel_loop3A_1231, %parallel_loop3A_1210 : i32
      %parallel_loop3A_1233 = arith.constant 64 : i32
      %parallel_loop3A_1234 = arith.constant 0 : i32
      %parallel_loop3A_1235 = arith.cmpi eq, %parallel_loop3A_1233, %parallel_loop3A_1234 : i32
      %parallel_loop3A_1236 = arith.constant 1 : i32
      %parallel_loop3A_1237 = arith.select %parallel_loop3A_1235, %parallel_loop3A_1236, %parallel_loop3A_1233 : i32
      %parallel_loop3A_1238 = arith.remsi %parallel_loop3A_1208, %parallel_loop3A_1237 : i32
      %parallel_loop3A_1239 = arith.constant 0 : i32
      %parallel_loop3A_1240 = arith.cmpi ne, %parallel_loop3A_1238, %parallel_loop3A_1239 : i32
      %parallel_loop3A_1241 = arith.constant 0 : i32
      %parallel_loop3A_1242 = arith.cmpi slt, %parallel_loop3A_1238, %parallel_loop3A_1241 : i32
      %parallel_loop3A_1243 = arith.constant 0 : i32
      %parallel_loop3A_1244 = arith.cmpi slt, %parallel_loop3A_1237, %parallel_loop3A_1243 : i32
      %parallel_loop3A_1245 = arith.xori %parallel_loop3A_1242, %parallel_loop3A_1244 : i1
      %parallel_loop3A_1246 = arith.andi %parallel_loop3A_1245, %parallel_loop3A_1240 : i1
      %parallel_loop3A_1247 = arith.addi %parallel_loop3A_1238, %parallel_loop3A_1237 : i32
      %parallel_loop3A_1248 = arith.select %parallel_loop3A_1246, %parallel_loop3A_1247, %parallel_loop3A_1238 : i32
      %parallel_loop3A_1249 = arith.constant 16 : i32
      %parallel_loop3A_1250 = arith.muli %parallel_loop3A_1248, %parallel_loop3A_1249 : i32
      %parallel_loop3A_1251 = arith.constant 16 : i32
      %parallel_loop3A_1252 = arith.addi %parallel_loop3A_1251, %parallel_loop3A_1232 : i32
      %parallel_loop3A_1253 = arith.index_cast %parallel_loop3A_1252 : i32 to index
      %parallel_loop3A_1254 = arith.index_cast %parallel_loop3A_1250 : i32 to index
      %parallel_loop3A_1255 = tpu.vector_load %arg5[%parallel_loop3A_1253, %parallel_loop3A_1254] {strides = array<i32>} : memref<64x1024xf32, #tpu.memory_space<vmem>>, vector<1x16xf32>,
      %parallel_loop3A_1256 = vector.shape_cast %parallel_loop3A_1255 : vector<1x16xf32> to vector<16xf32>
      %parallel_loop3A_1257 = arith.constant 1 : i32
      %parallel_loop3A_1258 = arith.index_cast %parallel_loop3A_1257 : i32 to index
      %parallel_loop3A_1259 = arith.index_cast %parallel_loop3A_1232 : i32 to index
      %parallel_loop3A_1260 = arith.index_cast %parallel_loop3A_1250 : i32 to index
      %parallel_loop3A_1261 = tpu.vector_load %arg6[%parallel_loop3A_1258, %parallel_loop3A_1259, %parallel_loop3A_1260] {strides = array<i32>} : memref<3x16x1024xf32, #tpu.memory_space<vmem>>, vector<1x1x16xf32>,
      %parallel_loop3A_1262 = vector.shape_cast %parallel_loop3A_1261 : vector<1x1x16xf32> to vector<16xf32>
      %parallel_loop3A_1263 = vector.shape_cast %parallel_loop3A_1256 : vector<16xf32> to vector<1x1x16xf32>
      tpu.vector_store %arg6[%parallel_loop3A_1258, %parallel_loop3A_1259, %parallel_loop3A_1260], %parallel_loop3A_1263 {add = true, strides = array<i32>} : memref<3x16x1024xf32, #tpu.memory_space<vmem>>, vector<1x1x16xf32>,
    } {sc.loop_unroll_factor = 8 : i64, sc.parallel_access}
    %add3A_122 = arith.constant 16 : i32
    %add3A_123 = arith.addi %add3A_122, %mul3A_2 : i32
    %dma_start3A_124 = arith.constant 1 : i32
    %dma_start3A_125 = arith.constant 1 : i32
    %dma_start3A_126 = arith.constant 0 : i32
    %dma_start3A_127 = arith.constant 0 : i32
    %dma_start3A_128 = tpu.memref_slice %arg6[%dma_start3A_124, %dma_start3A_126, %dma_start3A_127] : memref<3x16x1024xf32, #tpu.memory_space<vmem>> -> memref<1x16x1024xf32, #tpu.memory_space<vmem>>
    %dma_start3A_129 = tpu.memref_squeeze %dma_start3A_128 : memref<1x16x1024xf32, #tpu.memory_space<vmem>> -> memref<16x1024xf32, #tpu.memory_space<vmem>>
    %dma_start3A_130 = arith.constant 0 : i32
    %dma_start3A_131 = tpu.memref_slice %arg4[%add3A_123, %dma_start3A_130] : memref<8192x1024xf32, #tpu.memory_space<hbm>> -> memref<16x1024xf32, #tpu.memory_space<hbm>>
    %dma_start3A_132 = tpu.memref_slice %arg9[%dma_start3A_125] : memref<3x!tpu.dma_semaphore, #tpu.memory_space<semaphore_mem>> -> memref<1x!tpu.dma_semaphore, #tpu.memory_space<semaphore_mem>>
    %dma_start3A_133 = tpu.memref_squeeze %dma_start3A_132 : memref<1x!tpu.dma_semaphore, #tpu.memory_space<semaphore_mem>> -> memref<!tpu.dma_semaphore, #tpu.memory_space<semaphore_mem>>
    %dma_start3A_134 = arith.constant 0 : i32
    %dma_start3A_135 = tpu.memref_slice %arg4[%add3A_123, %dma_start3A_134] : memref<8192x1024xf32, #tpu.memory_space<hbm>> -> memref<16x1024xf32, #tpu.memory_space<hbm>>
    %dma_start3A_136 = arith.constant 0 : i32
    %dma_start3A_137 = arith.constant 0 : i32
    %dma_start3A_138 = tpu.memref_slice %arg6[%dma_start3A_124, %dma_start3A_136, %dma_start3A_137] : memref<3x16x1024xf32, #tpu.memory_space<vmem>> -> memref<1x16x1024xf32, #tpu.memory_space<vmem>>
    %dma_start3A_139 = tpu.memref_squeeze %dma_start3A_138 : memref<1x16x1024xf32, #tpu.memory_space<vmem>> -> memref<16x1024xf32, #tpu.memory_space<vmem>>
    tpu.enqueue_dma source(%dma_start3A_139 : memref<16x1024xf32, #tpu.memory_space<vmem>>) target(%dma_start3A_135 : memref<16x1024xf32, #tpu.memory_space<hbm>>) target_semaphore(%dma_start3A_133 : memref<!tpu.dma_semaphore, #tpu.memory_space<semaphore_mem>>)
    %add3A_140 = arith.constant 0 : i32
    %add3A_141 = arith.addi %add3A_140, %mul3A_2 : i32
    %dma_wait3A_142 = arith.constant 0 : i32
    %dma_wait3A_143 = arith.constant 0 : i32
    %dma_wait3A_144 = arith.constant 0 : i32
    %dma_wait3A_145 = arith.constant 0 : i32
    %dma_wait3A_146 = tpu.memref_slice %arg6[%dma_wait3A_142, %dma_wait3A_144, %dma_wait3A_145] : memref<3x16x1024xf32, #tpu.memory_space<vmem>> -> memref<1x16x1024xf32, #tpu.memory_space<vmem>>
    %dma_wait3A_147 = tpu.memref_squeeze %dma_wait3A_146 : memref<1x16x1024xf32, #tpu.memory_space<vmem>> -> memref<16x1024xf32, #tpu.memory_space<vmem>>
    %dma_wait3A_148 = arith.constant 0 : i32
    %dma_wait3A_149 = tpu.memref_slice %arg4[%add3A_141, %dma_wait3A_148] : memref<8192x1024xf32, #tpu.memory_space<hbm>> -> memref<16x1024xf32, #tpu.memory_space<hbm>>
    %dma_wait3A_150 = tpu.memref_slice %arg9[%dma_wait3A_143] : memref<3x!tpu.dma_semaphore, #tpu.memory_space<semaphore_mem>> -> memref<1x!tpu.dma_semaphore, #tpu.memory_space<semaphore_mem>>
    %dma_wait3A_151 = tpu.memref_squeeze %dma_wait3A_150 : memref<1x!tpu.dma_semaphore, #tpu.memory_space<semaphore_mem>> -> memref<!tpu.dma_semaphore, #tpu.memory_space<semaphore_mem>>
    %dma_wait3A_152 = arith.constant 0 : i32
    %dma_wait3A_153 = tpu.memref_slice %arg4[%add3A_141, %dma_wait3A_152] : memref<8192x1024xf32, #tpu.memory_space<hbm>> -> memref<16x1024xf32, #tpu.memory_space<hbm>>
    %dma_wait3A_154 = arith.constant 0 : i32
    %dma_wait3A_155 = arith.constant 0 : i32
    %dma_wait3A_156 = tpu.memref_slice %arg6[%dma_wait3A_142, %dma_wait3A_154, %dma_wait3A_155] : memref<3x16x1024xf32, #tpu.memory_space<vmem>> -> memref<1x16x1024xf32, #tpu.memory_space<vmem>>
    %dma_wait3A_157 = tpu.memref_squeeze %dma_wait3A_156 : memref<1x16x1024xf32, #tpu.memory_space<vmem>> -> memref<16x1024xf32, #tpu.memory_space<vmem>>
    tpu.wait_dma2 semaphore(%dma_wait3A_151 : memref<!tpu.dma_semaphore, #tpu.memory_space<semaphore_mem>>) src(%dma_wait3A_157 : memref<16x1024xf32, #tpu.memory_space<vmem>>) dst(%dma_wait3A_153 : memref<16x1024xf32, #tpu.memory_space<hbm>>)
    %add3A_158 = arith.constant 48 : i32
    %add3A_159 = arith.addi %add3A_158, %mul3A_2 : i32
    %dma_start3A_160 = arith.constant 0 : i32
    %dma_start3A_161 = arith.constant 0 : i32
    %dma_start3A_162 = arith.constant 0 : i32
    %dma_start3A_163 = arith.constant 0 : i32
    %dma_start3A_164 = tpu.memref_slice %arg6[%dma_start3A_160, %dma_start3A_162, %dma_start3A_163] : memref<3x16x1024xf32, #tpu.memory_space<vmem>> -> memref<1x16x1024xf32, #tpu.memory_space<vmem>>
    %dma_start3A_165 = tpu.memref_squeeze %dma_start3A_164 : memref<1x16x1024xf32, #tpu.memory_space<vmem>> -> memref<16x1024xf32, #tpu.memory_space<vmem>>
    %dma_start3A_166 = arith.constant 0 : i32
    %dma_start3A_167 = tpu.memref_slice %arg2[%add3A_159, %dma_start3A_166] : memref<8192x1024xf32, #tpu.memory_space<hbm>> -> memref<16x1024xf32, #tpu.memory_space<hbm>>
    %dma_start3A_168 = tpu.memref_slice %arg8[%dma_start3A_161] : memref<3x!tpu.dma_semaphore, #tpu.memory_space<semaphore_mem>> -> memref<1x!tpu.dma_semaphore, #tpu.memory_space<semaphore_mem>>
    %dma_start3A_169 = tpu.memref_squeeze %dma_start3A_168 : memref<1x!tpu.dma_semaphore, #tpu.memory_space<semaphore_mem>> -> memref<!tpu.dma_semaphore, #tpu.memory_space<semaphore_mem>>
    %dma_start3A_170 = arith.constant 0 : i32
    %dma_start3A_171 = arith.constant 0 : i32
    %dma_start3A_172 = tpu.memref_slice %arg6[%dma_start3A_160, %dma_start3A_170, %dma_start3A_171] : memref<3x16x1024xf32, #tpu.memory_space<vmem>> -> memref<1x16x1024xf32, #tpu.memory_space<vmem>>
    %dma_start3A_173 = tpu.memref_squeeze %dma_start3A_172 : memref<1x16x1024xf32, #tpu.memory_space<vmem>> -> memref<16x1024xf32, #tpu.memory_space<vmem>>
    %dma_start3A_174 = arith.constant 0 : i32
    %dma_start3A_175 = tpu.memref_slice %arg2[%add3A_159, %dma_start3A_174] : memref<8192x1024xf32, #tpu.memory_space<hbm>> -> memref<16x1024xf32, #tpu.memory_space<hbm>>
    tpu.enqueue_dma source(%dma_start3A_175 : memref<16x1024xf32, #tpu.memory_space<hbm>>) target(%dma_start3A_173 : memref<16x1024xf32, #tpu.memory_space<vmem>>) target_semaphore(%dma_start3A_169 : memref<!tpu.dma_semaphore, #tpu.memory_space<semaphore_mem>>)
    %add3A_176 = arith.constant 32 : i32
    %add3A_177 = arith.addi %add3A_176, %mul3A_2 : i32
    %dma_wait3A_178 = arith.constant 2 : i32
    %dma_wait3A_179 = arith.constant 2 : i32
    %dma_wait3A_180 = arith.constant 0 : i32
    %dma_wait3A_181 = arith.constant 0 : i32
    %dma_wait3A_182 = tpu.memref_slice %arg6[%dma_wait3A_178, %dma_wait3A_180, %dma_wait3A_181] : memref<3x16x1024xf32, #tpu.memory_space<vmem>> -> memref<1x16x1024xf32, #tpu.memory_space<vmem>>
    %dma_wait3A_183 = tpu.memref_squeeze %dma_wait3A_182 : memref<1x16x1024xf32, #tpu.memory_space<vmem>> -> memref<16x1024xf32, #tpu.memory_space<vmem>>
    %dma_wait3A_184 = arith.constant 0 : i32
    %dma_wait3A_185 = tpu.memref_slice %arg2[%add3A_177, %dma_wait3A_184] : memref<8192x1024xf32, #tpu.memory_space<hbm>> -> memref<16x1024xf32, #tpu.memory_space<hbm>>
    %dma_wait3A_186 = tpu.memref_slice %arg8[%dma_wait3A_179] : memref<3x!tpu.dma_semaphore, #tpu.memory_space<semaphore_mem>> -> memref<1x!tpu.dma_semaphore, #tpu.memory_space<semaphore_mem>>
    %dma_wait3A_187 = tpu.memref_squeeze %dma_wait3A_186 : memref<1x!tpu.dma_semaphore, #tpu.memory_space<semaphore_mem>> -> memref<!tpu.dma_semaphore, #tpu.memory_space<semaphore_mem>>
    %dma_wait3A_188 = arith.constant 0 : i32
    %dma_wait3A_189 = arith.constant 0 : i32
    %dma_wait3A_190 = tpu.memref_slice %arg6[%dma_wait3A_178, %dma_wait3A_188, %dma_wait3A_189] : memref<3x16x1024xf32, #tpu.memory_space<vmem>> -> memref<1x16x1024xf32, #tpu.memory_space<vmem>>
    %dma_wait3A_191 = tpu.memref_squeeze %dma_wait3A_190 : memref<1x16x1024xf32, #tpu.memory_space<vmem>> -> memref<16x1024xf32, #tpu.memory_space<vmem>>
    %dma_wait3A_192 = arith.constant 0 : i32
    %dma_wait3A_193 = tpu.memref_slice %arg2[%add3A_177, %dma_wait3A_192] : memref<8192x1024xf32, #tpu.memory_space<hbm>> -> memref<16x1024xf32, #tpu.memory_space<hbm>>
    tpu.wait_dma2 semaphore(%dma_wait3A_187 : memref<!tpu.dma_semaphore, #tpu.memory_space<semaphore_mem>>) src(%dma_wait3A_193 : memref<16x1024xf32, #tpu.memory_space<hbm>>) dst(%dma_wait3A_191 : memref<16x1024xf32, #tpu.memory_space<vmem>>)
    %parallel_loop3A_194 = arith.constant 0 : i32
    %parallel_loop3A_195 = arith.constant 1024 : i32
    %parallel_loop3A_196 = arith.constant 1 : i32
    scf.for %parallel_loop3A_1208 = %parallel_loop3A_194 to %parallel_loop3A_195 step %parallel_loop3A_196  : i32 {
      %parallel_loop3A_1209 = arith.constant 64 : i32
      %parallel_loop3A_1210 = arith.divsi %parallel_loop3A_1208, %parallel_loop3A_1209 : i32
      %parallel_loop3A_1211 = arith.constant 0 : i32
      %parallel_loop3A_1212 = arith.cmpi sgt, %parallel_loop3A_1208, %parallel_loop3A_1211 : i32
      %parallel_loop3A_1213 = arith.extui %parallel_loop3A_1212 : i1 to i32
      %parallel_loop3A_1214 = arith.constant 0 : i32
      %parallel_loop3A_1215 = arith.cmpi slt, %parallel_loop3A_1208, %parallel_loop3A_1214 : i32
      %parallel_loop3A_1216 = arith.extui %parallel_loop3A_1215 : i1 to i32
      %parallel_loop3A_1217 = arith.subi %parallel_loop3A_1213, %parallel_loop3A_1216 : i32
      %parallel_loop3A_1218 = arith.constant 0 : i32
      %parallel_loop3A_1219 = arith.cmpi sgt, %parallel_loop3A_1209, %parallel_loop3A_1218 : i32
      %parallel_loop3A_1220 = arith.extui %parallel_loop3A_1219 : i1 to i32
      %parallel_loop3A_1221 = arith.constant 0 : i32
      %parallel_loop3A_1222 = arith.cmpi slt, %parallel_loop3A_1209, %parallel_loop3A_1221 : i32
      %parallel_loop3A_1223 = arith.extui %parallel_loop3A_1222 : i1 to i32
      %parallel_loop3A_1224 = arith.subi %parallel_loop3A_1220, %parallel_loop3A_1223 : i32
      %parallel_loop3A_1225 = arith.cmpi ne, %parallel_loop3A_1217, %parallel_loop3A_1224 : i32
      %parallel_loop3A_1226 = arith.remsi %parallel_loop3A_1208, %parallel_loop3A_1209 : i32
      %parallel_loop3A_1227 = arith.constant 0 : i32
      %parallel_loop3A_1228 = arith.cmpi ne, %parallel_loop3A_1226, %parallel_loop3A_1227 : i32
      %parallel_loop3A_1229 = arith.andi %parallel_loop3A_1225, %parallel_loop3A_1228 : i1
      %parallel_loop3A_1230 = arith.constant 1 : i32
      %parallel_loop3A_1231 = arith.subi %parallel_loop3A_1210, %parallel_loop3A_1230 : i32
      %parallel_loop3A_1232 = arith.select %parallel_loop3A_1229, %parallel_loop3A_1231, %parallel_loop3A_1210 : i32
      %parallel_loop3A_1233 = arith.constant 64 : i32
      %parallel_loop3A_1234 = arith.constant 0 : i32
      %parallel_loop3A_1235 = arith.cmpi eq, %parallel_loop3A_1233, %parallel_loop3A_1234 : i32
      %parallel_loop3A_1236 = arith.constant 1 : i32
      %parallel_loop3A_1237 = arith.select %parallel_loop3A_1235, %parallel_loop3A_1236, %parallel_loop3A_1233 : i32
      %parallel_loop3A_1238 = arith.remsi %parallel_loop3A_1208, %parallel_loop3A_1237 : i32
      %parallel_loop3A_1239 = arith.constant 0 : i32
      %parallel_loop3A_1240 = arith.cmpi ne, %parallel_loop3A_1238, %parallel_loop3A_1239 : i32
      %parallel_loop3A_1241 = arith.constant 0 : i32
      %parallel_loop3A_1242 = arith.cmpi slt, %parallel_loop3A_1238, %parallel_loop3A_1241 : i32
      %parallel_loop3A_1243 = arith.constant 0 : i32
      %parallel_loop3A_1244 = arith.cmpi slt, %parallel_loop3A_1237, %parallel_loop3A_1243 : i32
      %parallel_loop3A_1245 = arith.xori %parallel_loop3A_1242, %parallel_loop3A_1244 : i1
      %parallel_loop3A_1246 = arith.andi %parallel_loop3A_1245, %parallel_loop3A_1240 : i1
      %parallel_loop3A_1247 = arith.addi %parallel_loop3A_1238, %parallel_loop3A_1237 : i32
      %parallel_loop3A_1248 = arith.select %parallel_loop3A_1246, %parallel_loop3A_1247, %parallel_loop3A_1238 : i32
      %parallel_loop3A_1249 = arith.constant 16 : i32
      %parallel_loop3A_1250 = arith.muli %parallel_loop3A_1248, %parallel_loop3A_1249 : i32
      %parallel_loop3A_1251 = arith.constant 32 : i32
      %parallel_loop3A_1252 = arith.addi %parallel_loop3A_1251, %parallel_loop3A_1232 : i32
      %parallel_loop3A_1253 = arith.index_cast %parallel_loop3A_1252 : i32 to index
      %parallel_loop3A_1254 = arith.index_cast %parallel_loop3A_1250 : i32 to index
      %parallel_loop3A_1255 = tpu.vector_load %arg5[%parallel_loop3A_1253, %parallel_loop3A_1254] {strides = array<i32>} : memref<64x1024xf32, #tpu.memory_space<vmem>>, vector<1x16xf32>,
      %parallel_loop3A_1256 = vector.shape_cast %parallel_loop3A_1255 : vector<1x16xf32> to vector<16xf32>
      %parallel_loop3A_1257 = arith.constant 2 : i32
      %parallel_loop3A_1258 = arith.index_cast %parallel_loop3A_1257 : i32 to index
      %parallel_loop3A_1259 = arith.index_cast %parallel_loop3A_1232 : i32 to index
      %parallel_loop3A_1260 = arith.index_cast %parallel_loop3A_1250 : i32 to index
      %parallel_loop3A_1261 = tpu.vector_load %arg6[%parallel_loop3A_1258, %parallel_loop3A_1259, %parallel_loop3A_1260] {strides = array<i32>} : memref<3x16x1024xf32, #tpu.memory_space<vmem>>, vector<1x1x16xf32>,
      %parallel_loop3A_1262 = vector.shape_cast %parallel_loop3A_1261 : vector<1x1x16xf32> to vector<16xf32>
      %parallel_loop3A_1263 = vector.shape_cast %parallel_loop3A_1256 : vector<16xf32> to vector<1x1x16xf32>
      tpu.vector_store %arg6[%parallel_loop3A_1258, %parallel_loop3A_1259, %parallel_loop3A_1260], %parallel_loop3A_1263 {add = true, strides = array<i32>} : memref<3x16x1024xf32, #tpu.memory_space<vmem>>, vector<1x1x16xf32>,
    } {sc.loop_unroll_factor = 8 : i64, sc.parallel_access}
    %add3A_197 = arith.constant 32 : i32
    %add3A_198 = arith.addi %add3A_197, %mul3A_2 : i32
    %dma_start3A_199 = arith.constant 2 : i32
    %dma_start3A_200 = arith.constant 2 : i32
    %dma_start3A_201 = arith.constant 0 : i32
    %dma_start3A_202 = arith.constant 0 : i32
    %dma_start3A_203 = tpu.memref_slice %arg6[%dma_start3A_199, %dma_start3A_201, %dma_start3A_202] : memref<3x16x1024xf32, #tpu.memory_space<vmem>> -> memref<1x16x1024xf32, #tpu.memory_space<vmem>>
    %dma_start3A_204 = tpu.memref_squeeze %dma_start3A_203 : memref<1x16x1024xf32, #tpu.memory_space<vmem>> -> memref<16x1024xf32, #tpu.memory_space<vmem>>
    %dma_start3A_205 = arith.constant 0 : i32
    %dma_start3A_206 = tpu.memref_slice %arg4[%add3A_198, %dma_start3A_205] : memref<8192x1024xf32, #tpu.memory_space<hbm>> -> memref<16x1024xf32, #tpu.memory_space<hbm>>
    %dma_start3A_207 = tpu.memref_slice %arg9[%dma_start3A_200] : memref<3x!tpu.dma_semaphore, #tpu.memory_space<semaphore_mem>> -> memref<1x!tpu.dma_semaphore, #tpu.memory_space<semaphore_mem>>
    %dma_start3A_208 = tpu.memref_squeeze %dma_start3A_207 : memref<1x!tpu.dma_semaphore, #tpu.memory_space<semaphore_mem>> -> memref<!tpu.dma_semaphore, #tpu.memory_space<semaphore_mem>>
    %dma_start3A_209 = arith.constant 0 : i32
    %dma_start3A_210 = tpu.memref_slice %arg4[%add3A_198, %dma_start3A_209] : memref<8192x1024xf32, #tpu.memory_space<hbm>> -> memref<16x1024xf32, #tpu.memory_space<hbm>>
    %dma_start3A_211 = arith.constant 0 : i32
    %dma_start3A_212 = arith.constant 0 : i32
    %dma_start3A_213 = tpu.memref_slice %arg6[%dma_start3A_199, %dma_start3A_211, %dma_start3A_212] : memref<3x16x1024xf32, #tpu.memory_space<vmem>> -> memref<1x16x1024xf32, #tpu.memory_space<vmem>>
    %dma_start3A_214 = tpu.memref_squeeze %dma_start3A_213 : memref<1x16x1024xf32, #tpu.memory_space<vmem>> -> memref<16x1024xf32, #tpu.memory_space<vmem>>
    tpu.enqueue_dma source(%dma_start3A_214 : memref<16x1024xf32, #tpu.memory_space<vmem>>) target(%dma_start3A_210 : memref<16x1024xf32, #tpu.memory_space<hbm>>) target_semaphore(%dma_start3A_208 : memref<!tpu.dma_semaphore, #tpu.memory_space<semaphore_mem>>)
    %add3A_215 = arith.constant 16 : i32
    %add3A_216 = arith.addi %add3A_215, %mul3A_2 : i32
    %dma_wait3A_217 = arith.constant 1 : i32
    %dma_wait3A_218 = arith.constant 1 : i32
    %dma_wait3A_219 = arith.constant 0 : i32
    %dma_wait3A_220 = arith.constant 0 : i32
    %dma_wait3A_221 = tpu.memref_slice %arg6[%dma_wait3A_217, %dma_wait3A_219, %dma_wait3A_220] : memref<3x16x1024xf32, #tpu.memory_space<vmem>> -> memref<1x16x1024xf32, #tpu.memory_space<vmem>>
    %dma_wait3A_222 = tpu.memref_squeeze %dma_wait3A_221 : memref<1x16x1024xf32, #tpu.memory_space<vmem>> -> memref<16x1024xf32, #tpu.memory_space<vmem>>
    %dma_wait3A_223 = arith.constant 0 : i32
    %dma_wait3A_224 = tpu.memref_slice %arg4[%add3A_216, %dma_wait3A_223] : memref<8192x1024xf32, #tpu.memory_space<hbm>> -> memref<16x1024xf32, #tpu.memory_space<hbm>>
    %dma_wait3A_225 = tpu.memref_slice %arg9[%dma_wait3A_218] : memref<3x!tpu.dma_semaphore, #tpu.memory_space<semaphore_mem>> -> memref<1x!tpu.dma_semaphore, #tpu.memory_space<semaphore_mem>>
    %dma_wait3A_226 = tpu.memref_squeeze %dma_wait3A_225 : memref<1x!tpu.dma_semaphore, #tpu.memory_space<semaphore_mem>> -> memref<!tpu.dma_semaphore, #tpu.memory_space<semaphore_mem>>
    %dma_wait3A_227 = arith.constant 0 : i32
    %dma_wait3A_228 = tpu.memref_slice %arg4[%add3A_216, %dma_wait3A_227] : memref<8192x1024xf32, #tpu.memory_space<hbm>> -> memref<16x1024xf32, #tpu.memory_space<hbm>>
    %dma_wait3A_229 = arith.constant 0 : i32
    %dma_wait3A_230 = arith.constant 0 : i32
    %dma_wait3A_231 = tpu.memref_slice %arg6[%dma_wait3A_217, %dma_wait3A_229, %dma_wait3A_230] : memref<3x16x1024xf32, #tpu.memory_space<vmem>> -> memref<1x16x1024xf32, #tpu.memory_space<vmem>>
    %dma_wait3A_232 = tpu.memref_squeeze %dma_wait3A_231 : memref<1x16x1024xf32, #tpu.memory_space<vmem>> -> memref<16x1024xf32, #tpu.memory_space<vmem>>
    tpu.wait_dma2 semaphore(%dma_wait3A_226 : memref<!tpu.dma_semaphore, #tpu.memory_space<semaphore_mem>>) src(%dma_wait3A_232 : memref<16x1024xf32, #tpu.memory_space<vmem>>) dst(%dma_wait3A_228 : memref<16x1024xf32, #tpu.memory_space<hbm>>)
    %add3A_233 = arith.constant 2048 : i32
    %add3A_234 = arith.addi %add3A_233, %mul3A_2 : i32
    %dma_start3A_235 = arith.constant 1 : i32
    %dma_start3A_236 = arith.constant 1 : i32
    %dma_start3A_237 = arith.constant 0 : i32
    %dma_start3A_238 = arith.constant 0 : i32
    %dma_start3A_239 = tpu.memref_slice %arg6[%dma_start3A_235, %dma_start3A_237, %dma_start3A_238] : memref<3x16x1024xf32, #tpu.memory_space<vmem>> -> memref<1x16x1024xf32, #tpu.memory_space<vmem>>
    %dma_start3A_240 = tpu.memref_squeeze %dma_start3A_239 : memref<1x16x1024xf32, #tpu.memory_space<vmem>> -> memref<16x1024xf32, #tpu.memory_space<vmem>>
    %dma_start3A_241 = arith.constant 0 : i32
    %dma_start3A_242 = tpu.memref_slice %arg2[%add3A_234, %dma_start3A_241] : memref<8192x1024xf32, #tpu.memory_space<hbm>> -> memref<16x1024xf32, #tpu.memory_space<hbm>>
    %dma_start3A_243 = tpu.memref_slice %arg8[%dma_start3A_236] : memref<3x!tpu.dma_semaphore, #tpu.memory_space<semaphore_mem>> -> memref<1x!tpu.dma_semaphore, #tpu.memory_space<semaphore_mem>>
    %dma_start3A_244 = tpu.memref_squeeze %dma_start3A_243 : memref<1x!tpu.dma_semaphore, #tpu.memory_space<semaphore_mem>> -> memref<!tpu.dma_semaphore, #tpu.memory_space<semaphore_mem>>
    %dma_start3A_245 = arith.constant 0 : i32
    %dma_start3A_246 = arith.constant 0 : i32
    %dma_start3A_247 = tpu.memref_slice %arg6[%dma_start3A_235, %dma_start3A_245, %dma_start3A_246] : memref<3x16x1024xf32, #tpu.memory_space<vmem>> -> memref<1x16x1024xf32, #tpu.memory_space<vmem>>
    %dma_start3A_248 = tpu.memref_squeeze %dma_start3A_247 : memref<1x16x1024xf32, #tpu.memory_space<vmem>> -> memref<16x1024xf32, #tpu.memory_space<vmem>>
    %dma_start3A_249 = arith.constant 0 : i32
    %dma_start3A_250 = tpu.memref_slice %arg2[%add3A_234, %dma_start3A_249] : memref<8192x1024xf32, #tpu.memory_space<hbm>> -> memref<16x1024xf32, #tpu.memory_space<hbm>>
    tpu.enqueue_dma source(%dma_start3A_250 : memref<16x1024xf32, #tpu.memory_space<hbm>>) target(%dma_start3A_248 : memref<16x1024xf32, #tpu.memory_space<vmem>>) target_semaphore(%dma_start3A_244 : memref<!tpu.dma_semaphore, #tpu.memory_space<semaphore_mem>>)
    %add3A_251 = arith.constant 48 : i32
    %add3A_252 = arith.addi %add3A_251, %mul3A_2 : i32
    %dma_wait3A_253 = arith.constant 0 : i32
    %dma_wait3A_254 = arith.constant 0 : i32
    %dma_wait3A_255 = arith.constant 0 : i32
    %dma_wait3A_256 = arith.constant 0 : i32
    %dma_wait3A_257 = tpu.memref_slice %arg6[%dma_wait3A_253, %dma_wait3A_255, %dma_wait3A_256] : memref<3x16x1024xf32, #tpu.memory_space<vmem>> -> memref<1x16x1024xf32, #tpu.memory_space<vmem>>
    %dma_wait3A_258 = tpu.memref_squeeze %dma_wait3A_257 : memref<1x16x1024xf32, #tpu.memory_space<vmem>> -> memref<16x1024xf32, #tpu.memory_space<vmem>>
    %dma_wait3A_259 = arith.constant 0 : i32
    %dma_wait3A_260 = tpu.memref_slice %arg2[%add3A_252, %dma_wait3A_259] : memref<8192x1024xf32, #tpu.memory_space<hbm>> -> memref<16x1024xf32, #tpu.memory_space<hbm>>
    %dma_wait3A_261 = tpu.memref_slice %arg8[%dma_wait3A_254] : memref<3x!tpu.dma_semaphore, #tpu.memory_space<semaphore_mem>> -> memref<1x!tpu.dma_semaphore, #tpu.memory_space<semaphore_mem>>
    %dma_wait3A_262 = tpu.memref_squeeze %dma_wait3A_261 : memref<1x!tpu.dma_semaphore, #tpu.memory_space<semaphore_mem>> -> memref<!tpu.dma_semaphore, #tpu.memory_space<semaphore_mem>>
    %dma_wait3A_263 = arith.constant 0 : i32
    %dma_wait3A_264 = arith.constant 0 : i32
    %dma_wait3A_265 = tpu.memref_slice %arg6[%dma_wait3A_253, %dma_wait3A_263, %dma_wait3A_264] : memref<3x16x1024xf32, #tpu.memory_space<vmem>> -> memref<1x16x1024xf32, #tpu.memory_space<vmem>>
    %dma_wait3A_266 = tpu.memref_squeeze %dma_wait3A_265 : memref<1x16x1024xf32, #tpu.memory_space<vmem>> -> memref<16x1024xf32, #tpu.memory_space<vmem>>
    %dma_wait3A_267 = arith.constant 0 : i32
    %dma_wait3A_268 = tpu.memref_slice %arg2[%add3A_252, %dma_wait3A_267] : memref<8192x1024xf32, #tpu.memory_space<hbm>> -> memref<16x1024xf32, #tpu.memory_space<hbm>>
    tpu.wait_dma2 semaphore(%dma_wait3A_262 : memref<!tpu.dma_semaphore, #tpu.memory_space<semaphore_mem>>) src(%dma_wait3A_268 : memref<16x1024xf32, #tpu.memory_space<hbm>>) dst(%dma_wait3A_266 : memref<16x1024xf32, #tpu.memory_space<vmem>>)
    %parallel_loop3A_269 = arith.constant 0 : i32
    %parallel_loop3A_270 = arith.constant 1024 : i32
    %parallel_loop3A_271 = arith.constant 1 : i32
    scf.for %parallel_loop3A_1208 = %parallel_loop3A_269 to %parallel_loop3A_270 step %parallel_loop3A_271  : i32 {
      %parallel_loop3A_1209 = arith.constant 64 : i32
      %parallel_loop3A_1210 = arith.divsi %parallel_loop3A_1208, %parallel_loop3A_1209 : i32
      %parallel_loop3A_1211 = arith.constant 0 : i32
      %parallel_loop3A_1212 = arith.cmpi sgt, %parallel_loop3A_1208, %parallel_loop3A_1211 : i32
      %parallel_loop3A_1213 = arith.extui %parallel_loop3A_1212 : i1 to i32
      %parallel_loop3A_1214 = arith.constant 0 : i32
      %parallel_loop3A_1215 = arith.cmpi slt, %parallel_loop3A_1208, %parallel_loop3A_1214 : i32
      %parallel_loop3A_1216 = arith.extui %parallel_loop3A_1215 : i1 to i32
      %parallel_loop3A_1217 = arith.subi %parallel_loop3A_1213, %parallel_loop3A_1216 : i32
      %parallel_loop3A_1218 = arith.constant 0 : i32
      %parallel_loop3A_1219 = arith.cmpi sgt, %parallel_loop3A_1209, %parallel_loop3A_1218 : i32
      %parallel_loop3A_1220 = arith.extui %parallel_loop3A_1219 : i1 to i32
      %parallel_loop3A_1221 = arith.constant 0 : i32
      %parallel_loop3A_1222 = arith.cmpi slt, %parallel_loop3A_1209, %parallel_loop3A_1221 : i32
      %parallel_loop3A_1223 = arith.extui %parallel_loop3A_1222 : i1 to i32
      %parallel_loop3A_1224 = arith.subi %parallel_loop3A_1220, %parallel_loop3A_1223 : i32
      %parallel_loop3A_1225 = arith.cmpi ne, %parallel_loop3A_1217, %parallel_loop3A_1224 : i32
      %parallel_loop3A_1226 = arith.remsi %parallel_loop3A_1208, %parallel_loop3A_1209 : i32
      %parallel_loop3A_1227 = arith.constant 0 : i32
      %parallel_loop3A_1228 = arith.cmpi ne, %parallel_loop3A_1226, %parallel_loop3A_1227 : i32
      %parallel_loop3A_1229 = arith.andi %parallel_loop3A_1225, %parallel_loop3A_1228 : i1
      %parallel_loop3A_1230 = arith.constant 1 : i32
      %parallel_loop3A_1231 = arith.subi %parallel_loop3A_1210, %parallel_loop3A_1230 : i32
      %parallel_loop3A_1232 = arith.select %parallel_loop3A_1229, %parallel_loop3A_1231, %parallel_loop3A_1210 : i32
      %parallel_loop3A_1233 = arith.constant 64 : i32
      %parallel_loop3A_1234 = arith.constant 0 : i32
      %parallel_loop3A_1235 = arith.cmpi eq, %parallel_loop3A_1233, %parallel_loop3A_1234 : i32
      %parallel_loop3A_1236 = arith.constant 1 : i32
      %parallel_loop3A_1237 = arith.select %parallel_loop3A_1235, %parallel_loop3A_1236, %parallel_loop3A_1233 : i32
      %parallel_loop3A_1238 = arith.remsi %parallel_loop3A_1208, %parallel_loop3A_1237 : i32
      %parallel_loop3A_1239 = arith.constant 0 : i32
      %parallel_loop3A_1240 = arith.cmpi ne, %parallel_loop3A_1238, %parallel_loop3A_1239 : i32
      %parallel_loop3A_1241 = arith.constant 0 : i32
      %parallel_loop3A_1242 = arith.cmpi slt, %parallel_loop3A_1238, %parallel_loop3A_1241 : i32
      %parallel_loop3A_1243 = arith.constant 0 : i32
      %parallel_loop3A_1244 = arith.cmpi slt, %parallel_loop3A_1237, %parallel_loop3A_1243 : i32
      %parallel_loop3A_1245 = arith.xori %parallel_loop3A_1242, %parallel_loop3A_1244 : i1
      %parallel_loop3A_1246 = arith.andi %parallel_loop3A_1245, %parallel_loop3A_1240 : i1
      %parallel_loop3A_1247 = arith.addi %parallel_loop3A_1238, %parallel_loop3A_1237 : i32
      %parallel_loop3A_1248 = arith.select %parallel_loop3A_1246, %parallel_loop3A_1247, %parallel_loop3A_1238 : i32
      %parallel_loop3A_1249 = arith.constant 16 : i32
      %parallel_loop3A_1250 = arith.muli %parallel_loop3A_1248, %parallel_loop3A_1249 : i32
      %parallel_loop3A_1251 = arith.constant 48 : i32
      %parallel_loop3A_1252 = arith.addi %parallel_loop3A_1251, %parallel_loop3A_1232 : i32
      %parallel_loop3A_1253 = arith.index_cast %parallel_loop3A_1252 : i32 to index
      %parallel_loop3A_1254 = arith.index_cast %parallel_loop3A_1250 : i32 to index
      %parallel_loop3A_1255 = tpu.vector_load %arg5[%parallel_loop3A_1253, %parallel_loop3A_1254] {strides = array<i32>} : memref<64x1024xf32, #tpu.memory_space<vmem>>, vector<1x16xf32>,
      %parallel_loop3A_1256 = vector.shape_cast %parallel_loop3A_1255 : vector<1x16xf32> to vector<16xf32>
      %parallel_loop3A_1257 = arith.constant 0 : i32
      %parallel_loop3A_1258 = arith.index_cast %parallel_loop3A_1257 : i32 to index
      %parallel_loop3A_1259 = arith.index_cast %parallel_loop3A_1232 : i32 to index
      %parallel_loop3A_1260 = arith.index_cast %parallel_loop3A_1250 : i32 to index
      %parallel_loop3A_1261 = tpu.vector_load %arg6[%parallel_loop3A_1258, %parallel_loop3A_1259, %parallel_loop3A_1260] {strides = array<i32>} : memref<3x16x1024xf32, #tpu.memory_space<vmem>>, vector<1x1x16xf32>,
      %parallel_loop3A_1262 = vector.shape_cast %parallel_loop3A_1261 : vector<1x1x16xf32> to vector<16xf32>
      %parallel_loop3A_1263 = vector.shape_cast %parallel_loop3A_1256 : vector<16xf32> to vector<1x1x16xf32>
      tpu.vector_store %arg6[%parallel_loop3A_1258, %parallel_loop3A_1259, %parallel_loop3A_1260], %parallel_loop3A_1263 {add = true, strides = array<i32>} : memref<3x16x1024xf32, #tpu.memory_space<vmem>>, vector<1x1x16xf32>,
    } {sc.loop_unroll_factor = 8 : i64, sc.parallel_access}
    %add3A_272 = arith.constant 48 : i32
    %add3A_273 = arith.addi %add3A_272, %mul3A_2 : i32
    %dma_start3A_274 = arith.constant 0 : i32
    %dma_start3A_275 = arith.constant 0 : i32
    %dma_start3A_276 = arith.constant 0 : i32
    %dma_start3A_277 = arith.constant 0 : i32
    %dma_start3A_278 = tpu.memref_slice %arg6[%dma_start3A_274, %dma_start3A_276, %dma_start3A_277] : memref<3x16x1024xf32, #tpu.memory_space<vmem>> -> memref<1x16x1024xf32, #tpu.memory_space<vmem>>
    %dma_start3A_279 = tpu.memref_squeeze %dma_start3A_278 : memref<1x16x1024xf32, #tpu.memory_space<vmem>> -> memref<16x1024xf32, #tpu.memory_space<vmem>>
    %dma_start3A_280 = arith.constant 0 : i32
    %dma_start3A_281 = tpu.memref_slice %arg4[%add3A_273, %dma_start3A_280] : memref<8192x1024xf32, #tpu.memory_space<hbm>> -> memref<16x1024xf32, #tpu.memory_space<hbm>>
    %dma_start3A_282 = tpu.memref_slice %arg9[%dma_start3A_275] : memref<3x!tpu.dma_semaphore, #tpu.memory_space<semaphore_mem>> -> memref<1x!tpu.dma_semaphore, #tpu.memory_space<semaphore_mem>>
    %dma_start3A_283 = tpu.memref_squeeze %dma_start3A_282 : memref<1x!tpu.dma_semaphore, #tpu.memory_space<semaphore_mem>> -> memref<!tpu.dma_semaphore, #tpu.memory_space<semaphore_mem>>
    %dma_start3A_284 = arith.constant 0 : i32
    %dma_start3A_285 = tpu.memref_slice %arg4[%add3A_273, %dma_start3A_284] : memref<8192x1024xf32, #tpu.memory_space<hbm>> -> memref<16x1024xf32, #tpu.memory_space<hbm>>
    %dma_start3A_286 = arith.constant 0 : i32
    %dma_start3A_287 = arith.constant 0 : i32
    %dma_start3A_288 = tpu.memref_slice %arg6[%dma_start3A_274, %dma_start3A_286, %dma_start3A_287] : memref<3x16x1024xf32, #tpu.memory_space<vmem>> -> memref<1x16x1024xf32, #tpu.memory_space<vmem>>
    %dma_start3A_289 = tpu.memref_squeeze %dma_start3A_288 : memref<1x16x1024xf32, #tpu.memory_space<vmem>> -> memref<16x1024xf32, #tpu.memory_space<vmem>>
    tpu.enqueue_dma source(%dma_start3A_289 : memref<16x1024xf32, #tpu.memory_space<vmem>>) target(%dma_start3A_285 : memref<16x1024xf32, #tpu.memory_space<hbm>>) target_semaphore(%dma_start3A_283 : memref<!tpu.dma_semaphore, #tpu.memory_space<semaphore_mem>>)
    %add3A_290 = arith.constant 32 : i32
    %add3A_291 = arith.addi %add3A_290, %mul3A_2 : i32
    %dma_wait3A_292 = arith.constant 2 : i32
    %dma_wait3A_293 = arith.constant 2 : i32
    %dma_wait3A_294 = arith.constant 0 : i32
    %dma_wait3A_295 = arith.constant 0 : i32
    %dma_wait3A_296 = tpu.memref_slice %arg6[%dma_wait3A_292, %dma_wait3A_294, %dma_wait3A_295] : memref<3x16x1024xf32, #tpu.memory_space<vmem>> -> memref<1x16x1024xf32, #tpu.memory_space<vmem>>
    %dma_wait3A_297 = tpu.memref_squeeze %dma_wait3A_296 : memref<1x16x1024xf32, #tpu.memory_space<vmem>> -> memref<16x1024xf32, #tpu.memory_space<vmem>>
    %dma_wait3A_298 = arith.constant 0 : i32
    %dma_wait3A_299 = tpu.memref_slice %arg4[%add3A_291, %dma_wait3A_298] : memref<8192x1024xf32, #tpu.memory_space<hbm>> -> memref<16x1024xf32, #tpu.memory_space<hbm>>
    %dma_wait3A_300 = tpu.memref_slice %arg9[%dma_wait3A_293] : memref<3x!tpu.dma_semaphore, #tpu.memory_space<semaphore_mem>> -> memref<1x!tpu.dma_semaphore, #tpu.memory_space<semaphore_mem>>
    %dma_wait3A_301 = tpu.memref_squeeze %dma_wait3A_300 : memref<1x!tpu.dma_semaphore, #tpu.memory_space<semaphore_mem>> -> memref<!tpu.dma_semaphore, #tpu.memory_space<semaphore_mem>>
    %dma_wait3A_302 = arith.constant 0 : i32
    %dma_wait3A_303 = tpu.memref_slice %arg4[%add3A_291, %dma_wait3A_302] : memref<8192x1024xf32, #tpu.memory_space<hbm>> -> memref<16x1024xf32, #tpu.memory_space<hbm>>
    %dma_wait3A_304 = arith.constant 0 : i32
    %dma_wait3A_305 = arith.constant 0 : i32
    %dma_wait3A_306 = tpu.memref_slice %arg6[%dma_wait3A_292, %dma_wait3A_304, %dma_wait3A_305] : memref<3x16x1024xf32, #tpu.memory_space<vmem>> -> memref<1x16x1024xf32, #tpu.memory_space<vmem>>
    %dma_wait3A_307 = tpu.memref_squeeze %dma_wait3A_306 : memref<1x16x1024xf32, #tpu.memory_space<vmem>> -> memref<16x1024xf32, #tpu.memory_space<vmem>>
    tpu.wait_dma2 semaphore(%dma_wait3A_301 : memref<!tpu.dma_semaphore, #tpu.memory_space<semaphore_mem>>) src(%dma_wait3A_307 : memref<16x1024xf32, #tpu.memory_space<vmem>>) dst(%dma_wait3A_303 : memref<16x1024xf32, #tpu.memory_space<hbm>>)
    %add3A_308 = arith.constant 2064 : i32
    %add3A_309 = arith.addi %add3A_308, %mul3A_2 : i32
    %dma_start3A_310 = arith.constant 2 : i32
    %dma_start3A_311 = arith.constant 2 : i32
    %dma_start3A_312 = arith.constant 0 : i32
    %dma_start3A_313 = arith.constant 0 : i32
    %dma_start3A_314 = tpu.memref_slice %arg6[%dma_start3A_310, %dma_start3A_312, %dma_start3A_313] : memref<3x16x1024xf32, #tpu.memory_space<vmem>> -> memref<1x16x1024xf32, #tpu.memory_space<vmem>>
    %dma_start3A_315 = tpu.memref_squeeze %dma_start3A_314 : memref<1x16x1024xf32, #tpu.memory_space<vmem>> -> memref<16x1024xf32, #tpu.memory_space<vmem>>
    %dma_start3A_316 = arith.constant 0 : i32
    %dma_start3A_317 = tpu.memref_slice %arg2[%add3A_309, %dma_start3A_316] : memref<8192x1024xf32, #tpu.memory_space<hbm>> -> memref<16x1024xf32, #tpu.memory_space<hbm>>
    %dma_start3A_318 = tpu.memref_slice %arg8[%dma_start3A_311] : memref<3x!tpu.dma_semaphore, #tpu.memory_space<semaphore_mem>> -> memref<1x!tpu.dma_semaphore, #tpu.memory_space<semaphore_mem>>
    %dma_start3A_319 = tpu.memref_squeeze %dma_start3A_318 : memref<1x!tpu.dma_semaphore, #tpu.memory_space<semaphore_mem>> -> memref<!tpu.dma_semaphore, #tpu.memory_space<semaphore_mem>>
    %dma_start3A_320 = arith.constant 0 : i32
    %dma_start3A_321 = arith.constant 0 : i32
    %dma_start3A_322 = tpu.memref_slice %arg6[%dma_start3A_310, %dma_start3A_320, %dma_start3A_321] : memref<3x16x1024xf32, #tpu.memory_space<vmem>> -> memref<1x16x1024xf32, #tpu.memory_space<vmem>>
    %dma_start3A_323 = tpu.memref_squeeze %dma_start3A_322 : memref<1x16x1024xf32, #tpu.memory_space<vmem>> -> memref<16x1024xf32, #tpu.memory_space<vmem>>
    %dma_start3A_324 = arith.constant 0 : i32
    %dma_start3A_325 = tpu.memref_slice %arg2[%add3A_309, %dma_start3A_324] : memref<8192x1024xf32, #tpu.memory_space<hbm>> -> memref<16x1024xf32, #tpu.memory_space<hbm>>
    tpu.enqueue_dma source(%dma_start3A_325 : memref<16x1024xf32, #tpu.memory_space<hbm>>) target(%dma_start3A_323 : memref<16x1024xf32, #tpu.memory_space<vmem>>) target_semaphore(%dma_start3A_319 : memref<!tpu.dma_semaphore, #tpu.memory_space<semaphore_mem>>)
    %add3A_326 = arith.constant 2048 : i32
    %add3A_327 = arith.addi %add3A_326, %mul3A_2 : i32
    %dma_wait3A_328 = arith.constant 1 : i32
    %dma_wait3A_329 = arith.constant 1 : i32
    %dma_wait3A_330 = arith.constant 0 : i32
    %dma_wait3A_331 = arith.constant 0 : i32
    %dma_wait3A_332 = tpu.memref_slice %arg6[%dma_wait3A_328, %dma_wait3A_330, %dma_wait3A_331] : memref<3x16x1024xf32, #tpu.memory_space<vmem>> -> memref<1x16x1024xf32, #tpu.memory_space<vmem>>
    %dma_wait3A_333 = tpu.memref_squeeze %dma_wait3A_332 : memref<1x16x1024xf32, #tpu.memory_space<vmem>> -> memref<16x1024xf32, #tpu.memory_space<vmem>>
    %dma_wait3A_334 = arith.constant 0 : i32
    %dma_wait3A_335 = tpu.memref_slice %arg2[%add3A_327, %dma_wait3A_334] : memref<8192x1024xf32, #tpu.memory_space<hbm>> -> memref<16x1024xf32, #tpu.memory_space<hbm>>
    %dma_wait3A_336 = tpu.memref_slice %arg8[%dma_wait3A_329] : memref<3x!tpu.dma_semaphore, #tpu.memory_space<semaphore_mem>> -> memref<1x!tpu.dma_semaphore, #tpu.memory_space<semaphore_mem>>
    %dma_wait3A_337 = tpu.memref_squeeze %dma_wait3A_336 : memref<1x!tpu.dma_semaphore, #tpu.memory_space<semaphore_mem>> -> memref<!tpu.dma_semaphore, #tpu.memory_space<semaphore_mem>>
    %dma_wait3A_338 = arith.constant 0 : i32
    %dma_wait3A_339 = arith.constant 0 : i32
    %dma_wait3A_340 = tpu.memref_slice %arg6[%dma_wait3A_328, %dma_wait3A_338, %dma_wait3A_339] : memref<3x16x1024xf32, #tpu.memory_space<vmem>> -> memref<1x16x1024xf32, #tpu.memory_space<vmem>>
    %dma_wait3A_341 = tpu.memref_squeeze %dma_wait3A_340 : memref<1x16x1024xf32, #tpu.memory_space<vmem>> -> memref<16x1024xf32, #tpu.memory_space<vmem>>
    %dma_wait3A_342 = arith.constant 0 : i32
    %dma_wait3A_343 = tpu.memref_slice %arg2[%add3A_327, %dma_wait3A_342] : memref<8192x1024xf32, #tpu.memory_space<hbm>> -> memref<16x1024xf32, #tpu.memory_space<hbm>>
    tpu.wait_dma2 semaphore(%dma_wait3A_337 : memref<!tpu.dma_semaphore, #tpu.memory_space<semaphore_mem>>) src(%dma_wait3A_343 : memref<16x1024xf32, #tpu.memory_space<hbm>>) dst(%dma_wait3A_341 : memref<16x1024xf32, #tpu.memory_space<vmem>>)
    %parallel_loop3A_344 = arith.constant 0 : i32
    %parallel_loop3A_345 = arith.constant 1024 : i32
    %parallel_loop3A_346 = arith.constant 1 : i32
    scf.for %parallel_loop3A_1208 = %parallel_loop3A_344 to %parallel_loop3A_345 step %parallel_loop3A_346  : i32 {
      %parallel_loop3A_1209 = arith.constant 64 : i32
      %parallel_loop3A_1210 = arith.divsi %parallel_loop3A_1208, %parallel_loop3A_1209 : i32
      %parallel_loop3A_1211 = arith.constant 0 : i32
      %parallel_loop3A_1212 = arith.cmpi sgt, %parallel_loop3A_1208, %parallel_loop3A_1211 : i32
      %parallel_loop3A_1213 = arith.extui %parallel_loop3A_1212 : i1 to i32
      %parallel_loop3A_1214 = arith.constant 0 : i32
      %parallel_loop3A_1215 = arith.cmpi slt, %parallel_loop3A_1208, %parallel_loop3A_1214 : i32
      %parallel_loop3A_1216 = arith.extui %parallel_loop3A_1215 : i1 to i32
      %parallel_loop3A_1217 = arith.subi %parallel_loop3A_1213, %parallel_loop3A_1216 : i32
      %parallel_loop3A_1218 = arith.constant 0 : i32
      %parallel_loop3A_1219 = arith.cmpi sgt, %parallel_loop3A_1209, %parallel_loop3A_1218 : i32
      %parallel_loop3A_1220 = arith.extui %parallel_loop3A_1219 : i1 to i32
      %parallel_loop3A_1221 = arith.constant 0 : i32
      %parallel_loop3A_1222 = arith.cmpi slt, %parallel_loop3A_1209, %parallel_loop3A_1221 : i32
      %parallel_loop3A_1223 = arith.extui %parallel_loop3A_1222 : i1 to i32
      %parallel_loop3A_1224 = arith.subi %parallel_loop3A_1220, %parallel_loop3A_1223 : i32
      %parallel_loop3A_1225 = arith.cmpi ne, %parallel_loop3A_1217, %parallel_loop3A_1224 : i32
      %parallel_loop3A_1226 = arith.remsi %parallel_loop3A_1208, %parallel_loop3A_1209 : i32
      %parallel_loop3A_1227 = arith.constant 0 : i32
      %parallel_loop3A_1228 = arith.cmpi ne, %parallel_loop3A_1226, %parallel_loop3A_1227 : i32
      %parallel_loop3A_1229 = arith.andi %parallel_loop3A_1225, %parallel_loop3A_1228 : i1
      %parallel_loop3A_1230 = arith.constant 1 : i32
      %parallel_loop3A_1231 = arith.subi %parallel_loop3A_1210, %parallel_loop3A_1230 : i32
      %parallel_loop3A_1232 = arith.select %parallel_loop3A_1229, %parallel_loop3A_1231, %parallel_loop3A_1210 : i32
      %parallel_loop3A_1233 = arith.constant 64 : i32
      %parallel_loop3A_1234 = arith.constant 0 : i32
      %parallel_loop3A_1235 = arith.cmpi eq, %parallel_loop3A_1233, %parallel_loop3A_1234 : i32
      %parallel_loop3A_1236 = arith.constant 1 : i32
      %parallel_loop3A_1237 = arith.select %parallel_loop3A_1235, %parallel_loop3A_1236, %parallel_loop3A_1233 : i32
      %parallel_loop3A_1238 = arith.remsi %parallel_loop3A_1208, %parallel_loop3A_1237 : i32
      %parallel_loop3A_1239 = arith.constant 0 : i32
      %parallel_loop3A_1240 = arith.cmpi ne, %parallel_loop3A_1238, %parallel_loop3A_1239 : i32
      %parallel_loop3A_1241 = arith.constant 0 : i32
      %parallel_loop3A_1242 = arith.cmpi slt, %parallel_loop3A_1238, %parallel_loop3A_1241 : i32
      %parallel_loop3A_1243 = arith.constant 0 : i32
      %parallel_loop3A_1244 = arith.cmpi slt, %parallel_loop3A_1237, %parallel_loop3A_1243 : i32
      %parallel_loop3A_1245 = arith.xori %parallel_loop3A_1242, %parallel_loop3A_1244 : i1
      %parallel_loop3A_1246 = arith.andi %parallel_loop3A_1245, %parallel_loop3A_1240 : i1
      %parallel_loop3A_1247 = arith.addi %parallel_loop3A_1238, %parallel_loop3A_1237 : i32
      %parallel_loop3A_1248 = arith.select %parallel_loop3A_1246, %parallel_loop3A_1247, %parallel_loop3A_1238 : i32
      %parallel_loop3A_1249 = arith.constant 16 : i32
      %parallel_loop3A_1250 = arith.muli %parallel_loop3A_1248, %parallel_loop3A_1249 : i32
      %parallel_loop3A_1251 = arith.constant 0 : i32
      %parallel_loop3A_1252 = arith.addi %parallel_loop3A_1251, %parallel_loop3A_1232 : i32
      %parallel_loop3A_1253 = arith.index_cast %parallel_loop3A_1252 : i32 to index
      %parallel_loop3A_1254 = arith.index_cast %parallel_loop3A_1250 : i32 to index
      %parallel_loop3A_1255 = tpu.vector_load %arg5[%parallel_loop3A_1253, %parallel_loop3A_1254] {strides = array<i32>} : memref<64x1024xf32, #tpu.memory_space<vmem>>, vector<1x16xf32>,
      %parallel_loop3A_1256 = vector.shape_cast %parallel_loop3A_1255 : vector<1x16xf32> to vector<16xf32>
      %parallel_loop3A_1257 = arith.constant 1 : i32
      %parallel_loop3A_1258 = arith.index_cast %parallel_loop3A_1257 : i32 to index
      %parallel_loop3A_1259 = arith.index_cast %parallel_loop3A_1232 : i32 to index
      %parallel_loop3A_1260 = arith.index_cast %parallel_loop3A_1250 : i32 to index
      %parallel_loop3A_1261 = tpu.vector_load %arg6[%parallel_loop3A_1258, %parallel_loop3A_1259, %parallel_loop3A_1260] {strides = array<i32>} : memref<3x16x1024xf32, #tpu.memory_space<vmem>>, vector<1x1x16xf32>,
      %parallel_loop3A_1262 = vector.shape_cast %parallel_loop3A_1261 : vector<1x1x16xf32> to vector<16xf32>
      %parallel_loop3A_1263 = vector.shape_cast %parallel_loop3A_1256 : vector<16xf32> to vector<1x1x16xf32>
      tpu.vector_store %arg6[%parallel_loop3A_1258, %parallel_loop3A_1259, %parallel_loop3A_1260], %parallel_loop3A_1263 {add = true, strides = array<i32>} : memref<3x16x1024xf32, #tpu.memory_space<vmem>>, vector<1x1x16xf32>,
    } {sc.loop_unroll_factor = 8 : i64, sc.parallel_access}
    %add3A_347 = arith.constant 2048 : i32
    %add3A_348 = arith.addi %add3A_347, %mul3A_2 : i32
    %dma_start3A_349 = arith.constant 1 : i32
    %dma_start3A_350 = arith.constant 1 : i32
    %dma_start3A_351 = arith.constant 0 : i32
    %dma_start3A_352 = arith.constant 0 : i32
    %dma_start3A_353 = tpu.memref_slice %arg6[%dma_start3A_349, %dma_start3A_351, %dma_start3A_352] : memref<3x16x1024xf32, #tpu.memory_space<vmem>> -> memref<1x16x1024xf32, #tpu.memory_space<vmem>>
    %dma_start3A_354 = tpu.memref_squeeze %dma_start3A_353 : memref<1x16x1024xf32, #tpu.memory_space<vmem>> -> memref<16x1024xf32, #tpu.memory_space<vmem>>
    %dma_start3A_355 = arith.constant 0 : i32
    %dma_start3A_356 = tpu.memref_slice %arg4[%add3A_348, %dma_start3A_355] : memref<8192x1024xf32, #tpu.memory_space<hbm>> -> memref<16x1024xf32, #tpu.memory_space<hbm>>
    %dma_start3A_357 = tpu.memref_slice %arg9[%dma_start3A_350] : memref<3x!tpu.dma_semaphore, #tpu.memory_space<semaphore_mem>> -> memref<1x!tpu.dma_semaphore, #tpu.memory_space<semaphore_mem>>
    %dma_start3A_358 = tpu.memref_squeeze %dma_start3A_357 : memref<1x!tpu.dma_semaphore, #tpu.memory_space<semaphore_mem>> -> memref<!tpu.dma_semaphore, #tpu.memory_space<semaphore_mem>>
    %dma_start3A_359 = arith.constant 0 : i32
    %dma_start3A_360 = tpu.memref_slice %arg4[%add3A_348, %dma_start3A_359] : memref<8192x1024xf32, #tpu.memory_space<hbm>> -> memref<16x1024xf32, #tpu.memory_space<hbm>>
    %dma_start3A_361 = arith.constant 0 : i32
    %dma_start3A_362 = arith.constant 0 : i32
    %dma_start3A_363 = tpu.memref_slice %arg6[%dma_start3A_349, %dma_start3A_361, %dma_start3A_362] : memref<3x16x1024xf32, #tpu.memory_space<vmem>> -> memref<1x16x1024xf32, #tpu.memory_space<vmem>>
    %dma_start3A_364 = tpu.memref_squeeze %dma_start3A_363 : memref<1x16x1024xf32, #tpu.memory_space<vmem>> -> memref<16x1024xf32, #tpu.memory_space<vmem>>
    tpu.enqueue_dma source(%dma_start3A_364 : memref<16x1024xf32, #tpu.memory_space<vmem>>) target(%dma_start3A_360 : memref<16x1024xf32, #tpu.memory_space<hbm>>) target_semaphore(%dma_start3A_358 : memref<!tpu.dma_semaphore, #tpu.memory_space<semaphore_mem>>)
    %add3A_365 = arith.constant 48 : i32
    %add3A_366 = arith.addi %add3A_365, %mul3A_2 : i32
    %dma_wait3A_367 = arith.constant 0 : i32
    %dma_wait3A_368 = arith.constant 0 : i32
    %dma_wait3A_369 = arith.constant 0 : i32
    %dma_wait3A_370 = arith.constant 0 : i32
    %dma_wait3A_371 = tpu.memref_slice %arg6[%dma_wait3A_367, %dma_wait3A_369, %dma_wait3A_370] : memref<3x16x1024xf32, #tpu.memory_space<vmem>> -> memref<1x16x1024xf32, #tpu.memory_space<vmem>>
    %dma_wait3A_372 = tpu.memref_squeeze %dma_wait3A_371 : memref<1x16x1024xf32, #tpu.memory_space<vmem>> -> memref<16x1024xf32, #tpu.memory_space<vmem>>
    %dma_wait3A_373 = arith.constant 0 : i32
    %dma_wait3A_374 = tpu.memref_slice %arg4[%add3A_366, %dma_wait3A_373] : memref<8192x1024xf32, #tpu.memory_space<hbm>> -> memref<16x1024xf32, #tpu.memory_space<hbm>>
    %dma_wait3A_375 = tpu.memref_slice %arg9[%dma_wait3A_368] : memref<3x!tpu.dma_semaphore, #tpu.memory_space<semaphore_mem>> -> memref<1x!tpu.dma_semaphore, #tpu.memory_space<semaphore_mem>>
    %dma_wait3A_376 = tpu.memref_squeeze %dma_wait3A_375 : memref<1x!tpu.dma_semaphore, #tpu.memory_space<semaphore_mem>> -> memref<!tpu.dma_semaphore, #tpu.memory_space<semaphore_mem>>
    %dma_wait3A_377 = arith.constant 0 : i32
    %dma_wait3A_378 = tpu.memref_slice %arg4[%add3A_366, %dma_wait3A_377] : memref<8192x1024xf32, #tpu.memory_space<hbm>> -> memref<16x1024xf32, #tpu.memory_space<hbm>>
    %dma_wait3A_379 = arith.constant 0 : i32
    %dma_wait3A_380 = arith.constant 0 : i32
    %dma_wait3A_381 = tpu.memref_slice %arg6[%dma_wait3A_367, %dma_wait3A_379, %dma_wait3A_380] : memref<3x16x1024xf32, #tpu.memory_space<vmem>> -> memref<1x16x1024xf32, #tpu.memory_space<vmem>>
    %dma_wait3A_382 = tpu.memref_squeeze %dma_wait3A_381 : memref<1x16x1024xf32, #tpu.memory_space<vmem>> -> memref<16x1024xf32, #tpu.memory_space<vmem>>
    tpu.wait_dma2 semaphore(%dma_wait3A_376 : memref<!tpu.dma_semaphore, #tpu.memory_space<semaphore_mem>>) src(%dma_wait3A_382 : memref<16x1024xf32, #tpu.memory_space<vmem>>) dst(%dma_wait3A_378 : memref<16x1024xf32, #tpu.memory_space<hbm>>)
    %add3A_383 = arith.constant 2080 : i32
    %add3A_384 = arith.addi %add3A_383, %mul3A_2 : i32
    %dma_start3A_385 = arith.constant 0 : i32
    %dma_start3A_386 = arith.constant 0 : i32
    %dma_start3A_387 = arith.constant 0 : i32
    %dma_start3A_388 = arith.constant 0 : i32
    %dma_start3A_389 = tpu.memref_slice %arg6[%dma_start3A_385, %dma_start3A_387, %dma_start3A_388] : memref<3x16x1024xf32, #tpu.memory_space<vmem>> -> memref<1x16x1024xf32, #tpu.memory_space<vmem>>
    %dma_start3A_390 = tpu.memref_squeeze %dma_start3A_389 : memref<1x16x1024xf32, #tpu.memory_space<vmem>> -> memref<16x1024xf32, #tpu.memory_space<vmem>>
    %dma_start3A_391 = arith.constant 0 : i32
    %dma_start3A_392 = tpu.memref_slice %arg2[%add3A_384, %dma_start3A_391] : memref<8192x1024xf32, #tpu.memory_space<hbm>> -> memref<16x1024xf32, #tpu.memory_space<hbm>>
    %dma_start3A_393 = tpu.memref_slice %arg8[%dma_start3A_386] : memref<3x!tpu.dma_semaphore, #tpu.memory_space<semaphore_mem>> -> memref<1x!tpu.dma_semaphore, #tpu.memory_space<semaphore_mem>>
    %dma_start3A_394 = tpu.memref_squeeze %dma_start3A_393 : memref<1x!tpu.dma_semaphore, #tpu.memory_space<semaphore_mem>> -> memref<!tpu.dma_semaphore, #tpu.memory_space<semaphore_mem>>
    %dma_start3A_395 = arith.constant 0 : i32
    %dma_start3A_396 = arith.constant 0 : i32
    %dma_start3A_397 = tpu.memref_slice %arg6[%dma_start3A_385, %dma_start3A_395, %dma_start3A_396] : memref<3x16x1024xf32, #tpu.memory_space<vmem>> -> memref<1x16x1024xf32, #tpu.memory_space<vmem>>
    %dma_start3A_398 = tpu.memref_squeeze %dma_start3A_397 : memref<1x16x1024xf32, #tpu.memory_space<vmem>> -> memref<16x1024xf32, #tpu.memory_space<vmem>>
    %dma_start3A_399 = arith.constant 0 : i32
    %dma_start3A_400 = tpu.memref_slice %arg2[%add3A_384, %dma_start3A_399] : memref<8192x1024xf32, #tpu.memory_space<hbm>> -> memref<16x1024xf32, #tpu.memory_space<hbm>>
    tpu.enqueue_dma source(%dma_start3A_400 : memref<16x1024xf32, #tpu.memory_space<hbm>>) target(%dma_start3A_398 : memref<16x1024xf32, #tpu.memory_space<vmem>>) target_semaphore(%dma_start3A_394 : memref<!tpu.dma_semaphore, #tpu.memory_space<semaphore_mem>>)
    %add3A_401 = arith.constant 2064 : i32
    %add3A_402 = arith.addi %add3A_401, %mul3A_2 : i32
    %dma_wait3A_403 = arith.constant 2 : i32
    %dma_wait3A_404 = arith.constant 2 : i32
    %dma_wait3A_405 = arith.constant 0 : i32
    %dma_wait3A_406 = arith.constant 0 : i32
    %dma_wait3A_407 = tpu.memref_slice %arg6[%dma_wait3A_403, %dma_wait3A_405, %dma_wait3A_406] : memref<3x16x1024xf32, #tpu.memory_space<vmem>> -> memref<1x16x1024xf32, #tpu.memory_space<vmem>>
    %dma_wait3A_408 = tpu.memref_squeeze %dma_wait3A_407 : memref<1x16x1024xf32, #tpu.memory_space<vmem>> -> memref<16x1024xf32, #tpu.memory_space<vmem>>
    %dma_wait3A_409 = arith.constant 0 : i32
    %dma_wait3A_410 = tpu.memref_slice %arg2[%add3A_402, %dma_wait3A_409] : memref<8192x1024xf32, #tpu.memory_space<hbm>> -> memref<16x1024xf32, #tpu.memory_space<hbm>>
    %dma_wait3A_411 = tpu.memref_slice %arg8[%dma_wait3A_404] : memref<3x!tpu.dma_semaphore, #tpu.memory_space<semaphore_mem>> -> memref<1x!tpu.dma_semaphore, #tpu.memory_space<semaphore_mem>>
    %dma_wait3A_412 = tpu.memref_squeeze %dma_wait3A_411 : memref<1x!tpu.dma_semaphore, #tpu.memory_space<semaphore_mem>> -> memref<!tpu.dma_semaphore, #tpu.memory_space<semaphore_mem>>
    %dma_wait3A_413 = arith.constant 0 : i32
    %dma_wait3A_414 = arith.constant 0 : i32
    %dma_wait3A_415 = tpu.memref_slice %arg6[%dma_wait3A_403, %dma_wait3A_413, %dma_wait3A_414] : memref<3x16x1024xf32, #tpu.memory_space<vmem>> -> memref<1x16x1024xf32, #tpu.memory_space<vmem>>
    %dma_wait3A_416 = tpu.memref_squeeze %dma_wait3A_415 : memref<1x16x1024xf32, #tpu.memory_space<vmem>> -> memref<16x1024xf32, #tpu.memory_space<vmem>>
    %dma_wait3A_417 = arith.constant 0 : i32
    %dma_wait3A_418 = tpu.memref_slice %arg2[%add3A_402, %dma_wait3A_417] : memref<8192x1024xf32, #tpu.memory_space<hbm>> -> memref<16x1024xf32, #tpu.memory_space<hbm>>
    tpu.wait_dma2 semaphore(%dma_wait3A_412 : memref<!tpu.dma_semaphore, #tpu.memory_space<semaphore_mem>>) src(%dma_wait3A_418 : memref<16x1024xf32, #tpu.memory_space<hbm>>) dst(%dma_wait3A_416 : memref<16x1024xf32, #tpu.memory_space<vmem>>)
    %parallel_loop3A_419 = arith.constant 0 : i32
    %parallel_loop3A_420 = arith.constant 1024 : i32
    %parallel_loop3A_421 = arith.constant 1 : i32
    scf.for %parallel_loop3A_1208 = %parallel_loop3A_419 to %parallel_loop3A_420 step %parallel_loop3A_421  : i32 {
      %parallel_loop3A_1209 = arith.constant 64 : i32
      %parallel_loop3A_1210 = arith.divsi %parallel_loop3A_1208, %parallel_loop3A_1209 : i32
      %parallel_loop3A_1211 = arith.constant 0 : i32
      %parallel_loop3A_1212 = arith.cmpi sgt, %parallel_loop3A_1208, %parallel_loop3A_1211 : i32
      %parallel_loop3A_1213 = arith.extui %parallel_loop3A_1212 : i1 to i32
      %parallel_loop3A_1214 = arith.constant 0 : i32
      %parallel_loop3A_1215 = arith.cmpi slt, %parallel_loop3A_1208, %parallel_loop3A_1214 : i32
      %parallel_loop3A_1216 = arith.extui %parallel_loop3A_1215 : i1 to i32
      %parallel_loop3A_1217 = arith.subi %parallel_loop3A_1213, %parallel_loop3A_1216 : i32
      %parallel_loop3A_1218 = arith.constant 0 : i32
      %parallel_loop3A_1219 = arith.cmpi sgt, %parallel_loop3A_1209, %parallel_loop3A_1218 : i32
      %parallel_loop3A_1220 = arith.extui %parallel_loop3A_1219 : i1 to i32
      %parallel_loop3A_1221 = arith.constant 0 : i32
      %parallel_loop3A_1222 = arith.cmpi slt, %parallel_loop3A_1209, %parallel_loop3A_1221 : i32
      %parallel_loop3A_1223 = arith.extui %parallel_loop3A_1222 : i1 to i32
      %parallel_loop3A_1224 = arith.subi %parallel_loop3A_1220, %parallel_loop3A_1223 : i32
      %parallel_loop3A_1225 = arith.cmpi ne, %parallel_loop3A_1217, %parallel_loop3A_1224 : i32
      %parallel_loop3A_1226 = arith.remsi %parallel_loop3A_1208, %parallel_loop3A_1209 : i32
      %parallel_loop3A_1227 = arith.constant 0 : i32
      %parallel_loop3A_1228 = arith.cmpi ne, %parallel_loop3A_1226, %parallel_loop3A_1227 : i32
      %parallel_loop3A_1229 = arith.andi %parallel_loop3A_1225, %parallel_loop3A_1228 : i1
      %parallel_loop3A_1230 = arith.constant 1 : i32
      %parallel_loop3A_1231 = arith.subi %parallel_loop3A_1210, %parallel_loop3A_1230 : i32
      %parallel_loop3A_1232 = arith.select %parallel_loop3A_1229, %parallel_loop3A_1231, %parallel_loop3A_1210 : i32
      %parallel_loop3A_1233 = arith.constant 64 : i32
      %parallel_loop3A_1234 = arith.constant 0 : i32
      %parallel_loop3A_1235 = arith.cmpi eq, %parallel_loop3A_1233, %parallel_loop3A_1234 : i32
      %parallel_loop3A_1236 = arith.constant 1 : i32
      %parallel_loop3A_1237 = arith.select %parallel_loop3A_1235, %parallel_loop3A_1236, %parallel_loop3A_1233 : i32
      %parallel_loop3A_1238 = arith.remsi %parallel_loop3A_1208, %parallel_loop3A_1237 : i32
      %parallel_loop3A_1239 = arith.constant 0 : i32
      %parallel_loop3A_1240 = arith.cmpi ne, %parallel_loop3A_1238, %parallel_loop3A_1239 : i32
      %parallel_loop3A_1241 = arith.constant 0 : i32
      %parallel_loop3A_1242 = arith.cmpi slt, %parallel_loop3A_1238, %parallel_loop3A_1241 : i32
      %parallel_loop3A_1243 = arith.constant 0 : i32
      %parallel_loop3A_1244 = arith.cmpi slt, %parallel_loop3A_1237, %parallel_loop3A_1243 : i32
      %parallel_loop3A_1245 = arith.xori %parallel_loop3A_1242, %parallel_loop3A_1244 : i1
      %parallel_loop3A_1246 = arith.andi %parallel_loop3A_1245, %parallel_loop3A_1240 : i1
      %parallel_loop3A_1247 = arith.addi %parallel_loop3A_1238, %parallel_loop3A_1237 : i32
      %parallel_loop3A_1248 = arith.select %parallel_loop3A_1246, %parallel_loop3A_1247, %parallel_loop3A_1238 : i32
      %parallel_loop3A_1249 = arith.constant 16 : i32
      %parallel_loop3A_1250 = arith.muli %parallel_loop3A_1248, %parallel_loop3A_1249 : i32
      %parallel_loop3A_1251 = arith.constant 16 : i32
      %parallel_loop3A_1252 = arith.addi %parallel_loop3A_1251, %parallel_loop3A_1232 : i32
      %parallel_loop3A_1253 = arith.index_cast %parallel_loop3A_1252 : i32 to index
      %parallel_loop3A_1254 = arith.index_cast %parallel_loop3A_1250 : i32 to index
      %parallel_loop3A_1255 = tpu.vector_load %arg5[%parallel_loop3A_1253, %parallel_loop3A_1254] {strides = array<i32>} : memref<64x1024xf32, #tpu.memory_space<vmem>>, vector<1x16xf32>,
      %parallel_loop3A_1256 = vector.shape_cast %parallel_loop3A_1255 : vector<1x16xf32> to vector<16xf32>
      %parallel_loop3A_1257 = arith.constant 2 : i32
      %parallel_loop3A_1258 = arith.index_cast %parallel_loop3A_1257 : i32 to index
      %parallel_loop3A_1259 = arith.index_cast %parallel_loop3A_1232 : i32 to index
      %parallel_loop3A_1260 = arith.index_cast %parallel_loop3A_1250 : i32 to index
      %parallel_loop3A_1261 = tpu.vector_load %arg6[%parallel_loop3A_1258, %parallel_loop3A_1259, %parallel_loop3A_1260] {strides = array<i32>} : memref<3x16x1024xf32, #tpu.memory_space<vmem>>, vector<1x1x16xf32>,
      %parallel_loop3A_1262 = vector.shape_cast %parallel_loop3A_1261 : vector<1x1x16xf32> to vector<16xf32>
      %parallel_loop3A_1263 = vector.shape_cast %parallel_loop3A_1256 : vector<16xf32> to vector<1x1x16xf32>
      tpu.vector_store %arg6[%parallel_loop3A_1258, %parallel_loop3A_1259, %parallel_loop3A_1260], %parallel_loop3A_1263 {add = true, strides = array<i32>} : memref<3x16x1024xf32, #tpu.memory_space<vmem>>, vector<1x1x16xf32>,
    } {sc.loop_unroll_factor = 8 : i64, sc.parallel_access}
    %add3A_422 = arith.constant 2064 : i32
    %add3A_423 = arith.addi %add3A_422, %mul3A_2 : i32
    %dma_start3A_424 = arith.constant 2 : i32
    %dma_start3A_425 = arith.constant 2 : i32
    %dma_start3A_426 = arith.constant 0 : i32
    %dma_start3A_427 = arith.constant 0 : i32
    %dma_start3A_428 = tpu.memref_slice %arg6[%dma_start3A_424, %dma_start3A_426, %dma_start3A_427] : memref<3x16x1024xf32, #tpu.memory_space<vmem>> -> memref<1x16x1024xf32, #tpu.memory_space<vmem>>
    %dma_start3A_429 = tpu.memref_squeeze %dma_start3A_428 : memref<1x16x1024xf32, #tpu.memory_space<vmem>> -> memref<16x1024xf32, #tpu.memory_space<vmem>>
    %dma_start3A_430 = arith.constant 0 : i32
    %dma_start3A_431 = tpu.memref_slice %arg4[%add3A_423, %dma_start3A_430] : memref<8192x1024xf32, #tpu.memory_space<hbm>> -> memref<16x1024xf32, #tpu.memory_space<hbm>>
    %dma_start3A_432 = tpu.memref_slice %arg9[%dma_start3A_425] : memref<3x!tpu.dma_semaphore, #tpu.memory_space<semaphore_mem>> -> memref<1x!tpu.dma_semaphore, #tpu.memory_space<semaphore_mem>>
    %dma_start3A_433 = tpu.memref_squeeze %dma_start3A_432 : memref<1x!tpu.dma_semaphore, #tpu.memory_space<semaphore_mem>> -> memref<!tpu.dma_semaphore, #tpu.memory_space<semaphore_mem>>
    %dma_start3A_434 = arith.constant 0 : i32
    %dma_start3A_435 = tpu.memref_slice %arg4[%add3A_423, %dma_start3A_434] : memref<8192x1024xf32, #tpu.memory_space<hbm>> -> memref<16x1024xf32, #tpu.memory_space<hbm>>
    %dma_start3A_436 = arith.constant 0 : i32
    %dma_start3A_437 = arith.constant 0 : i32
    %dma_start3A_438 = tpu.memref_slice %arg6[%dma_start3A_424, %dma_start3A_436, %dma_start3A_437] : memref<3x16x1024xf32, #tpu.memory_space<vmem>> -> memref<1x16x1024xf32, #tpu.memory_space<vmem>>
    %dma_start3A_439 = tpu.memref_squeeze %dma_start3A_438 : memref<1x16x1024xf32, #tpu.memory_space<vmem>> -> memref<16x1024xf32, #tpu.memory_space<vmem>>
    tpu.enqueue_dma source(%dma_start3A_439 : memref<16x1024xf32, #tpu.memory_space<vmem>>) target(%dma_start3A_435 : memref<16x1024xf32, #tpu.memory_space<hbm>>) target_semaphore(%dma_start3A_433 : memref<!tpu.dma_semaphore, #tpu.memory_space<semaphore_mem>>)
    %add3A_440 = arith.constant 2048 : i32
    %add3A_441 = arith.addi %add3A_440, %mul3A_2 : i32
    %dma_wait3A_442 = arith.constant 1 : i32
    %dma_wait3A_443 = arith.constant 1 : i32
    %dma_wait3A_444 = arith.constant 0 : i32
    %dma_wait3A_445 = arith.constant 0 : i32
    %dma_wait3A_446 = tpu.memref_slice %arg6[%dma_wait3A_442, %dma_wait3A_444, %dma_wait3A_445] : memref<3x16x1024xf32, #tpu.memory_space<vmem>> -> memref<1x16x1024xf32, #tpu.memory_space<vmem>>
    %dma_wait3A_447 = tpu.memref_squeeze %dma_wait3A_446 : memref<1x16x1024xf32, #tpu.memory_space<vmem>> -> memref<16x1024xf32, #tpu.memory_space<vmem>>
    %dma_wait3A_448 = arith.constant 0 : i32
    %dma_wait3A_449 = tpu.memref_slice %arg4[%add3A_441, %dma_wait3A_448] : memref<8192x1024xf32, #tpu.memory_space<hbm>> -> memref<16x1024xf32, #tpu.memory_space<hbm>>
    %dma_wait3A_450 = tpu.memref_slice %arg9[%dma_wait3A_443] : memref<3x!tpu.dma_semaphore, #tpu.memory_space<semaphore_mem>> -> memref<1x!tpu.dma_semaphore, #tpu.memory_space<semaphore_mem>>
    %dma_wait3A_451 = tpu.memref_squeeze %dma_wait3A_450 : memref<1x!tpu.dma_semaphore, #tpu.memory_space<semaphore_mem>> -> memref<!tpu.dma_semaphore, #tpu.memory_space<semaphore_mem>>
    %dma_wait3A_452 = arith.constant 0 : i32
    %dma_wait3A_453 = tpu.memref_slice %arg4[%add3A_441, %dma_wait3A_452] : memref<8192x1024xf32, #tpu.memory_space<hbm>> -> memref<16x1024xf32, #tpu.memory_space<hbm>>
    %dma_wait3A_454 = arith.constant 0 : i32
    %dma_wait3A_455 = arith.constant 0 : i32
    %dma_wait3A_456 = tpu.memref_slice %arg6[%dma_wait3A_442, %dma_wait3A_454, %dma_wait3A_455] : memref<3x16x1024xf32, #tpu.memory_space<vmem>> -> memref<1x16x1024xf32, #tpu.memory_space<vmem>>
    %dma_wait3A_457 = tpu.memref_squeeze %dma_wait3A_456 : memref<1x16x1024xf32, #tpu.memory_space<vmem>> -> memref<16x1024xf32, #tpu.memory_space<vmem>>
    tpu.wait_dma2 semaphore(%dma_wait3A_451 : memref<!tpu.dma_semaphore, #tpu.memory_space<semaphore_mem>>) src(%dma_wait3A_457 : memref<16x1024xf32, #tpu.memory_space<vmem>>) dst(%dma_wait3A_453 : memref<16x1024xf32, #tpu.memory_space<hbm>>)
    %add3A_458 = arith.constant 2096 : i32
    %add3A_459 = arith.addi %add3A_458, %mul3A_2 : i32
    %dma_start3A_460 = arith.constant 1 : i32
    %dma_start3A_461 = arith.constant 1 : i32
    %dma_start3A_462 = arith.constant 0 : i32
    %dma_start3A_463 = arith.constant 0 : i32
    %dma_start3A_464 = tpu.memref_slice %arg6[%dma_start3A_460, %dma_start3A_462, %dma_start3A_463] : memref<3x16x1024xf32, #tpu.memory_space<vmem>> -> memref<1x16x1024xf32, #tpu.memory_space<vmem>>
    %dma_start3A_465 = tpu.memref_squeeze %dma_start3A_464 : memref<1x16x1024xf32, #tpu.memory_space<vmem>> -> memref<16x1024xf32, #tpu.memory_space<vmem>>
    %dma_start3A_466 = arith.constant 0 : i32
    %dma_start3A_467 = tpu.memref_slice %arg2[%add3A_459, %dma_start3A_466] : memref<8192x1024xf32, #tpu.memory_space<hbm>> -> memref<16x1024xf32, #tpu.memory_space<hbm>>
    %dma_start3A_468 = tpu.memref_slice %arg8[%dma_start3A_461] : memref<3x!tpu.dma_semaphore, #tpu.memory_space<semaphore_mem>> -> memref<1x!tpu.dma_semaphore, #tpu.memory_space<semaphore_mem>>
    %dma_start3A_469 = tpu.memref_squeeze %dma_start3A_468 : memref<1x!tpu.dma_semaphore, #tpu.memory_space<semaphore_mem>> -> memref<!tpu.dma_semaphore, #tpu.memory_space<semaphore_mem>>
    %dma_start3A_470 = arith.constant 0 : i32
    %dma_start3A_471 = arith.constant 0 : i32
    %dma_start3A_472 = tpu.memref_slice %arg6[%dma_start3A_460, %dma_start3A_470, %dma_start3A_471] : memref<3x16x1024xf32, #tpu.memory_space<vmem>> -> memref<1x16x1024xf32, #tpu.memory_space<vmem>>
    %dma_start3A_473 = tpu.memref_squeeze %dma_start3A_472 : memref<1x16x1024xf32, #tpu.memory_space<vmem>> -> memref<16x1024xf32, #tpu.memory_space<vmem>>
    %dma_start3A_474 = arith.constant 0 : i32
    %dma_start3A_475 = tpu.memref_slice %arg2[%add3A_459, %dma_start3A_474] : memref<8192x1024xf32, #tpu.memory_space<hbm>> -> memref<16x1024xf32, #tpu.memory_space<hbm>>
    tpu.enqueue_dma source(%dma_start3A_475 : memref<16x1024xf32, #tpu.memory_space<hbm>>) target(%dma_start3A_473 : memref<16x1024xf32, #tpu.memory_space<vmem>>) target_semaphore(%dma_start3A_469 : memref<!tpu.dma_semaphore, #tpu.memory_space<semaphore_mem>>)
    %add3A_476 = arith.constant 2080 : i32
    %add3A_477 = arith.addi %add3A_476, %mul3A_2 : i32
    %dma_wait3A_478 = arith.constant 0 : i32
    %dma_wait3A_479 = arith.constant 0 : i32
    %dma_wait3A_480 = arith.constant 0 : i32
    %dma_wait3A_481 = arith.constant 0 : i32
    %dma_wait3A_482 = tpu.memref_slice %arg6[%dma_wait3A_478, %dma_wait3A_480, %dma_wait3A_481] : memref<3x16x1024xf32, #tpu.memory_space<vmem>> -> memref<1x16x1024xf32, #tpu.memory_space<vmem>>
    %dma_wait3A_483 = tpu.memref_squeeze %dma_wait3A_482 : memref<1x16x1024xf32, #tpu.memory_space<vmem>> -> memref<16x1024xf32, #tpu.memory_space<vmem>>
    %dma_wait3A_484 = arith.constant 0 : i32
    %dma_wait3A_485 = tpu.memref_slice %arg2[%add3A_477, %dma_wait3A_484] : memref<8192x1024xf32, #tpu.memory_space<hbm>> -> memref<16x1024xf32, #tpu.memory_space<hbm>>
    %dma_wait3A_486 = tpu.memref_slice %arg8[%dma_wait3A_479] : memref<3x!tpu.dma_semaphore, #tpu.memory_space<semaphore_mem>> -> memref<1x!tpu.dma_semaphore, #tpu.memory_space<semaphore_mem>>
    %dma_wait3A_487 = tpu.memref_squeeze %dma_wait3A_486 : memref<1x!tpu.dma_semaphore, #tpu.memory_space<semaphore_mem>> -> memref<!tpu.dma_semaphore, #tpu.memory_space<semaphore_mem>>
    %dma_wait3A_488 = arith.constant 0 : i32
    %dma_wait3A_489 = arith.constant 0 : i32
    %dma_wait3A_490 = tpu.memref_slice %arg6[%dma_wait3A_478, %dma_wait3A_488, %dma_wait3A_489] : memref<3x16x1024xf32, #tpu.memory_space<vmem>> -> memref<1x16x1024xf32, #tpu.memory_space<vmem>>
    %dma_wait3A_491 = tpu.memref_squeeze %dma_wait3A_490 : memref<1x16x1024xf32, #tpu.memory_space<vmem>> -> memref<16x1024xf32, #tpu.memory_space<vmem>>
    %dma_wait3A_492 = arith.constant 0 : i32
    %dma_wait3A_493 = tpu.memref_slice %arg2[%add3A_477, %dma_wait3A_492] : memref<8192x1024xf32, #tpu.memory_space<hbm>> -> memref<16x1024xf32, #tpu.memory_space<hbm>>
    tpu.wait_dma2 semaphore(%dma_wait3A_487 : memref<!tpu.dma_semaphore, #tpu.memory_space<semaphore_mem>>) src(%dma_wait3A_493 : memref<16x1024xf32, #tpu.memory_space<hbm>>) dst(%dma_wait3A_491 : memref<16x1024xf32, #tpu.memory_space<vmem>>)
    %parallel_loop3A_494 = arith.constant 0 : i32
    %parallel_loop3A_495 = arith.constant 1024 : i32
    %parallel_loop3A_496 = arith.constant 1 : i32
    scf.for %parallel_loop3A_1208 = %parallel_loop3A_494 to %parallel_loop3A_495 step %parallel_loop3A_496  : i32 {
      %parallel_loop3A_1209 = arith.constant 64 : i32
      %parallel_loop3A_1210 = arith.divsi %parallel_loop3A_1208, %parallel_loop3A_1209 : i32
      %parallel_loop3A_1211 = arith.constant 0 : i32
      %parallel_loop3A_1212 = arith.cmpi sgt, %parallel_loop3A_1208, %parallel_loop3A_1211 : i32
      %parallel_loop3A_1213 = arith.extui %parallel_loop3A_1212 : i1 to i32
      %parallel_loop3A_1214 = arith.constant 0 : i32
      %parallel_loop3A_1215 = arith.cmpi slt, %parallel_loop3A_1208, %parallel_loop3A_1214 : i32
      %parallel_loop3A_1216 = arith.extui %parallel_loop3A_1215 : i1 to i32
      %parallel_loop3A_1217 = arith.subi %parallel_loop3A_1213, %parallel_loop3A_1216 : i32
      %parallel_loop3A_1218 = arith.constant 0 : i32
      %parallel_loop3A_1219 = arith.cmpi sgt, %parallel_loop3A_1209, %parallel_loop3A_1218 : i32
      %parallel_loop3A_1220 = arith.extui %parallel_loop3A_1219 : i1 to i32
      %parallel_loop3A_1221 = arith.constant 0 : i32
      %parallel_loop3A_1222 = arith.cmpi slt, %parallel_loop3A_1209, %parallel_loop3A_1221 : i32
      %parallel_loop3A_1223 = arith.extui %parallel_loop3A_1222 : i1 to i32
      %parallel_loop3A_1224 = arith.subi %parallel_loop3A_1220, %parallel_loop3A_1223 : i32
      %parallel_loop3A_1225 = arith.cmpi ne, %parallel_loop3A_1217, %parallel_loop3A_1224 : i32
      %parallel_loop3A_1226 = arith.remsi %parallel_loop3A_1208, %parallel_loop3A_1209 : i32
      %parallel_loop3A_1227 = arith.constant 0 : i32
      %parallel_loop3A_1228 = arith.cmpi ne, %parallel_loop3A_1226, %parallel_loop3A_1227 : i32
      %parallel_loop3A_1229 = arith.andi %parallel_loop3A_1225, %parallel_loop3A_1228 : i1
      %parallel_loop3A_1230 = arith.constant 1 : i32
      %parallel_loop3A_1231 = arith.subi %parallel_loop3A_1210, %parallel_loop3A_1230 : i32
      %parallel_loop3A_1232 = arith.select %parallel_loop3A_1229, %parallel_loop3A_1231, %parallel_loop3A_1210 : i32
      %parallel_loop3A_1233 = arith.constant 64 : i32
      %parallel_loop3A_1234 = arith.constant 0 : i32
      %parallel_loop3A_1235 = arith.cmpi eq, %parallel_loop3A_1233, %parallel_loop3A_1234 : i32
      %parallel_loop3A_1236 = arith.constant 1 : i32
      %parallel_loop3A_1237 = arith.select %parallel_loop3A_1235, %parallel_loop3A_1236, %parallel_loop3A_1233 : i32
      %parallel_loop3A_1238 = arith.remsi %parallel_loop3A_1208, %parallel_loop3A_1237 : i32
      %parallel_loop3A_1239 = arith.constant 0 : i32
      %parallel_loop3A_1240 = arith.cmpi ne, %parallel_loop3A_1238, %parallel_loop3A_1239 : i32
      %parallel_loop3A_1241 = arith.constant 0 : i32
      %parallel_loop3A_1242 = arith.cmpi slt, %parallel_loop3A_1238, %parallel_loop3A_1241 : i32
      %parallel_loop3A_1243 = arith.constant 0 : i32
      %parallel_loop3A_1244 = arith.cmpi slt, %parallel_loop3A_1237, %parallel_loop3A_1243 : i32
      %parallel_loop3A_1245 = arith.xori %parallel_loop3A_1242, %parallel_loop3A_1244 : i1
      %parallel_loop3A_1246 = arith.andi %parallel_loop3A_1245, %parallel_loop3A_1240 : i1
      %parallel_loop3A_1247 = arith.addi %parallel_loop3A_1238, %parallel_loop3A_1237 : i32
      %parallel_loop3A_1248 = arith.select %parallel_loop3A_1246, %parallel_loop3A_1247, %parallel_loop3A_1238 : i32
      %parallel_loop3A_1249 = arith.constant 16 : i32
      %parallel_loop3A_1250 = arith.muli %parallel_loop3A_1248, %parallel_loop3A_1249 : i32
      %parallel_loop3A_1251 = arith.constant 32 : i32
      %parallel_loop3A_1252 = arith.addi %parallel_loop3A_1251, %parallel_loop3A_1232 : i32
      %parallel_loop3A_1253 = arith.index_cast %parallel_loop3A_1252 : i32 to index
      %parallel_loop3A_1254 = arith.index_cast %parallel_loop3A_1250 : i32 to index
      %parallel_loop3A_1255 = tpu.vector_load %arg5[%parallel_loop3A_1253, %parallel_loop3A_1254] {strides = array<i32>} : memref<64x1024xf32, #tpu.memory_space<vmem>>, vector<1x16xf32>,
      %parallel_loop3A_1256 = vector.shape_cast %parallel_loop3A_1255 : vector<1x16xf32> to vector<16xf32>
      %parallel_loop3A_1257 = arith.constant 0 : i32
      %parallel_loop3A_1258 = arith.index_cast %parallel_loop3A_1257 : i32 to index
      %parallel_loop3A_1259 = arith.index_cast %parallel_loop3A_1232 : i32 to index
      %parallel_loop3A_1260 = arith.index_cast %parallel_loop3A_1250 : i32 to index
      %parallel_loop3A_1261 = tpu.vector_load %arg6[%parallel_loop3A_1258, %parallel_loop3A_1259, %parallel_loop3A_1260] {strides = array<i32>} : memref<3x16x1024xf32, #tpu.memory_space<vmem>>, vector<1x1x16xf32>,
      %parallel_loop3A_1262 = vector.shape_cast %parallel_loop3A_1261 : vector<1x1x16xf32> to vector<16xf32>
      %parallel_loop3A_1263 = vector.shape_cast %parallel_loop3A_1256 : vector<16xf32> to vector<1x1x16xf32>
      tpu.vector_store %arg6[%parallel_loop3A_1258, %parallel_loop3A_1259, %parallel_loop3A_1260], %parallel_loop3A_1263 {add = true, strides = array<i32>} : memref<3x16x1024xf32, #tpu.memory_space<vmem>>, vector<1x1x16xf32>,
    } {sc.loop_unroll_factor = 8 : i64, sc.parallel_access}
    %add3A_497 = arith.constant 2080 : i32
    %add3A_498 = arith.addi %add3A_497, %mul3A_2 : i32
    %dma_start3A_499 = arith.constant 0 : i32
    %dma_start3A_500 = arith.constant 0 : i32
    %dma_start3A_501 = arith.constant 0 : i32
    %dma_start3A_502 = arith.constant 0 : i32
    %dma_start3A_503 = tpu.memref_slice %arg6[%dma_start3A_499, %dma_start3A_501, %dma_start3A_502] : memref<3x16x1024xf32, #tpu.memory_space<vmem>> -> memref<1x16x1024xf32, #tpu.memory_space<vmem>>
    %dma_start3A_504 = tpu.memref_squeeze %dma_start3A_503 : memref<1x16x1024xf32, #tpu.memory_space<vmem>> -> memref<16x1024xf32, #tpu.memory_space<vmem>>
    %dma_start3A_505 = arith.constant 0 : i32
    %dma_start3A_506 = tpu.memref_slice %arg4[%add3A_498, %dma_start3A_505] : memref<8192x1024xf32, #tpu.memory_space<hbm>> -> memref<16x1024xf32, #tpu.memory_space<hbm>>
    %dma_start3A_507 = tpu.memref_slice %arg9[%dma_start3A_500] : memref<3x!tpu.dma_semaphore, #tpu.memory_space<semaphore_mem>> -> memref<1x!tpu.dma_semaphore, #tpu.memory_space<semaphore_mem>>
    %dma_start3A_508 = tpu.memref_squeeze %dma_start3A_507 : memref<1x!tpu.dma_semaphore, #tpu.memory_space<semaphore_mem>> -> memref<!tpu.dma_semaphore, #tpu.memory_space<semaphore_mem>>
    %dma_start3A_509 = arith.constant 0 : i32
    %dma_start3A_510 = tpu.memref_slice %arg4[%add3A_498, %dma_start3A_509] : memref<8192x1024xf32, #tpu.memory_space<hbm>> -> memref<16x1024xf32, #tpu.memory_space<hbm>>
    %dma_start3A_511 = arith.constant 0 : i32
    %dma_start3A_512 = arith.constant 0 : i32
    %dma_start3A_513 = tpu.memref_slice %arg6[%dma_start3A_499, %dma_start3A_511, %dma_start3A_512] : memref<3x16x1024xf32, #tpu.memory_space<vmem>> -> memref<1x16x1024xf32, #tpu.memory_space<vmem>>
    %dma_start3A_514 = tpu.memref_squeeze %dma_start3A_513 : memref<1x16x1024xf32, #tpu.memory_space<vmem>> -> memref<16x1024xf32, #tpu.memory_space<vmem>>
    tpu.enqueue_dma source(%dma_start3A_514 : memref<16x1024xf32, #tpu.memory_space<vmem>>) target(%dma_start3A_510 : memref<16x1024xf32, #tpu.memory_space<hbm>>) target_semaphore(%dma_start3A_508 : memref<!tpu.dma_semaphore, #tpu.memory_space<semaphore_mem>>)
    %add3A_515 = arith.constant 2064 : i32
    %add3A_516 = arith.addi %add3A_515, %mul3A_2 : i32
    %dma_wait3A_517 = arith.constant 2 : i32
    %dma_wait3A_518 = arith.constant 2 : i32
    %dma_wait3A_519 = arith.constant 0 : i32
    %dma_wait3A_520 = arith.constant 0 : i32
    %dma_wait3A_521 = tpu.memref_slice %arg6[%dma_wait3A_517, %dma_wait3A_519, %dma_wait3A_520] : memref<3x16x1024xf32, #tpu.memory_space<vmem>> -> memref<1x16x1024xf32, #tpu.memory_space<vmem>>
    %dma_wait3A_522 = tpu.memref_squeeze %dma_wait3A_521 : memref<1x16x1024xf32, #tpu.memory_space<vmem>> -> memref<16x1024xf32, #tpu.memory_space<vmem>>
    %dma_wait3A_523 = arith.constant 0 : i32
    %dma_wait3A_524 = tpu.memref_slice %arg4[%add3A_516, %dma_wait3A_523] : memref<8192x1024xf32, #tpu.memory_space<hbm>> -> memref<16x1024xf32, #tpu.memory_space<hbm>>
    %dma_wait3A_525 = tpu.memref_slice %arg9[%dma_wait3A_518] : memref<3x!tpu.dma_semaphore, #tpu.memory_space<semaphore_mem>> -> memref<1x!tpu.dma_semaphore, #tpu.memory_space<semaphore_mem>>
    %dma_wait3A_526 = tpu.memref_squeeze %dma_wait3A_525 : memref<1x!tpu.dma_semaphore, #tpu.memory_space<semaphore_mem>> -> memref<!tpu.dma_semaphore, #tpu.memory_space<semaphore_mem>>
    %dma_wait3A_527 = arith.constant 0 : i32
    %dma_wait3A_528 = tpu.memref_slice %arg4[%add3A_516, %dma_wait3A_527] : memref<8192x1024xf32, #tpu.memory_space<hbm>> -> memref<16x1024xf32, #tpu.memory_space<hbm>>
    %dma_wait3A_529 = arith.constant 0 : i32
    %dma_wait3A_530 = arith.constant 0 : i32
    %dma_wait3A_531 = tpu.memref_slice %arg6[%dma_wait3A_517, %dma_wait3A_529, %dma_wait3A_530] : memref<3x16x1024xf32, #tpu.memory_space<vmem>> -> memref<1x16x1024xf32, #tpu.memory_space<vmem>>
    %dma_wait3A_532 = tpu.memref_squeeze %dma_wait3A_531 : memref<1x16x1024xf32, #tpu.memory_space<vmem>> -> memref<16x1024xf32, #tpu.memory_space<vmem>>
    tpu.wait_dma2 semaphore(%dma_wait3A_526 : memref<!tpu.dma_semaphore, #tpu.memory_space<semaphore_mem>>) src(%dma_wait3A_532 : memref<16x1024xf32, #tpu.memory_space<vmem>>) dst(%dma_wait3A_528 : memref<16x1024xf32, #tpu.memory_space<hbm>>)
    %add3A_533 = arith.constant 4096 : i32
    %add3A_534 = arith.addi %add3A_533, %mul3A_2 : i32
    %dma_start3A_535 = arith.constant 2 : i32
    %dma_start3A_536 = arith.constant 2 : i32
    %dma_start3A_537 = arith.constant 0 : i32
    %dma_start3A_538 = arith.constant 0 : i32
    %dma_start3A_539 = tpu.memref_slice %arg6[%dma_start3A_535, %dma_start3A_537, %dma_start3A_538] : memref<3x16x1024xf32, #tpu.memory_space<vmem>> -> memref<1x16x1024xf32, #tpu.memory_space<vmem>>
    %dma_start3A_540 = tpu.memref_squeeze %dma_start3A_539 : memref<1x16x1024xf32, #tpu.memory_space<vmem>> -> memref<16x1024xf32, #tpu.memory_space<vmem>>
    %dma_start3A_541 = arith.constant 0 : i32
    %dma_start3A_542 = tpu.memref_slice %arg2[%add3A_534, %dma_start3A_541] : memref<8192x1024xf32, #tpu.memory_space<hbm>> -> memref<16x1024xf32, #tpu.memory_space<hbm>>
    %dma_start3A_543 = tpu.memref_slice %arg8[%dma_start3A_536] : memref<3x!tpu.dma_semaphore, #tpu.memory_space<semaphore_mem>> -> memref<1x!tpu.dma_semaphore, #tpu.memory_space<semaphore_mem>>
    %dma_start3A_544 = tpu.memref_squeeze %dma_start3A_543 : memref<1x!tpu.dma_semaphore, #tpu.memory_space<semaphore_mem>> -> memref<!tpu.dma_semaphore, #tpu.memory_space<semaphore_mem>>
    %dma_start3A_545 = arith.constant 0 : i32
    %dma_start3A_546 = arith.constant 0 : i32
    %dma_start3A_547 = tpu.memref_slice %arg6[%dma_start3A_535, %dma_start3A_545, %dma_start3A_546] : memref<3x16x1024xf32, #tpu.memory_space<vmem>> -> memref<1x16x1024xf32, #tpu.memory_space<vmem>>
    %dma_start3A_548 = tpu.memref_squeeze %dma_start3A_547 : memref<1x16x1024xf32, #tpu.memory_space<vmem>> -> memref<16x1024xf32, #tpu.memory_space<vmem>>
    %dma_start3A_549 = arith.constant 0 : i32
    %dma_start3A_550 = tpu.memref_slice %arg2[%add3A_534, %dma_start3A_549] : memref<8192x1024xf32, #tpu.memory_space<hbm>> -> memref<16x1024xf32, #tpu.memory_space<hbm>>
    tpu.enqueue_dma source(%dma_start3A_550 : memref<16x1024xf32, #tpu.memory_space<hbm>>) target(%dma_start3A_548 : memref<16x1024xf32, #tpu.memory_space<vmem>>) target_semaphore(%dma_start3A_544 : memref<!tpu.dma_semaphore, #tpu.memory_space<semaphore_mem>>)
    %add3A_551 = arith.constant 2096 : i32
    %add3A_552 = arith.addi %add3A_551, %mul3A_2 : i32
    %dma_wait3A_553 = arith.constant 1 : i32
    %dma_wait3A_554 = arith.constant 1 : i32
    %dma_wait3A_555 = arith.constant 0 : i32
    %dma_wait3A_556 = arith.constant 0 : i32
    %dma_wait3A_557 = tpu.memref_slice %arg6[%dma_wait3A_553, %dma_wait3A_555, %dma_wait3A_556] : memref<3x16x1024xf32, #tpu.memory_space<vmem>> -> memref<1x16x1024xf32, #tpu.memory_space<vmem>>
    %dma_wait3A_558 = tpu.memref_squeeze %dma_wait3A_557 : memref<1x16x1024xf32, #tpu.memory_space<vmem>> -> memref<16x1024xf32, #tpu.memory_space<vmem>>
    %dma_wait3A_559 = arith.constant 0 : i32
    %dma_wait3A_560 = tpu.memref_slice %arg2[%add3A_552, %dma_wait3A_559] : memref<8192x1024xf32, #tpu.memory_space<hbm>> -> memref<16x1024xf32, #tpu.memory_space<hbm>>
    %dma_wait3A_561 = tpu.memref_slice %arg8[%dma_wait3A_554] : memref<3x!tpu.dma_semaphore, #tpu.memory_space<semaphore_mem>> -> memref<1x!tpu.dma_semaphore, #tpu.memory_space<semaphore_mem>>
    %dma_wait3A_562 = tpu.memref_squeeze %dma_wait3A_561 : memref<1x!tpu.dma_semaphore, #tpu.memory_space<semaphore_mem>> -> memref<!tpu.dma_semaphore, #tpu.memory_space<semaphore_mem>>
    %dma_wait3A_563 = arith.constant 0 : i32
    %dma_wait3A_564 = arith.constant 0 : i32
    %dma_wait3A_565 = tpu.memref_slice %arg6[%dma_wait3A_553, %dma_wait3A_563, %dma_wait3A_564] : memref<3x16x1024xf32, #tpu.memory_space<vmem>> -> memref<1x16x1024xf32, #tpu.memory_space<vmem>>
    %dma_wait3A_566 = tpu.memref_squeeze %dma_wait3A_565 : memref<1x16x1024xf32, #tpu.memory_space<vmem>> -> memref<16x1024xf32, #tpu.memory_space<vmem>>
    %dma_wait3A_567 = arith.constant 0 : i32
    %dma_wait3A_568 = tpu.memref_slice %arg2[%add3A_552, %dma_wait3A_567] : memref<8192x1024xf32, #tpu.memory_space<hbm>> -> memref<16x1024xf32, #tpu.memory_space<hbm>>
    tpu.wait_dma2 semaphore(%dma_wait3A_562 : memref<!tpu.dma_semaphore, #tpu.memory_space<semaphore_mem>>) src(%dma_wait3A_568 : memref<16x1024xf32, #tpu.memory_space<hbm>>) dst(%dma_wait3A_566 : memref<16x1024xf32, #tpu.memory_space<vmem>>)
    %parallel_loop3A_569 = arith.constant 0 : i32
    %parallel_loop3A_570 = arith.constant 1024 : i32
    %parallel_loop3A_571 = arith.constant 1 : i32
    scf.for %parallel_loop3A_1208 = %parallel_loop3A_569 to %parallel_loop3A_570 step %parallel_loop3A_571  : i32 {
      %parallel_loop3A_1209 = arith.constant 64 : i32
      %parallel_loop3A_1210 = arith.divsi %parallel_loop3A_1208, %parallel_loop3A_1209 : i32
      %parallel_loop3A_1211 = arith.constant 0 : i32
      %parallel_loop3A_1212 = arith.cmpi sgt, %parallel_loop3A_1208, %parallel_loop3A_1211 : i32
      %parallel_loop3A_1213 = arith.extui %parallel_loop3A_1212 : i1 to i32
      %parallel_loop3A_1214 = arith.constant 0 : i32
      %parallel_loop3A_1215 = arith.cmpi slt, %parallel_loop3A_1208, %parallel_loop3A_1214 : i32
      %parallel_loop3A_1216 = arith.extui %parallel_loop3A_1215 : i1 to i32
      %parallel_loop3A_1217 = arith.subi %parallel_loop3A_1213, %parallel_loop3A_1216 : i32
      %parallel_loop3A_1218 = arith.constant 0 : i32
      %parallel_loop3A_1219 = arith.cmpi sgt, %parallel_loop3A_1209, %parallel_loop3A_1218 : i32
      %parallel_loop3A_1220 = arith.extui %parallel_loop3A_1219 : i1 to i32
      %parallel_loop3A_1221 = arith.constant 0 : i32
      %parallel_loop3A_1222 = arith.cmpi slt, %parallel_loop3A_1209, %parallel_loop3A_1221 : i32
      %parallel_loop3A_1223 = arith.extui %parallel_loop3A_1222 : i1 to i32
      %parallel_loop3A_1224 = arith.subi %parallel_loop3A_1220, %parallel_loop3A_1223 : i32
      %parallel_loop3A_1225 = arith.cmpi ne, %parallel_loop3A_1217, %parallel_loop3A_1224 : i32
      %parallel_loop3A_1226 = arith.remsi %parallel_loop3A_1208, %parallel_loop3A_1209 : i32
      %parallel_loop3A_1227 = arith.constant 0 : i32
      %parallel_loop3A_1228 = arith.cmpi ne, %parallel_loop3A_1226, %parallel_loop3A_1227 : i32
      %parallel_loop3A_1229 = arith.andi %parallel_loop3A_1225, %parallel_loop3A_1228 : i1
      %parallel_loop3A_1230 = arith.constant 1 : i32
      %parallel_loop3A_1231 = arith.subi %parallel_loop3A_1210, %parallel_loop3A_1230 : i32
      %parallel_loop3A_1232 = arith.select %parallel_loop3A_1229, %parallel_loop3A_1231, %parallel_loop3A_1210 : i32
      %parallel_loop3A_1233 = arith.constant 64 : i32
      %parallel_loop3A_1234 = arith.constant 0 : i32
      %parallel_loop3A_1235 = arith.cmpi eq, %parallel_loop3A_1233, %parallel_loop3A_1234 : i32
      %parallel_loop3A_1236 = arith.constant 1 : i32
      %parallel_loop3A_1237 = arith.select %parallel_loop3A_1235, %parallel_loop3A_1236, %parallel_loop3A_1233 : i32
      %parallel_loop3A_1238 = arith.remsi %parallel_loop3A_1208, %parallel_loop3A_1237 : i32
      %parallel_loop3A_1239 = arith.constant 0 : i32
      %parallel_loop3A_1240 = arith.cmpi ne, %parallel_loop3A_1238, %parallel_loop3A_1239 : i32
      %parallel_loop3A_1241 = arith.constant 0 : i32
      %parallel_loop3A_1242 = arith.cmpi slt, %parallel_loop3A_1238, %parallel_loop3A_1241 : i32
      %parallel_loop3A_1243 = arith.constant 0 : i32
      %parallel_loop3A_1244 = arith.cmpi slt, %parallel_loop3A_1237, %parallel_loop3A_1243 : i32
      %parallel_loop3A_1245 = arith.xori %parallel_loop3A_1242, %parallel_loop3A_1244 : i1
      %parallel_loop3A_1246 = arith.andi %parallel_loop3A_1245, %parallel_loop3A_1240 : i1
      %parallel_loop3A_1247 = arith.addi %parallel_loop3A_1238, %parallel_loop3A_1237 : i32
      %parallel_loop3A_1248 = arith.select %parallel_loop3A_1246, %parallel_loop3A_1247, %parallel_loop3A_1238 : i32
      %parallel_loop3A_1249 = arith.constant 16 : i32
      %parallel_loop3A_1250 = arith.muli %parallel_loop3A_1248, %parallel_loop3A_1249 : i32
      %parallel_loop3A_1251 = arith.constant 48 : i32
      %parallel_loop3A_1252 = arith.addi %parallel_loop3A_1251, %parallel_loop3A_1232 : i32
      %parallel_loop3A_1253 = arith.index_cast %parallel_loop3A_1252 : i32 to index
      %parallel_loop3A_1254 = arith.index_cast %parallel_loop3A_1250 : i32 to index
      %parallel_loop3A_1255 = tpu.vector_load %arg5[%parallel_loop3A_1253, %parallel_loop3A_1254] {strides = array<i32>} : memref<64x1024xf32, #tpu.memory_space<vmem>>, vector<1x16xf32>,
      %parallel_loop3A_1256 = vector.shape_cast %parallel_loop3A_1255 : vector<1x16xf32> to vector<16xf32>
      %parallel_loop3A_1257 = arith.constant 1 : i32
      %parallel_loop3A_1258 = arith.index_cast %parallel_loop3A_1257 : i32 to index
      %parallel_loop3A_1259 = arith.index_cast %parallel_loop3A_1232 : i32 to index
      %parallel_loop3A_1260 = arith.index_cast %parallel_loop3A_1250 : i32 to index
      %parallel_loop3A_1261 = tpu.vector_load %arg6[%parallel_loop3A_1258, %parallel_loop3A_1259, %parallel_loop3A_1260] {strides = array<i32>} : memref<3x16x1024xf32, #tpu.memory_space<vmem>>, vector<1x1x16xf32>,
      %parallel_loop3A_1262 = vector.shape_cast %parallel_loop3A_1261 : vector<1x1x16xf32> to vector<16xf32>
      %parallel_loop3A_1263 = vector.shape_cast %parallel_loop3A_1256 : vector<16xf32> to vector<1x1x16xf32>
      tpu.vector_store %arg6[%parallel_loop3A_1258, %parallel_loop3A_1259, %parallel_loop3A_1260], %parallel_loop3A_1263 {add = true, strides = array<i32>} : memref<3x16x1024xf32, #tpu.memory_space<vmem>>, vector<1x1x16xf32>,
    } {sc.loop_unroll_factor = 8 : i64, sc.parallel_access}
    %add3A_572 = arith.constant 2096 : i32
    %add3A_573 = arith.addi %add3A_572, %mul3A_2 : i32
    %dma_start3A_574 = arith.constant 1 : i32
    %dma_start3A_575 = arith.constant 1 : i32
    %dma_start3A_576 = arith.constant 0 : i32
    %dma_start3A_577 = arith.constant 0 : i32
    %dma_start3A_578 = tpu.memref_slice %arg6[%dma_start3A_574, %dma_start3A_576, %dma_start3A_577] : memref<3x16x1024xf32, #tpu.memory_space<vmem>> -> memref<1x16x1024xf32, #tpu.memory_space<vmem>>
    %dma_start3A_579 = tpu.memref_squeeze %dma_start3A_578 : memref<1x16x1024xf32, #tpu.memory_space<vmem>> -> memref<16x1024xf32, #tpu.memory_space<vmem>>
    %dma_start3A_580 = arith.constant 0 : i32
    %dma_start3A_581 = tpu.memref_slice %arg4[%add3A_573, %dma_start3A_580] : memref<8192x1024xf32, #tpu.memory_space<hbm>> -> memref<16x1024xf32, #tpu.memory_space<hbm>>
    %dma_start3A_582 = tpu.memref_slice %arg9[%dma_start3A_575] : memref<3x!tpu.dma_semaphore, #tpu.memory_space<semaphore_mem>> -> memref<1x!tpu.dma_semaphore, #tpu.memory_space<semaphore_mem>>
    %dma_start3A_583 = tpu.memref_squeeze %dma_start3A_582 : memref<1x!tpu.dma_semaphore, #tpu.memory_space<semaphore_mem>> -> memref<!tpu.dma_semaphore, #tpu.memory_space<semaphore_mem>>
    %dma_start3A_584 = arith.constant 0 : i32
    %dma_start3A_585 = tpu.memref_slice %arg4[%add3A_573, %dma_start3A_584] : memref<8192x1024xf32, #tpu.memory_space<hbm>> -> memref<16x1024xf32, #tpu.memory_space<hbm>>
    %dma_start3A_586 = arith.constant 0 : i32
    %dma_start3A_587 = arith.constant 0 : i32
    %dma_start3A_588 = tpu.memref_slice %arg6[%dma_start3A_574, %dma_start3A_586, %dma_start3A_587] : memref<3x16x1024xf32, #tpu.memory_space<vmem>> -> memref<1x16x1024xf32, #tpu.memory_space<vmem>>
    %dma_start3A_589 = tpu.memref_squeeze %dma_start3A_588 : memref<1x16x1024xf32, #tpu.memory_space<vmem>> -> memref<16x1024xf32, #tpu.memory_space<vmem>>
    tpu.enqueue_dma source(%dma_start3A_589 : memref<16x1024xf32, #tpu.memory_space<vmem>>) target(%dma_start3A_585 : memref<16x1024xf32, #tpu.memory_space<hbm>>) target_semaphore(%dma_start3A_583 : memref<!tpu.dma_semaphore, #tpu.memory_space<semaphore_mem>>)
    %add3A_590 = arith.constant 2080 : i32
    %add3A_591 = arith.addi %add3A_590, %mul3A_2 : i32
    %dma_wait3A_592 = arith.constant 0 : i32
    %dma_wait3A_593 = arith.constant 0 : i32
    %dma_wait3A_594 = arith.constant 0 : i32
    %dma_wait3A_595 = arith.constant 0 : i32
    %dma_wait3A_596 = tpu.memref_slice %arg6[%dma_wait3A_592, %dma_wait3A_594, %dma_wait3A_595] : memref<3x16x1024xf32, #tpu.memory_space<vmem>> -> memref<1x16x1024xf32, #tpu.memory_space<vmem>>
    %dma_wait3A_597 = tpu.memref_squeeze %dma_wait3A_596 : memref<1x16x1024xf32, #tpu.memory_space<vmem>> -> memref<16x1024xf32, #tpu.memory_space<vmem>>
    %dma_wait3A_598 = arith.constant 0 : i32
    %dma_wait3A_599 = tpu.memref_slice %arg4[%add3A_591, %dma_wait3A_598] : memref<8192x1024xf32, #tpu.memory_space<hbm>> -> memref<16x1024xf32, #tpu.memory_space<hbm>>
    %dma_wait3A_600 = tpu.memref_slice %arg9[%dma_wait3A_593] : memref<3x!tpu.dma_semaphore, #tpu.memory_space<semaphore_mem>> -> memref<1x!tpu.dma_semaphore, #tpu.memory_space<semaphore_mem>>
    %dma_wait3A_601 = tpu.memref_squeeze %dma_wait3A_600 : memref<1x!tpu.dma_semaphore, #tpu.memory_space<semaphore_mem>> -> memref<!tpu.dma_semaphore, #tpu.memory_space<semaphore_mem>>
    %dma_wait3A_602 = arith.constant 0 : i32
    %dma_wait3A_603 = tpu.memref_slice %arg4[%add3A_591, %dma_wait3A_602] : memref<8192x1024xf32, #tpu.memory_space<hbm>> -> memref<16x1024xf32, #tpu.memory_space<hbm>>
    %dma_wait3A_604 = arith.constant 0 : i32
    %dma_wait3A_605 = arith.constant 0 : i32
    %dma_wait3A_606 = tpu.memref_slice %arg6[%dma_wait3A_592, %dma_wait3A_604, %dma_wait3A_605] : memref<3x16x1024xf32, #tpu.memory_space<vmem>> -> memref<1x16x1024xf32, #tpu.memory_space<vmem>>
    %dma_wait3A_607 = tpu.memref_squeeze %dma_wait3A_606 : memref<1x16x1024xf32, #tpu.memory_space<vmem>> -> memref<16x1024xf32, #tpu.memory_space<vmem>>
    tpu.wait_dma2 semaphore(%dma_wait3A_601 : memref<!tpu.dma_semaphore, #tpu.memory_space<semaphore_mem>>) src(%dma_wait3A_607 : memref<16x1024xf32, #tpu.memory_space<vmem>>) dst(%dma_wait3A_603 : memref<16x1024xf32, #tpu.memory_space<hbm>>)
    %add3A_608 = arith.constant 4112 : i32
    %add3A_609 = arith.addi %add3A_608, %mul3A_2 : i32
    %dma_start3A_610 = arith.constant 0 : i32
    %dma_start3A_611 = arith.constant 0 : i32
    %dma_start3A_612 = arith.constant 0 : i32
    %dma_start3A_613 = arith.constant 0 : i32
    %dma_start3A_614 = tpu.memref_slice %arg6[%dma_start3A_610, %dma_start3A_612, %dma_start3A_613] : memref<3x16x1024xf32, #tpu.memory_space<vmem>> -> memref<1x16x1024xf32, #tpu.memory_space<vmem>>
    %dma_start3A_615 = tpu.memref_squeeze %dma_start3A_614 : memref<1x16x1024xf32, #tpu.memory_space<vmem>> -> memref<16x1024xf32, #tpu.memory_space<vmem>>
    %dma_start3A_616 = arith.constant 0 : i32
    %dma_start3A_617 = tpu.memref_slice %arg2[%add3A_609, %dma_start3A_616] : memref<8192x1024xf32, #tpu.memory_space<hbm>> -> memref<16x1024xf32, #tpu.memory_space<hbm>>
    %dma_start3A_618 = tpu.memref_slice %arg8[%dma_start3A_611] : memref<3x!tpu.dma_semaphore, #tpu.memory_space<semaphore_mem>> -> memref<1x!tpu.dma_semaphore, #tpu.memory_space<semaphore_mem>>
    %dma_start3A_619 = tpu.memref_squeeze %dma_start3A_618 : memref<1x!tpu.dma_semaphore, #tpu.memory_space<semaphore_mem>> -> memref<!tpu.dma_semaphore, #tpu.memory_space<semaphore_mem>>
    %dma_start3A_620 = arith.constant 0 : i32
    %dma_start3A_621 = arith.constant 0 : i32
    %dma_start3A_622 = tpu.memref_slice %arg6[%dma_start3A_610, %dma_start3A_620, %dma_start3A_621] : memref<3x16x1024xf32, #tpu.memory_space<vmem>> -> memref<1x16x1024xf32, #tpu.memory_space<vmem>>
    %dma_start3A_623 = tpu.memref_squeeze %dma_start3A_622 : memref<1x16x1024xf32, #tpu.memory_space<vmem>> -> memref<16x1024xf32, #tpu.memory_space<vmem>>
    %dma_start3A_624 = arith.constant 0 : i32
    %dma_start3A_625 = tpu.memref_slice %arg2[%add3A_609, %dma_start3A_624] : memref<8192x1024xf32, #tpu.memory_space<hbm>> -> memref<16x1024xf32, #tpu.memory_space<hbm>>
    tpu.enqueue_dma source(%dma_start3A_625 : memref<16x1024xf32, #tpu.memory_space<hbm>>) target(%dma_start3A_623 : memref<16x1024xf32, #tpu.memory_space<vmem>>) target_semaphore(%dma_start3A_619 : memref<!tpu.dma_semaphore, #tpu.memory_space<semaphore_mem>>)
    %add3A_626 = arith.constant 4096 : i32
    %add3A_627 = arith.addi %add3A_626, %mul3A_2 : i32
    %dma_wait3A_628 = arith.constant 2 : i32
    %dma_wait3A_629 = arith.constant 2 : i32
    %dma_wait3A_630 = arith.constant 0 : i32
    %dma_wait3A_631 = arith.constant 0 : i32
    %dma_wait3A_632 = tpu.memref_slice %arg6[%dma_wait3A_628, %dma_wait3A_630, %dma_wait3A_631] : memref<3x16x1024xf32, #tpu.memory_space<vmem>> -> memref<1x16x1024xf32, #tpu.memory_space<vmem>>
    %dma_wait3A_633 = tpu.memref_squeeze %dma_wait3A_632 : memref<1x16x1024xf32, #tpu.memory_space<vmem>> -> memref<16x1024xf32, #tpu.memory_space<vmem>>
    %dma_wait3A_634 = arith.constant 0 : i32
    %dma_wait3A_635 = tpu.memref_slice %arg2[%add3A_627, %dma_wait3A_634] : memref<8192x1024xf32, #tpu.memory_space<hbm>> -> memref<16x1024xf32, #tpu.memory_space<hbm>>
    %dma_wait3A_636 = tpu.memref_slice %arg8[%dma_wait3A_629] : memref<3x!tpu.dma_semaphore, #tpu.memory_space<semaphore_mem>> -> memref<1x!tpu.dma_semaphore, #tpu.memory_space<semaphore_mem>>
    %dma_wait3A_637 = tpu.memref_squeeze %dma_wait3A_636 : memref<1x!tpu.dma_semaphore, #tpu.memory_space<semaphore_mem>> -> memref<!tpu.dma_semaphore, #tpu.memory_space<semaphore_mem>>
    %dma_wait3A_638 = arith.constant 0 : i32
    %dma_wait3A_639 = arith.constant 0 : i32
    %dma_wait3A_640 = tpu.memref_slice %arg6[%dma_wait3A_628, %dma_wait3A_638, %dma_wait3A_639] : memref<3x16x1024xf32, #tpu.memory_space<vmem>> -> memref<1x16x1024xf32, #tpu.memory_space<vmem>>
    %dma_wait3A_641 = tpu.memref_squeeze %dma_wait3A_640 : memref<1x16x1024xf32, #tpu.memory_space<vmem>> -> memref<16x1024xf32, #tpu.memory_space<vmem>>
    %dma_wait3A_642 = arith.constant 0 : i32
    %dma_wait3A_643 = tpu.memref_slice %arg2[%add3A_627, %dma_wait3A_642] : memref<8192x1024xf32, #tpu.memory_space<hbm>> -> memref<16x1024xf32, #tpu.memory_space<hbm>>
    tpu.wait_dma2 semaphore(%dma_wait3A_637 : memref<!tpu.dma_semaphore, #tpu.memory_space<semaphore_mem>>) src(%dma_wait3A_643 : memref<16x1024xf32, #tpu.memory_space<hbm>>) dst(%dma_wait3A_641 : memref<16x1024xf32, #tpu.memory_space<vmem>>)
    %parallel_loop3A_644 = arith.constant 0 : i32
    %parallel_loop3A_645 = arith.constant 1024 : i32
    %parallel_loop3A_646 = arith.constant 1 : i32
    scf.for %parallel_loop3A_1208 = %parallel_loop3A_644 to %parallel_loop3A_645 step %parallel_loop3A_646  : i32 {
      %parallel_loop3A_1209 = arith.constant 64 : i32
      %parallel_loop3A_1210 = arith.divsi %parallel_loop3A_1208, %parallel_loop3A_1209 : i32
      %parallel_loop3A_1211 = arith.constant 0 : i32
      %parallel_loop3A_1212 = arith.cmpi sgt, %parallel_loop3A_1208, %parallel_loop3A_1211 : i32
      %parallel_loop3A_1213 = arith.extui %parallel_loop3A_1212 : i1 to i32
      %parallel_loop3A_1214 = arith.constant 0 : i32
      %parallel_loop3A_1215 = arith.cmpi slt, %parallel_loop3A_1208, %parallel_loop3A_1214 : i32
      %parallel_loop3A_1216 = arith.extui %parallel_loop3A_1215 : i1 to i32
      %parallel_loop3A_1217 = arith.subi %parallel_loop3A_1213, %parallel_loop3A_1216 : i32
      %parallel_loop3A_1218 = arith.constant 0 : i32
      %parallel_loop3A_1219 = arith.cmpi sgt, %parallel_loop3A_1209, %parallel_loop3A_1218 : i32
      %parallel_loop3A_1220 = arith.extui %parallel_loop3A_1219 : i1 to i32
      %parallel_loop3A_1221 = arith.constant 0 : i32
      %parallel_loop3A_1222 = arith.cmpi slt, %parallel_loop3A_1209, %parallel_loop3A_1221 : i32
      %parallel_loop3A_1223 = arith.extui %parallel_loop3A_1222 : i1 to i32
      %parallel_loop3A_1224 = arith.subi %parallel_loop3A_1220, %parallel_loop3A_1223 : i32
      %parallel_loop3A_1225 = arith.cmpi ne, %parallel_loop3A_1217, %parallel_loop3A_1224 : i32
      %parallel_loop3A_1226 = arith.remsi %parallel_loop3A_1208, %parallel_loop3A_1209 : i32
      %parallel_loop3A_1227 = arith.constant 0 : i32
      %parallel_loop3A_1228 = arith.cmpi ne, %parallel_loop3A_1226, %parallel_loop3A_1227 : i32
      %parallel_loop3A_1229 = arith.andi %parallel_loop3A_1225, %parallel_loop3A_1228 : i1
      %parallel_loop3A_1230 = arith.constant 1 : i32
      %parallel_loop3A_1231 = arith.subi %parallel_loop3A_1210, %parallel_loop3A_1230 : i32
      %parallel_loop3A_1232 = arith.select %parallel_loop3A_1229, %parallel_loop3A_1231, %parallel_loop3A_1210 : i32
      %parallel_loop3A_1233 = arith.constant 64 : i32
      %parallel_loop3A_1234 = arith.constant 0 : i32
      %parallel_loop3A_1235 = arith.cmpi eq, %parallel_loop3A_1233, %parallel_loop3A_1234 : i32
      %parallel_loop3A_1236 = arith.constant 1 : i32
      %parallel_loop3A_1237 = arith.select %parallel_loop3A_1235, %parallel_loop3A_1236, %parallel_loop3A_1233 : i32
      %parallel_loop3A_1238 = arith.remsi %parallel_loop3A_1208, %parallel_loop3A_1237 : i32
      %parallel_loop3A_1239 = arith.constant 0 : i32
      %parallel_loop3A_1240 = arith.cmpi ne, %parallel_loop3A_1238, %parallel_loop3A_1239 : i32
      %parallel_loop3A_1241 = arith.constant 0 : i32
      %parallel_loop3A_1242 = arith.cmpi slt, %parallel_loop3A_1238, %parallel_loop3A_1241 : i32
      %parallel_loop3A_1243 = arith.constant 0 : i32
      %parallel_loop3A_1244 = arith.cmpi slt, %parallel_loop3A_1237, %parallel_loop3A_1243 : i32
      %parallel_loop3A_1245 = arith.xori %parallel_loop3A_1242, %parallel_loop3A_1244 : i1
      %parallel_loop3A_1246 = arith.andi %parallel_loop3A_1245, %parallel_loop3A_1240 : i1
      %parallel_loop3A_1247 = arith.addi %parallel_loop3A_1238, %parallel_loop3A_1237 : i32
      %parallel_loop3A_1248 = arith.select %parallel_loop3A_1246, %parallel_loop3A_1247, %parallel_loop3A_1238 : i32
      %parallel_loop3A_1249 = arith.constant 16 : i32
      %parallel_loop3A_1250 = arith.muli %parallel_loop3A_1248, %parallel_loop3A_1249 : i32
      %parallel_loop3A_1251 = arith.constant 0 : i32
      %parallel_loop3A_1252 = arith.addi %parallel_loop3A_1251, %parallel_loop3A_1232 : i32
      %parallel_loop3A_1253 = arith.index_cast %parallel_loop3A_1252 : i32 to index
      %parallel_loop3A_1254 = arith.index_cast %parallel_loop3A_1250 : i32 to index
      %parallel_loop3A_1255 = tpu.vector_load %arg5[%parallel_loop3A_1253, %parallel_loop3A_1254] {strides = array<i32>} : memref<64x1024xf32, #tpu.memory_space<vmem>>, vector<1x16xf32>,
      %parallel_loop3A_1256 = vector.shape_cast %parallel_loop3A_1255 : vector<1x16xf32> to vector<16xf32>
      %parallel_loop3A_1257 = arith.constant 2 : i32
      %parallel_loop3A_1258 = arith.index_cast %parallel_loop3A_1257 : i32 to index
      %parallel_loop3A_1259 = arith.index_cast %parallel_loop3A_1232 : i32 to index
      %parallel_loop3A_1260 = arith.index_cast %parallel_loop3A_1250 : i32 to index
      %parallel_loop3A_1261 = tpu.vector_load %arg6[%parallel_loop3A_1258, %parallel_loop3A_1259, %parallel_loop3A_1260] {strides = array<i32>} : memref<3x16x1024xf32, #tpu.memory_space<vmem>>, vector<1x1x16xf32>,
      %parallel_loop3A_1262 = vector.shape_cast %parallel_loop3A_1261 : vector<1x1x16xf32> to vector<16xf32>
      %parallel_loop3A_1263 = vector.shape_cast %parallel_loop3A_1256 : vector<16xf32> to vector<1x1x16xf32>
      tpu.vector_store %arg6[%parallel_loop3A_1258, %parallel_loop3A_1259, %parallel_loop3A_1260], %parallel_loop3A_1263 {add = true, strides = array<i32>} : memref<3x16x1024xf32, #tpu.memory_space<vmem>>, vector<1x1x16xf32>,
    } {sc.loop_unroll_factor = 8 : i64, sc.parallel_access}
    %add3A_647 = arith.constant 4096 : i32
    %add3A_648 = arith.addi %add3A_647, %mul3A_2 : i32
    %dma_start3A_649 = arith.constant 2 : i32
    %dma_start3A_650 = arith.constant 2 : i32
    %dma_start3A_651 = arith.constant 0 : i32
    %dma_start3A_652 = arith.constant 0 : i32
    %dma_start3A_653 = tpu.memref_slice %arg6[%dma_start3A_649, %dma_start3A_651, %dma_start3A_652] : memref<3x16x1024xf32, #tpu.memory_space<vmem>> -> memref<1x16x1024xf32, #tpu.memory_space<vmem>>
    %dma_start3A_654 = tpu.memref_squeeze %dma_start3A_653 : memref<1x16x1024xf32, #tpu.memory_space<vmem>> -> memref<16x1024xf32, #tpu.memory_space<vmem>>
    %dma_start3A_655 = arith.constant 0 : i32
    %dma_start3A_656 = tpu.memref_slice %arg4[%add3A_648, %dma_start3A_655] : memref<8192x1024xf32, #tpu.memory_space<hbm>> -> memref<16x1024xf32, #tpu.memory_space<hbm>>
    %dma_start3A_657 = tpu.memref_slice %arg9[%dma_start3A_650] : memref<3x!tpu.dma_semaphore, #tpu.memory_space<semaphore_mem>> -> memref<1x!tpu.dma_semaphore, #tpu.memory_space<semaphore_mem>>
    %dma_start3A_658 = tpu.memref_squeeze %dma_start3A_657 : memref<1x!tpu.dma_semaphore, #tpu.memory_space<semaphore_mem>> -> memref<!tpu.dma_semaphore, #tpu.memory_space<semaphore_mem>>
    %dma_start3A_659 = arith.constant 0 : i32
    %dma_start3A_660 = tpu.memref_slice %arg4[%add3A_648, %dma_start3A_659] : memref<8192x1024xf32, #tpu.memory_space<hbm>> -> memref<16x1024xf32, #tpu.memory_space<hbm>>
    %dma_start3A_661 = arith.constant 0 : i32
    %dma_start3A_662 = arith.constant 0 : i32
    %dma_start3A_663 = tpu.memref_slice %arg6[%dma_start3A_649, %dma_start3A_661, %dma_start3A_662] : memref<3x16x1024xf32, #tpu.memory_space<vmem>> -> memref<1x16x1024xf32, #tpu.memory_space<vmem>>
    %dma_start3A_664 = tpu.memref_squeeze %dma_start3A_663 : memref<1x16x1024xf32, #tpu.memory_space<vmem>> -> memref<16x1024xf32, #tpu.memory_space<vmem>>
    tpu.enqueue_dma source(%dma_start3A_664 : memref<16x1024xf32, #tpu.memory_space<vmem>>) target(%dma_start3A_660 : memref<16x1024xf32, #tpu.memory_space<hbm>>) target_semaphore(%dma_start3A_658 : memref<!tpu.dma_semaphore, #tpu.memory_space<semaphore_mem>>)
    %add3A_665 = arith.constant 2096 : i32
    %add3A_666 = arith.addi %add3A_665, %mul3A_2 : i32
    %dma_wait3A_667 = arith.constant 1 : i32
    %dma_wait3A_668 = arith.constant 1 : i32
    %dma_wait3A_669 = arith.constant 0 : i32
    %dma_wait3A_670 = arith.constant 0 : i32
    %dma_wait3A_671 = tpu.memref_slice %arg6[%dma_wait3A_667, %dma_wait3A_669, %dma_wait3A_670] : memref<3x16x1024xf32, #tpu.memory_space<vmem>> -> memref<1x16x1024xf32, #tpu.memory_space<vmem>>
    %dma_wait3A_672 = tpu.memref_squeeze %dma_wait3A_671 : memref<1x16x1024xf32, #tpu.memory_space<vmem>> -> memref<16x1024xf32, #tpu.memory_space<vmem>>
    %dma_wait3A_673 = arith.constant 0 : i32
    %dma_wait3A_674 = tpu.memref_slice %arg4[%add3A_666, %dma_wait3A_673] : memref<8192x1024xf32, #tpu.memory_space<hbm>> -> memref<16x1024xf32, #tpu.memory_space<hbm>>
    %dma_wait3A_675 = tpu.memref_slice %arg9[%dma_wait3A_668] : memref<3x!tpu.dma_semaphore, #tpu.memory_space<semaphore_mem>> -> memref<1x!tpu.dma_semaphore, #tpu.memory_space<semaphore_mem>>
    %dma_wait3A_676 = tpu.memref_squeeze %dma_wait3A_675 : memref<1x!tpu.dma_semaphore, #tpu.memory_space<semaphore_mem>> -> memref<!tpu.dma_semaphore, #tpu.memory_space<semaphore_mem>>
    %dma_wait3A_677 = arith.constant 0 : i32
    %dma_wait3A_678 = tpu.memref_slice %arg4[%add3A_666, %dma_wait3A_677] : memref<8192x1024xf32, #tpu.memory_space<hbm>> -> memref<16x1024xf32, #tpu.memory_space<hbm>>
    %dma_wait3A_679 = arith.constant 0 : i32
    %dma_wait3A_680 = arith.constant 0 : i32
    %dma_wait3A_681 = tpu.memref_slice %arg6[%dma_wait3A_667, %dma_wait3A_679, %dma_wait3A_680] : memref<3x16x1024xf32, #tpu.memory_space<vmem>> -> memref<1x16x1024xf32, #tpu.memory_space<vmem>>
    %dma_wait3A_682 = tpu.memref_squeeze %dma_wait3A_681 : memref<1x16x1024xf32, #tpu.memory_space<vmem>> -> memref<16x1024xf32, #tpu.memory_space<vmem>>
    tpu.wait_dma2 semaphore(%dma_wait3A_676 : memref<!tpu.dma_semaphore, #tpu.memory_space<semaphore_mem>>) src(%dma_wait3A_682 : memref<16x1024xf32, #tpu.memory_space<vmem>>) dst(%dma_wait3A_678 : memref<16x1024xf32, #tpu.memory_space<hbm>>)
    %add3A_683 = arith.constant 4128 : i32
    %add3A_684 = arith.addi %add3A_683, %mul3A_2 : i32
    %dma_start3A_685 = arith.constant 1 : i32
    %dma_start3A_686 = arith.constant 1 : i32
    %dma_start3A_687 = arith.constant 0 : i32
    %dma_start3A_688 = arith.constant 0 : i32
    %dma_start3A_689 = tpu.memref_slice %arg6[%dma_start3A_685, %dma_start3A_687, %dma_start3A_688] : memref<3x16x1024xf32, #tpu.memory_space<vmem>> -> memref<1x16x1024xf32, #tpu.memory_space<vmem>>
    %dma_start3A_690 = tpu.memref_squeeze %dma_start3A_689 : memref<1x16x1024xf32, #tpu.memory_space<vmem>> -> memref<16x1024xf32, #tpu.memory_space<vmem>>
    %dma_start3A_691 = arith.constant 0 : i32
    %dma_start3A_692 = tpu.memref_slice %arg2[%add3A_684, %dma_start3A_691] : memref<8192x1024xf32, #tpu.memory_space<hbm>> -> memref<16x1024xf32, #tpu.memory_space<hbm>>
    %dma_start3A_693 = tpu.memref_slice %arg8[%dma_start3A_686] : memref<3x!tpu.dma_semaphore, #tpu.memory_space<semaphore_mem>> -> memref<1x!tpu.dma_semaphore, #tpu.memory_space<semaphore_mem>>
    %dma_start3A_694 = tpu.memref_squeeze %dma_start3A_693 : memref<1x!tpu.dma_semaphore, #tpu.memory_space<semaphore_mem>> -> memref<!tpu.dma_semaphore, #tpu.memory_space<semaphore_mem>>
    %dma_start3A_695 = arith.constant 0 : i32
    %dma_start3A_696 = arith.constant 0 : i32
    %dma_start3A_697 = tpu.memref_slice %arg6[%dma_start3A_685, %dma_start3A_695, %dma_start3A_696] : memref<3x16x1024xf32, #tpu.memory_space<vmem>> -> memref<1x16x1024xf32, #tpu.memory_space<vmem>>
    %dma_start3A_698 = tpu.memref_squeeze %dma_start3A_697 : memref<1x16x1024xf32, #tpu.memory_space<vmem>> -> memref<16x1024xf32, #tpu.memory_space<vmem>>
    %dma_start3A_699 = arith.constant 0 : i32
    %dma_start3A_700 = tpu.memref_slice %arg2[%add3A_684, %dma_start3A_699] : memref<8192x1024xf32, #tpu.memory_space<hbm>> -> memref<16x1024xf32, #tpu.memory_space<hbm>>
    tpu.enqueue_dma source(%dma_start3A_700 : memref<16x1024xf32, #tpu.memory_space<hbm>>) target(%dma_start3A_698 : memref<16x1024xf32, #tpu.memory_space<vmem>>) target_semaphore(%dma_start3A_694 : memref<!tpu.dma_semaphore, #tpu.memory_space<semaphore_mem>>)
    %add3A_701 = arith.constant 4112 : i32
    %add3A_702 = arith.addi %add3A_701, %mul3A_2 : i32
    %dma_wait3A_703 = arith.constant 0 : i32
    %dma_wait3A_704 = arith.constant 0 : i32
    %dma_wait3A_705 = arith.constant 0 : i32
    %dma_wait3A_706 = arith.constant 0 : i32
    %dma_wait3A_707 = tpu.memref_slice %arg6[%dma_wait3A_703, %dma_wait3A_705, %dma_wait3A_706] : memref<3x16x1024xf32, #tpu.memory_space<vmem>> -> memref<1x16x1024xf32, #tpu.memory_space<vmem>>
    %dma_wait3A_708 = tpu.memref_squeeze %dma_wait3A_707 : memref<1x16x1024xf32, #tpu.memory_space<vmem>> -> memref<16x1024xf32, #tpu.memory_space<vmem>>
    %dma_wait3A_709 = arith.constant 0 : i32
    %dma_wait3A_710 = tpu.memref_slice %arg2[%add3A_702, %dma_wait3A_709] : memref<8192x1024xf32, #tpu.memory_space<hbm>> -> memref<16x1024xf32, #tpu.memory_space<hbm>>
    %dma_wait3A_711 = tpu.memref_slice %arg8[%dma_wait3A_704] : memref<3x!tpu.dma_semaphore, #tpu.memory_space<semaphore_mem>> -> memref<1x!tpu.dma_semaphore, #tpu.memory_space<semaphore_mem>>
    %dma_wait3A_712 = tpu.memref_squeeze %dma_wait3A_711 : memref<1x!tpu.dma_semaphore, #tpu.memory_space<semaphore_mem>> -> memref<!tpu.dma_semaphore, #tpu.memory_space<semaphore_mem>>
    %dma_wait3A_713 = arith.constant 0 : i32
    %dma_wait3A_714 = arith.constant 0 : i32
    %dma_wait3A_715 = tpu.memref_slice %arg6[%dma_wait3A_703, %dma_wait3A_713, %dma_wait3A_714] : memref<3x16x1024xf32, #tpu.memory_space<vmem>> -> memref<1x16x1024xf32, #tpu.memory_space<vmem>>
    %dma_wait3A_716 = tpu.memref_squeeze %dma_wait3A_715 : memref<1x16x1024xf32, #tpu.memory_space<vmem>> -> memref<16x1024xf32, #tpu.memory_space<vmem>>
    %dma_wait3A_717 = arith.constant 0 : i32
    %dma_wait3A_718 = tpu.memref_slice %arg2[%add3A_702, %dma_wait3A_717] : memref<8192x1024xf32, #tpu.memory_space<hbm>> -> memref<16x1024xf32, #tpu.memory_space<hbm>>
    tpu.wait_dma2 semaphore(%dma_wait3A_712 : memref<!tpu.dma_semaphore, #tpu.memory_space<semaphore_mem>>) src(%dma_wait3A_718 : memref<16x1024xf32, #tpu.memory_space<hbm>>) dst(%dma_wait3A_716 : memref<16x1024xf32, #tpu.memory_space<vmem>>)
    %parallel_loop3A_719 = arith.constant 0 : i32
    %parallel_loop3A_720 = arith.constant 1024 : i32
    %parallel_loop3A_721 = arith.constant 1 : i32
    scf.for %parallel_loop3A_1208 = %parallel_loop3A_719 to %parallel_loop3A_720 step %parallel_loop3A_721  : i32 {
      %parallel_loop3A_1209 = arith.constant 64 : i32
      %parallel_loop3A_1210 = arith.divsi %parallel_loop3A_1208, %parallel_loop3A_1209 : i32
      %parallel_loop3A_1211 = arith.constant 0 : i32
      %parallel_loop3A_1212 = arith.cmpi sgt, %parallel_loop3A_1208, %parallel_loop3A_1211 : i32
      %parallel_loop3A_1213 = arith.extui %parallel_loop3A_1212 : i1 to i32
      %parallel_loop3A_1214 = arith.constant 0 : i32
      %parallel_loop3A_1215 = arith.cmpi slt, %parallel_loop3A_1208, %parallel_loop3A_1214 : i32
      %parallel_loop3A_1216 = arith.extui %parallel_loop3A_1215 : i1 to i32
      %parallel_loop3A_1217 = arith.subi %parallel_loop3A_1213, %parallel_loop3A_1216 : i32
      %parallel_loop3A_1218 = arith.constant 0 : i32
      %parallel_loop3A_1219 = arith.cmpi sgt, %parallel_loop3A_1209, %parallel_loop3A_1218 : i32
      %parallel_loop3A_1220 = arith.extui %parallel_loop3A_1219 : i1 to i32
      %parallel_loop3A_1221 = arith.constant 0 : i32
      %parallel_loop3A_1222 = arith.cmpi slt, %parallel_loop3A_1209, %parallel_loop3A_1221 : i32
      %parallel_loop3A_1223 = arith.extui %parallel_loop3A_1222 : i1 to i32
      %parallel_loop3A_1224 = arith.subi %parallel_loop3A_1220, %parallel_loop3A_1223 : i32
      %parallel_loop3A_1225 = arith.cmpi ne, %parallel_loop3A_1217, %parallel_loop3A_1224 : i32
      %parallel_loop3A_1226 = arith.remsi %parallel_loop3A_1208, %parallel_loop3A_1209 : i32
      %parallel_loop3A_1227 = arith.constant 0 : i32
      %parallel_loop3A_1228 = arith.cmpi ne, %parallel_loop3A_1226, %parallel_loop3A_1227 : i32
      %parallel_loop3A_1229 = arith.andi %parallel_loop3A_1225, %parallel_loop3A_1228 : i1
      %parallel_loop3A_1230 = arith.constant 1 : i32
      %parallel_loop3A_1231 = arith.subi %parallel_loop3A_1210, %parallel_loop3A_1230 : i32
      %parallel_loop3A_1232 = arith.select %parallel_loop3A_1229, %parallel_loop3A_1231, %parallel_loop3A_1210 : i32
      %parallel_loop3A_1233 = arith.constant 64 : i32
      %parallel_loop3A_1234 = arith.constant 0 : i32
      %parallel_loop3A_1235 = arith.cmpi eq, %parallel_loop3A_1233, %parallel_loop3A_1234 : i32
      %parallel_loop3A_1236 = arith.constant 1 : i32
      %parallel_loop3A_1237 = arith.select %parallel_loop3A_1235, %parallel_loop3A_1236, %parallel_loop3A_1233 : i32
      %parallel_loop3A_1238 = arith.remsi %parallel_loop3A_1208, %parallel_loop3A_1237 : i32
      %parallel_loop3A_1239 = arith.constant 0 : i32
      %parallel_loop3A_1240 = arith.cmpi ne, %parallel_loop3A_1238, %parallel_loop3A_1239 : i32
      %parallel_loop3A_1241 = arith.constant 0 : i32
      %parallel_loop3A_1242 = arith.cmpi slt, %parallel_loop3A_1238, %parallel_loop3A_1241 : i32
      %parallel_loop3A_1243 = arith.constant 0 : i32
      %parallel_loop3A_1244 = arith.cmpi slt, %parallel_loop3A_1237, %parallel_loop3A_1243 : i32
      %parallel_loop3A_1245 = arith.xori %parallel_loop3A_1242, %parallel_loop3A_1244 : i1
      %parallel_loop3A_1246 = arith.andi %parallel_loop3A_1245, %parallel_loop3A_1240 : i1
      %parallel_loop3A_1247 = arith.addi %parallel_loop3A_1238, %parallel_loop3A_1237 : i32
      %parallel_loop3A_1248 = arith.select %parallel_loop3A_1246, %parallel_loop3A_1247, %parallel_loop3A_1238 : i32
      %parallel_loop3A_1249 = arith.constant 16 : i32
      %parallel_loop3A_1250 = arith.muli %parallel_loop3A_1248, %parallel_loop3A_1249 : i32
      %parallel_loop3A_1251 = arith.constant 16 : i32
      %parallel_loop3A_1252 = arith.addi %parallel_loop3A_1251, %parallel_loop3A_1232 : i32
      %parallel_loop3A_1253 = arith.index_cast %parallel_loop3A_1252 : i32 to index
      %parallel_loop3A_1254 = arith.index_cast %parallel_loop3A_1250 : i32 to index
      %parallel_loop3A_1255 = tpu.vector_load %arg5[%parallel_loop3A_1253, %parallel_loop3A_1254] {strides = array<i32>} : memref<64x1024xf32, #tpu.memory_space<vmem>>, vector<1x16xf32>,
      %parallel_loop3A_1256 = vector.shape_cast %parallel_loop3A_1255 : vector<1x16xf32> to vector<16xf32>
      %parallel_loop3A_1257 = arith.constant 0 : i32
      %parallel_loop3A_1258 = arith.index_cast %parallel_loop3A_1257 : i32 to index
      %parallel_loop3A_1259 = arith.index_cast %parallel_loop3A_1232 : i32 to index
      %parallel_loop3A_1260 = arith.index_cast %parallel_loop3A_1250 : i32 to index
      %parallel_loop3A_1261 = tpu.vector_load %arg6[%parallel_loop3A_1258, %parallel_loop3A_1259, %parallel_loop3A_1260] {strides = array<i32>} : memref<3x16x1024xf32, #tpu.memory_space<vmem>>, vector<1x1x16xf32>,
      %parallel_loop3A_1262 = vector.shape_cast %parallel_loop3A_1261 : vector<1x1x16xf32> to vector<16xf32>
      %parallel_loop3A_1263 = vector.shape_cast %parallel_loop3A_1256 : vector<16xf32> to vector<1x1x16xf32>
      tpu.vector_store %arg6[%parallel_loop3A_1258, %parallel_loop3A_1259, %parallel_loop3A_1260], %parallel_loop3A_1263 {add = true, strides = array<i32>} : memref<3x16x1024xf32, #tpu.memory_space<vmem>>, vector<1x1x16xf32>,
    } {sc.loop_unroll_factor = 8 : i64, sc.parallel_access}
    %add3A_722 = arith.constant 4112 : i32
    %add3A_723 = arith.addi %add3A_722, %mul3A_2 : i32
    %dma_start3A_724 = arith.constant 0 : i32
    %dma_start3A_725 = arith.constant 0 : i32
    %dma_start3A_726 = arith.constant 0 : i32
    %dma_start3A_727 = arith.constant 0 : i32
    %dma_start3A_728 = tpu.memref_slice %arg6[%dma_start3A_724, %dma_start3A_726, %dma_start3A_727] : memref<3x16x1024xf32, #tpu.memory_space<vmem>> -> memref<1x16x1024xf32, #tpu.memory_space<vmem>>
    %dma_start3A_729 = tpu.memref_squeeze %dma_start3A_728 : memref<1x16x1024xf32, #tpu.memory_space<vmem>> -> memref<16x1024xf32, #tpu.memory_space<vmem>>
    %dma_start3A_730 = arith.constant 0 : i32
    %dma_start3A_731 = tpu.memref_slice %arg4[%add3A_723, %dma_start3A_730] : memref<8192x1024xf32, #tpu.memory_space<hbm>> -> memref<16x1024xf32, #tpu.memory_space<hbm>>
    %dma_start3A_732 = tpu.memref_slice %arg9[%dma_start3A_725] : memref<3x!tpu.dma_semaphore, #tpu.memory_space<semaphore_mem>> -> memref<1x!tpu.dma_semaphore, #tpu.memory_space<semaphore_mem>>
    %dma_start3A_733 = tpu.memref_squeeze %dma_start3A_732 : memref<1x!tpu.dma_semaphore, #tpu.memory_space<semaphore_mem>> -> memref<!tpu.dma_semaphore, #tpu.memory_space<semaphore_mem>>
    %dma_start3A_734 = arith.constant 0 : i32
    %dma_start3A_735 = tpu.memref_slice %arg4[%add3A_723, %dma_start3A_734] : memref<8192x1024xf32, #tpu.memory_space<hbm>> -> memref<16x1024xf32, #tpu.memory_space<hbm>>
    %dma_start3A_736 = arith.constant 0 : i32
    %dma_start3A_737 = arith.constant 0 : i32
    %dma_start3A_738 = tpu.memref_slice %arg6[%dma_start3A_724, %dma_start3A_736, %dma_start3A_737] : memref<3x16x1024xf32, #tpu.memory_space<vmem>> -> memref<1x16x1024xf32, #tpu.memory_space<vmem>>
    %dma_start3A_739 = tpu.memref_squeeze %dma_start3A_738 : memref<1x16x1024xf32, #tpu.memory_space<vmem>> -> memref<16x1024xf32, #tpu.memory_space<vmem>>
    tpu.enqueue_dma source(%dma_start3A_739 : memref<16x1024xf32, #tpu.memory_space<vmem>>) target(%dma_start3A_735 : memref<16x1024xf32, #tpu.memory_space<hbm>>) target_semaphore(%dma_start3A_733 : memref<!tpu.dma_semaphore, #tpu.memory_space<semaphore_mem>>)
    %add3A_740 = arith.constant 4096 : i32
    %add3A_741 = arith.addi %add3A_740, %mul3A_2 : i32
    %dma_wait3A_742 = arith.constant 2 : i32
    %dma_wait3A_743 = arith.constant 2 : i32
    %dma_wait3A_744 = arith.constant 0 : i32
    %dma_wait3A_745 = arith.constant 0 : i32
    %dma_wait3A_746 = tpu.memref_slice %arg6[%dma_wait3A_742, %dma_wait3A_744, %dma_wait3A_745] : memref<3x16x1024xf32, #tpu.memory_space<vmem>> -> memref<1x16x1024xf32, #tpu.memory_space<vmem>>
    %dma_wait3A_747 = tpu.memref_squeeze %dma_wait3A_746 : memref<1x16x1024xf32, #tpu.memory_space<vmem>> -> memref<16x1024xf32, #tpu.memory_space<vmem>>
    %dma_wait3A_748 = arith.constant 0 : i32
    %dma_wait3A_749 = tpu.memref_slice %arg4[%add3A_741, %dma_wait3A_748] : memref<8192x1024xf32, #tpu.memory_space<hbm>> -> memref<16x1024xf32, #tpu.memory_space<hbm>>
    %dma_wait3A_750 = tpu.memref_slice %arg9[%dma_wait3A_743] : memref<3x!tpu.dma_semaphore, #tpu.memory_space<semaphore_mem>> -> memref<1x!tpu.dma_semaphore, #tpu.memory_space<semaphore_mem>>
    %dma_wait3A_751 = tpu.memref_squeeze %dma_wait3A_750 : memref<1x!tpu.dma_semaphore, #tpu.memory_space<semaphore_mem>> -> memref<!tpu.dma_semaphore, #tpu.memory_space<semaphore_mem>>
    %dma_wait3A_752 = arith.constant 0 : i32
    %dma_wait3A_753 = tpu.memref_slice %arg4[%add3A_741, %dma_wait3A_752] : memref<8192x1024xf32, #tpu.memory_space<hbm>> -> memref<16x1024xf32, #tpu.memory_space<hbm>>
    %dma_wait3A_754 = arith.constant 0 : i32
    %dma_wait3A_755 = arith.constant 0 : i32
    %dma_wait3A_756 = tpu.memref_slice %arg6[%dma_wait3A_742, %dma_wait3A_754, %dma_wait3A_755] : memref<3x16x1024xf32, #tpu.memory_space<vmem>> -> memref<1x16x1024xf32, #tpu.memory_space<vmem>>
    %dma_wait3A_757 = tpu.memref_squeeze %dma_wait3A_756 : memref<1x16x1024xf32, #tpu.memory_space<vmem>> -> memref<16x1024xf32, #tpu.memory_space<vmem>>
    tpu.wait_dma2 semaphore(%dma_wait3A_751 : memref<!tpu.dma_semaphore, #tpu.memory_space<semaphore_mem>>) src(%dma_wait3A_757 : memref<16x1024xf32, #tpu.memory_space<vmem>>) dst(%dma_wait3A_753 : memref<16x1024xf32, #tpu.memory_space<hbm>>)
    %add3A_758 = arith.constant 4144 : i32
    %add3A_759 = arith.addi %add3A_758, %mul3A_2 : i32
    %dma_start3A_760 = arith.constant 2 : i32
    %dma_start3A_761 = arith.constant 2 : i32
    %dma_start3A_762 = arith.constant 0 : i32
    %dma_start3A_763 = arith.constant 0 : i32
    %dma_start3A_764 = tpu.memref_slice %arg6[%dma_start3A_760, %dma_start3A_762, %dma_start3A_763] : memref<3x16x1024xf32, #tpu.memory_space<vmem>> -> memref<1x16x1024xf32, #tpu.memory_space<vmem>>
    %dma_start3A_765 = tpu.memref_squeeze %dma_start3A_764 : memref<1x16x1024xf32, #tpu.memory_space<vmem>> -> memref<16x1024xf32, #tpu.memory_space<vmem>>
    %dma_start3A_766 = arith.constant 0 : i32
    %dma_start3A_767 = tpu.memref_slice %arg2[%add3A_759, %dma_start3A_766] : memref<8192x1024xf32, #tpu.memory_space<hbm>> -> memref<16x1024xf32, #tpu.memory_space<hbm>>
    %dma_start3A_768 = tpu.memref_slice %arg8[%dma_start3A_761] : memref<3x!tpu.dma_semaphore, #tpu.memory_space<semaphore_mem>> -> memref<1x!tpu.dma_semaphore, #tpu.memory_space<semaphore_mem>>
    %dma_start3A_769 = tpu.memref_squeeze %dma_start3A_768 : memref<1x!tpu.dma_semaphore, #tpu.memory_space<semaphore_mem>> -> memref<!tpu.dma_semaphore, #tpu.memory_space<semaphore_mem>>
    %dma_start3A_770 = arith.constant 0 : i32
    %dma_start3A_771 = arith.constant 0 : i32
    %dma_start3A_772 = tpu.memref_slice %arg6[%dma_start3A_760, %dma_start3A_770, %dma_start3A_771] : memref<3x16x1024xf32, #tpu.memory_space<vmem>> -> memref<1x16x1024xf32, #tpu.memory_space<vmem>>
    %dma_start3A_773 = tpu.memref_squeeze %dma_start3A_772 : memref<1x16x1024xf32, #tpu.memory_space<vmem>> -> memref<16x1024xf32, #tpu.memory_space<vmem>>
    %dma_start3A_774 = arith.constant 0 : i32
    %dma_start3A_775 = tpu.memref_slice %arg2[%add3A_759, %dma_start3A_774] : memref<8192x1024xf32, #tpu.memory_space<hbm>> -> memref<16x1024xf32, #tpu.memory_space<hbm>>
    tpu.enqueue_dma source(%dma_start3A_775 : memref<16x1024xf32, #tpu.memory_space<hbm>>) target(%dma_start3A_773 : memref<16x1024xf32, #tpu.memory_space<vmem>>) target_semaphore(%dma_start3A_769 : memref<!tpu.dma_semaphore, #tpu.memory_space<semaphore_mem>>)
    %add3A_776 = arith.constant 4128 : i32
    %add3A_777 = arith.addi %add3A_776, %mul3A_2 : i32
    %dma_wait3A_778 = arith.constant 1 : i32
    %dma_wait3A_779 = arith.constant 1 : i32
    %dma_wait3A_780 = arith.constant 0 : i32
    %dma_wait3A_781 = arith.constant 0 : i32
    %dma_wait3A_782 = tpu.memref_slice %arg6[%dma_wait3A_778, %dma_wait3A_780, %dma_wait3A_781] : memref<3x16x1024xf32, #tpu.memory_space<vmem>> -> memref<1x16x1024xf32, #tpu.memory_space<vmem>>
    %dma_wait3A_783 = tpu.memref_squeeze %dma_wait3A_782 : memref<1x16x1024xf32, #tpu.memory_space<vmem>> -> memref<16x1024xf32, #tpu.memory_space<vmem>>
    %dma_wait3A_784 = arith.constant 0 : i32
    %dma_wait3A_785 = tpu.memref_slice %arg2[%add3A_777, %dma_wait3A_784] : memref<8192x1024xf32, #tpu.memory_space<hbm>> -> memref<16x1024xf32, #tpu.memory_space<hbm>>
    %dma_wait3A_786 = tpu.memref_slice %arg8[%dma_wait3A_779] : memref<3x!tpu.dma_semaphore, #tpu.memory_space<semaphore_mem>> -> memref<1x!tpu.dma_semaphore, #tpu.memory_space<semaphore_mem>>
    %dma_wait3A_787 = tpu.memref_squeeze %dma_wait3A_786 : memref<1x!tpu.dma_semaphore, #tpu.memory_space<semaphore_mem>> -> memref<!tpu.dma_semaphore, #tpu.memory_space<semaphore_mem>>
    %dma_wait3A_788 = arith.constant 0 : i32
    %dma_wait3A_789 = arith.constant 0 : i32
    %dma_wait3A_790 = tpu.memref_slice %arg6[%dma_wait3A_778, %dma_wait3A_788, %dma_wait3A_789] : memref<3x16x1024xf32, #tpu.memory_space<vmem>> -> memref<1x16x1024xf32, #tpu.memory_space<vmem>>
    %dma_wait3A_791 = tpu.memref_squeeze %dma_wait3A_790 : memref<1x16x1024xf32, #tpu.memory_space<vmem>> -> memref<16x1024xf32, #tpu.memory_space<vmem>>
    %dma_wait3A_792 = arith.constant 0 : i32
    %dma_wait3A_793 = tpu.memref_slice %arg2[%add3A_777, %dma_wait3A_792] : memref<8192x1024xf32, #tpu.memory_space<hbm>> -> memref<16x1024xf32, #tpu.memory_space<hbm>>
    tpu.wait_dma2 semaphore(%dma_wait3A_787 : memref<!tpu.dma_semaphore, #tpu.memory_space<semaphore_mem>>) src(%dma_wait3A_793 : memref<16x1024xf32, #tpu.memory_space<hbm>>) dst(%dma_wait3A_791 : memref<16x1024xf32, #tpu.memory_space<vmem>>)
    %parallel_loop3A_794 = arith.constant 0 : i32
    %parallel_loop3A_795 = arith.constant 1024 : i32
    %parallel_loop3A_796 = arith.constant 1 : i32
    scf.for %parallel_loop3A_1208 = %parallel_loop3A_794 to %parallel_loop3A_795 step %parallel_loop3A_796  : i32 {
      %parallel_loop3A_1209 = arith.constant 64 : i32
      %parallel_loop3A_1210 = arith.divsi %parallel_loop3A_1208, %parallel_loop3A_1209 : i32
      %parallel_loop3A_1211 = arith.constant 0 : i32
      %parallel_loop3A_1212 = arith.cmpi sgt, %parallel_loop3A_1208, %parallel_loop3A_1211 : i32
      %parallel_loop3A_1213 = arith.extui %parallel_loop3A_1212 : i1 to i32
      %parallel_loop3A_1214 = arith.constant 0 : i32
      %parallel_loop3A_1215 = arith.cmpi slt, %parallel_loop3A_1208, %parallel_loop3A_1214 : i32
      %parallel_loop3A_1216 = arith.extui %parallel_loop3A_1215 : i1 to i32
      %parallel_loop3A_1217 = arith.subi %parallel_loop3A_1213, %parallel_loop3A_1216 : i32
      %parallel_loop3A_1218 = arith.constant 0 : i32
      %parallel_loop3A_1219 = arith.cmpi sgt, %parallel_loop3A_1209, %parallel_loop3A_1218 : i32
      %parallel_loop3A_1220 = arith.extui %parallel_loop3A_1219 : i1 to i32
      %parallel_loop3A_1221 = arith.constant 0 : i32
      %parallel_loop3A_1222 = arith.cmpi slt, %parallel_loop3A_1209, %parallel_loop3A_1221 : i32
      %parallel_loop3A_1223 = arith.extui %parallel_loop3A_1222 : i1 to i32
      %parallel_loop3A_1224 = arith.subi %parallel_loop3A_1220, %parallel_loop3A_1223 : i32
      %parallel_loop3A_1225 = arith.cmpi ne, %parallel_loop3A_1217, %parallel_loop3A_1224 : i32
      %parallel_loop3A_1226 = arith.remsi %parallel_loop3A_1208, %parallel_loop3A_1209 : i32
      %parallel_loop3A_1227 = arith.constant 0 : i32
      %parallel_loop3A_1228 = arith.cmpi ne, %parallel_loop3A_1226, %parallel_loop3A_1227 : i32
      %parallel_loop3A_1229 = arith.andi %parallel_loop3A_1225, %parallel_loop3A_1228 : i1
      %parallel_loop3A_1230 = arith.constant 1 : i32
      %parallel_loop3A_1231 = arith.subi %parallel_loop3A_1210, %parallel_loop3A_1230 : i32
      %parallel_loop3A_1232 = arith.select %parallel_loop3A_1229, %parallel_loop3A_1231, %parallel_loop3A_1210 : i32
      %parallel_loop3A_1233 = arith.constant 64 : i32
      %parallel_loop3A_1234 = arith.constant 0 : i32
      %parallel_loop3A_1235 = arith.cmpi eq, %parallel_loop3A_1233, %parallel_loop3A_1234 : i32
      %parallel_loop3A_1236 = arith.constant 1 : i32
      %parallel_loop3A_1237 = arith.select %parallel_loop3A_1235, %parallel_loop3A_1236, %parallel_loop3A_1233 : i32
      %parallel_loop3A_1238 = arith.remsi %parallel_loop3A_1208, %parallel_loop3A_1237 : i32
      %parallel_loop3A_1239 = arith.constant 0 : i32
      %parallel_loop3A_1240 = arith.cmpi ne, %parallel_loop3A_1238, %parallel_loop3A_1239 : i32
      %parallel_loop3A_1241 = arith.constant 0 : i32
      %parallel_loop3A_1242 = arith.cmpi slt, %parallel_loop3A_1238, %parallel_loop3A_1241 : i32
      %parallel_loop3A_1243 = arith.constant 0 : i32
      %parallel_loop3A_1244 = arith.cmpi slt, %parallel_loop3A_1237, %parallel_loop3A_1243 : i32
      %parallel_loop3A_1245 = arith.xori %parallel_loop3A_1242, %parallel_loop3A_1244 : i1
      %parallel_loop3A_1246 = arith.andi %parallel_loop3A_1245, %parallel_loop3A_1240 : i1
      %parallel_loop3A_1247 = arith.addi %parallel_loop3A_1238, %parallel_loop3A_1237 : i32
      %parallel_loop3A_1248 = arith.select %parallel_loop3A_1246, %parallel_loop3A_1247, %parallel_loop3A_1238 : i32
      %parallel_loop3A_1249 = arith.constant 16 : i32
      %parallel_loop3A_1250 = arith.muli %parallel_loop3A_1248, %parallel_loop3A_1249 : i32
      %parallel_loop3A_1251 = arith.constant 32 : i32
      %parallel_loop3A_1252 = arith.addi %parallel_loop3A_1251, %parallel_loop3A_1232 : i32
      %parallel_loop3A_1253 = arith.index_cast %parallel_loop3A_1252 : i32 to index
      %parallel_loop3A_1254 = arith.index_cast %parallel_loop3A_1250 : i32 to index
      %parallel_loop3A_1255 = tpu.vector_load %arg5[%parallel_loop3A_1253, %parallel_loop3A_1254] {strides = array<i32>} : memref<64x1024xf32, #tpu.memory_space<vmem>>, vector<1x16xf32>,
      %parallel_loop3A_1256 = vector.shape_cast %parallel_loop3A_1255 : vector<1x16xf32> to vector<16xf32>
      %parallel_loop3A_1257 = arith.constant 1 : i32
      %parallel_loop3A_1258 = arith.index_cast %parallel_loop3A_1257 : i32 to index
      %parallel_loop3A_1259 = arith.index_cast %parallel_loop3A_1232 : i32 to index
      %parallel_loop3A_1260 = arith.index_cast %parallel_loop3A_1250 : i32 to index
      %parallel_loop3A_1261 = tpu.vector_load %arg6[%parallel_loop3A_1258, %parallel_loop3A_1259, %parallel_loop3A_1260] {strides = array<i32>} : memref<3x16x1024xf32, #tpu.memory_space<vmem>>, vector<1x1x16xf32>,
      %parallel_loop3A_1262 = vector.shape_cast %parallel_loop3A_1261 : vector<1x1x16xf32> to vector<16xf32>
      %parallel_loop3A_1263 = vector.shape_cast %parallel_loop3A_1256 : vector<16xf32> to vector<1x1x16xf32>
      tpu.vector_store %arg6[%parallel_loop3A_1258, %parallel_loop3A_1259, %parallel_loop3A_1260], %parallel_loop3A_1263 {add = true, strides = array<i32>} : memref<3x16x1024xf32, #tpu.memory_space<vmem>>, vector<1x1x16xf32>,
    } {sc.loop_unroll_factor = 8 : i64, sc.parallel_access}
    %add3A_797 = arith.constant 4128 : i32
    %add3A_798 = arith.addi %add3A_797, %mul3A_2 : i32
    %dma_start3A_799 = arith.constant 1 : i32
    %dma_start3A_800 = arith.constant 1 : i32
    %dma_start3A_801 = arith.constant 0 : i32
    %dma_start3A_802 = arith.constant 0 : i32
    %dma_start3A_803 = tpu.memref_slice %arg6[%dma_start3A_799, %dma_start3A_801, %dma_start3A_802] : memref<3x16x1024xf32, #tpu.memory_space<vmem>> -> memref<1x16x1024xf32, #tpu.memory_space<vmem>>
    %dma_start3A_804 = tpu.memref_squeeze %dma_start3A_803 : memref<1x16x1024xf32, #tpu.memory_space<vmem>> -> memref<16x1024xf32, #tpu.memory_space<vmem>>
    %dma_start3A_805 = arith.constant 0 : i32
    %dma_start3A_806 = tpu.memref_slice %arg4[%add3A_798, %dma_start3A_805] : memref<8192x1024xf32, #tpu.memory_space<hbm>> -> memref<16x1024xf32, #tpu.memory_space<hbm>>
    %dma_start3A_807 = tpu.memref_slice %arg9[%dma_start3A_800] : memref<3x!tpu.dma_semaphore, #tpu.memory_space<semaphore_mem>> -> memref<1x!tpu.dma_semaphore, #tpu.memory_space<semaphore_mem>>
    %dma_start3A_808 = tpu.memref_squeeze %dma_start3A_807 : memref<1x!tpu.dma_semaphore, #tpu.memory_space<semaphore_mem>> -> memref<!tpu.dma_semaphore, #tpu.memory_space<semaphore_mem>>
    %dma_start3A_809 = arith.constant 0 : i32
    %dma_start3A_810 = tpu.memref_slice %arg4[%add3A_798, %dma_start3A_809] : memref<8192x1024xf32, #tpu.memory_space<hbm>> -> memref<16x1024xf32, #tpu.memory_space<hbm>>
    %dma_start3A_811 = arith.constant 0 : i32
    %dma_start3A_812 = arith.constant 0 : i32
    %dma_start3A_813 = tpu.memref_slice %arg6[%dma_start3A_799, %dma_start3A_811, %dma_start3A_812] : memref<3x16x1024xf32, #tpu.memory_space<vmem>> -> memref<1x16x1024xf32, #tpu.memory_space<vmem>>
    %dma_start3A_814 = tpu.memref_squeeze %dma_start3A_813 : memref<1x16x1024xf32, #tpu.memory_space<vmem>> -> memref<16x1024xf32, #tpu.memory_space<vmem>>
    tpu.enqueue_dma source(%dma_start3A_814 : memref<16x1024xf32, #tpu.memory_space<vmem>>) target(%dma_start3A_810 : memref<16x1024xf32, #tpu.memory_space<hbm>>) target_semaphore(%dma_start3A_808 : memref<!tpu.dma_semaphore, #tpu.memory_space<semaphore_mem>>)
    %add3A_815 = arith.constant 4112 : i32
    %add3A_816 = arith.addi %add3A_815, %mul3A_2 : i32
    %dma_wait3A_817 = arith.constant 0 : i32
    %dma_wait3A_818 = arith.constant 0 : i32
    %dma_wait3A_819 = arith.constant 0 : i32
    %dma_wait3A_820 = arith.constant 0 : i32
    %dma_wait3A_821 = tpu.memref_slice %arg6[%dma_wait3A_817, %dma_wait3A_819, %dma_wait3A_820] : memref<3x16x1024xf32, #tpu.memory_space<vmem>> -> memref<1x16x1024xf32, #tpu.memory_space<vmem>>
    %dma_wait3A_822 = tpu.memref_squeeze %dma_wait3A_821 : memref<1x16x1024xf32, #tpu.memory_space<vmem>> -> memref<16x1024xf32, #tpu.memory_space<vmem>>
    %dma_wait3A_823 = arith.constant 0 : i32
    %dma_wait3A_824 = tpu.memref_slice %arg4[%add3A_816, %dma_wait3A_823] : memref<8192x1024xf32, #tpu.memory_space<hbm>> -> memref<16x1024xf32, #tpu.memory_space<hbm>>
    %dma_wait3A_825 = tpu.memref_slice %arg9[%dma_wait3A_818] : memref<3x!tpu.dma_semaphore, #tpu.memory_space<semaphore_mem>> -> memref<1x!tpu.dma_semaphore, #tpu.memory_space<semaphore_mem>>
    %dma_wait3A_826 = tpu.memref_squeeze %dma_wait3A_825 : memref<1x!tpu.dma_semaphore, #tpu.memory_space<semaphore_mem>> -> memref<!tpu.dma_semaphore, #tpu.memory_space<semaphore_mem>>
    %dma_wait3A_827 = arith.constant 0 : i32
    %dma_wait3A_828 = tpu.memref_slice %arg4[%add3A_816, %dma_wait3A_827] : memref<8192x1024xf32, #tpu.memory_space<hbm>> -> memref<16x1024xf32, #tpu.memory_space<hbm>>
    %dma_wait3A_829 = arith.constant 0 : i32
    %dma_wait3A_830 = arith.constant 0 : i32
    %dma_wait3A_831 = tpu.memref_slice %arg6[%dma_wait3A_817, %dma_wait3A_829, %dma_wait3A_830] : memref<3x16x1024xf32, #tpu.memory_space<vmem>> -> memref<1x16x1024xf32, #tpu.memory_space<vmem>>
    %dma_wait3A_832 = tpu.memref_squeeze %dma_wait3A_831 : memref<1x16x1024xf32, #tpu.memory_space<vmem>> -> memref<16x1024xf32, #tpu.memory_space<vmem>>
    tpu.wait_dma2 semaphore(%dma_wait3A_826 : memref<!tpu.dma_semaphore, #tpu.memory_space<semaphore_mem>>) src(%dma_wait3A_832 : memref<16x1024xf32, #tpu.memory_space<vmem>>) dst(%dma_wait3A_828 : memref<16x1024xf32, #tpu.memory_space<hbm>>)
    %add3A_833 = arith.constant 6144 : i32
    %add3A_834 = arith.addi %add3A_833, %mul3A_2 : i32
    %dma_start3A_835 = arith.constant 0 : i32
    %dma_start3A_836 = arith.constant 0 : i32
    %dma_start3A_837 = arith.constant 0 : i32
    %dma_start3A_838 = arith.constant 0 : i32
    %dma_start3A_839 = tpu.memref_slice %arg6[%dma_start3A_835, %dma_start3A_837, %dma_start3A_838] : memref<3x16x1024xf32, #tpu.memory_space<vmem>> -> memref<1x16x1024xf32, #tpu.memory_space<vmem>>
    %dma_start3A_840 = tpu.memref_squeeze %dma_start3A_839 : memref<1x16x1024xf32, #tpu.memory_space<vmem>> -> memref<16x1024xf32, #tpu.memory_space<vmem>>
    %dma_start3A_841 = arith.constant 0 : i32
    %dma_start3A_842 = tpu.memref_slice %arg2[%add3A_834, %dma_start3A_841] : memref<8192x1024xf32, #tpu.memory_space<hbm>> -> memref<16x1024xf32, #tpu.memory_space<hbm>>
    %dma_start3A_843 = tpu.memref_slice %arg8[%dma_start3A_836] : memref<3x!tpu.dma_semaphore, #tpu.memory_space<semaphore_mem>> -> memref<1x!tpu.dma_semaphore, #tpu.memory_space<semaphore_mem>>
    %dma_start3A_844 = tpu.memref_squeeze %dma_start3A_843 : memref<1x!tpu.dma_semaphore, #tpu.memory_space<semaphore_mem>> -> memref<!tpu.dma_semaphore, #tpu.memory_space<semaphore_mem>>
    %dma_start3A_845 = arith.constant 0 : i32
    %dma_start3A_846 = arith.constant 0 : i32
    %dma_start3A_847 = tpu.memref_slice %arg6[%dma_start3A_835, %dma_start3A_845, %dma_start3A_846] : memref<3x16x1024xf32, #tpu.memory_space<vmem>> -> memref<1x16x1024xf32, #tpu.memory_space<vmem>>
    %dma_start3A_848 = tpu.memref_squeeze %dma_start3A_847 : memref<1x16x1024xf32, #tpu.memory_space<vmem>> -> memref<16x1024xf32, #tpu.memory_space<vmem>>
    %dma_start3A_849 = arith.constant 0 : i32
    %dma_start3A_850 = tpu.memref_slice %arg2[%add3A_834, %dma_start3A_849] : memref<8192x1024xf32, #tpu.memory_space<hbm>> -> memref<16x1024xf32, #tpu.memory_space<hbm>>
    tpu.enqueue_dma source(%dma_start3A_850 : memref<16x1024xf32, #tpu.memory_space<hbm>>) target(%dma_start3A_848 : memref<16x1024xf32, #tpu.memory_space<vmem>>) target_semaphore(%dma_start3A_844 : memref<!tpu.dma_semaphore, #tpu.memory_space<semaphore_mem>>)
    %add3A_851 = arith.constant 4144 : i32
    %add3A_852 = arith.addi %add3A_851, %mul3A_2 : i32
    %dma_wait3A_853 = arith.constant 2 : i32
    %dma_wait3A_854 = arith.constant 2 : i32
    %dma_wait3A_855 = arith.constant 0 : i32
    %dma_wait3A_856 = arith.constant 0 : i32
    %dma_wait3A_857 = tpu.memref_slice %arg6[%dma_wait3A_853, %dma_wait3A_855, %dma_wait3A_856] : memref<3x16x1024xf32, #tpu.memory_space<vmem>> -> memref<1x16x1024xf32, #tpu.memory_space<vmem>>
    %dma_wait3A_858 = tpu.memref_squeeze %dma_wait3A_857 : memref<1x16x1024xf32, #tpu.memory_space<vmem>> -> memref<16x1024xf32, #tpu.memory_space<vmem>>
    %dma_wait3A_859 = arith.constant 0 : i32
    %dma_wait3A_860 = tpu.memref_slice %arg2[%add3A_852, %dma_wait3A_859] : memref<8192x1024xf32, #tpu.memory_space<hbm>> -> memref<16x1024xf32, #tpu.memory_space<hbm>>
    %dma_wait3A_861 = tpu.memref_slice %arg8[%dma_wait3A_854] : memref<3x!tpu.dma_semaphore, #tpu.memory_space<semaphore_mem>> -> memref<1x!tpu.dma_semaphore, #tpu.memory_space<semaphore_mem>>
    %dma_wait3A_862 = tpu.memref_squeeze %dma_wait3A_861 : memref<1x!tpu.dma_semaphore, #tpu.memory_space<semaphore_mem>> -> memref<!tpu.dma_semaphore, #tpu.memory_space<semaphore_mem>>
    %dma_wait3A_863 = arith.constant 0 : i32
    %dma_wait3A_864 = arith.constant 0 : i32
    %dma_wait3A_865 = tpu.memref_slice %arg6[%dma_wait3A_853, %dma_wait3A_863, %dma_wait3A_864] : memref<3x16x1024xf32, #tpu.memory_space<vmem>> -> memref<1x16x1024xf32, #tpu.memory_space<vmem>>
    %dma_wait3A_866 = tpu.memref_squeeze %dma_wait3A_865 : memref<1x16x1024xf32, #tpu.memory_space<vmem>> -> memref<16x1024xf32, #tpu.memory_space<vmem>>
    %dma_wait3A_867 = arith.constant 0 : i32
    %dma_wait3A_868 = tpu.memref_slice %arg2[%add3A_852, %dma_wait3A_867] : memref<8192x1024xf32, #tpu.memory_space<hbm>> -> memref<16x1024xf32, #tpu.memory_space<hbm>>
    tpu.wait_dma2 semaphore(%dma_wait3A_862 : memref<!tpu.dma_semaphore, #tpu.memory_space<semaphore_mem>>) src(%dma_wait3A_868 : memref<16x1024xf32, #tpu.memory_space<hbm>>) dst(%dma_wait3A_866 : memref<16x1024xf32, #tpu.memory_space<vmem>>)
    %parallel_loop3A_869 = arith.constant 0 : i32
    %parallel_loop3A_870 = arith.constant 1024 : i32
    %parallel_loop3A_871 = arith.constant 1 : i32
    scf.for %parallel_loop3A_1208 = %parallel_loop3A_869 to %parallel_loop3A_870 step %parallel_loop3A_871  : i32 {
      %parallel_loop3A_1209 = arith.constant 64 : i32
      %parallel_loop3A_1210 = arith.divsi %parallel_loop3A_1208, %parallel_loop3A_1209 : i32
      %parallel_loop3A_1211 = arith.constant 0 : i32
      %parallel_loop3A_1212 = arith.cmpi sgt, %parallel_loop3A_1208, %parallel_loop3A_1211 : i32
      %parallel_loop3A_1213 = arith.extui %parallel_loop3A_1212 : i1 to i32
      %parallel_loop3A_1214 = arith.constant 0 : i32
      %parallel_loop3A_1215 = arith.cmpi slt, %parallel_loop3A_1208, %parallel_loop3A_1214 : i32
      %parallel_loop3A_1216 = arith.extui %parallel_loop3A_1215 : i1 to i32
      %parallel_loop3A_1217 = arith.subi %parallel_loop3A_1213, %parallel_loop3A_1216 : i32
      %parallel_loop3A_1218 = arith.constant 0 : i32
      %parallel_loop3A_1219 = arith.cmpi sgt, %parallel_loop3A_1209, %parallel_loop3A_1218 : i32
      %parallel_loop3A_1220 = arith.extui %parallel_loop3A_1219 : i1 to i32
      %parallel_loop3A_1221 = arith.constant 0 : i32
      %parallel_loop3A_1222 = arith.cmpi slt, %parallel_loop3A_1209, %parallel_loop3A_1221 : i32
      %parallel_loop3A_1223 = arith.extui %parallel_loop3A_1222 : i1 to i32
      %parallel_loop3A_1224 = arith.subi %parallel_loop3A_1220, %parallel_loop3A_1223 : i32
      %parallel_loop3A_1225 = arith.cmpi ne, %parallel_loop3A_1217, %parallel_loop3A_1224 : i32
      %parallel_loop3A_1226 = arith.remsi %parallel_loop3A_1208, %parallel_loop3A_1209 : i32
      %parallel_loop3A_1227 = arith.constant 0 : i32
      %parallel_loop3A_1228 = arith.cmpi ne, %parallel_loop3A_1226, %parallel_loop3A_1227 : i32
      %parallel_loop3A_1229 = arith.andi %parallel_loop3A_1225, %parallel_loop3A_1228 : i1
      %parallel_loop3A_1230 = arith.constant 1 : i32
      %parallel_loop3A_1231 = arith.subi %parallel_loop3A_1210, %parallel_loop3A_1230 : i32
      %parallel_loop3A_1232 = arith.select %parallel_loop3A_1229, %parallel_loop3A_1231, %parallel_loop3A_1210 : i32
      %parallel_loop3A_1233 = arith.constant 64 : i32
      %parallel_loop3A_1234 = arith.constant 0 : i32
      %parallel_loop3A_1235 = arith.cmpi eq, %parallel_loop3A_1233, %parallel_loop3A_1234 : i32
      %parallel_loop3A_1236 = arith.constant 1 : i32
      %parallel_loop3A_1237 = arith.select %parallel_loop3A_1235, %parallel_loop3A_1236, %parallel_loop3A_1233 : i32
      %parallel_loop3A_1238 = arith.remsi %parallel_loop3A_1208, %parallel_loop3A_1237 : i32
      %parallel_loop3A_1239 = arith.constant 0 : i32
      %parallel_loop3A_1240 = arith.cmpi ne, %parallel_loop3A_1238, %parallel_loop3A_1239 : i32
      %parallel_loop3A_1241 = arith.constant 0 : i32
      %parallel_loop3A_1242 = arith.cmpi slt, %parallel_loop3A_1238, %parallel_loop3A_1241 : i32
      %parallel_loop3A_1243 = arith.constant 0 : i32
      %parallel_loop3A_1244 = arith.cmpi slt, %parallel_loop3A_1237, %parallel_loop3A_1243 : i32
      %parallel_loop3A_1245 = arith.xori %parallel_loop3A_1242, %parallel_loop3A_1244 : i1
      %parallel_loop3A_1246 = arith.andi %parallel_loop3A_1245, %parallel_loop3A_1240 : i1
      %parallel_loop3A_1247 = arith.addi %parallel_loop3A_1238, %parallel_loop3A_1237 : i32
      %parallel_loop3A_1248 = arith.select %parallel_loop3A_1246, %parallel_loop3A_1247, %parallel_loop3A_1238 : i32
      %parallel_loop3A_1249 = arith.constant 16 : i32
      %parallel_loop3A_1250 = arith.muli %parallel_loop3A_1248, %parallel_loop3A_1249 : i32
      %parallel_loop3A_1251 = arith.constant 48 : i32
      %parallel_loop3A_1252 = arith.addi %parallel_loop3A_1251, %parallel_loop3A_1232 : i32
      %parallel_loop3A_1253 = arith.index_cast %parallel_loop3A_1252 : i32 to index
      %parallel_loop3A_1254 = arith.index_cast %parallel_loop3A_1250 : i32 to index
      %parallel_loop3A_1255 = tpu.vector_load %arg5[%parallel_loop3A_1253, %parallel_loop3A_1254] {strides = array<i32>} : memref<64x1024xf32, #tpu.memory_space<vmem>>, vector<1x16xf32>,
      %parallel_loop3A_1256 = vector.shape_cast %parallel_loop3A_1255 : vector<1x16xf32> to vector<16xf32>
      %parallel_loop3A_1257 = arith.constant 2 : i32
      %parallel_loop3A_1258 = arith.index_cast %parallel_loop3A_1257 : i32 to index
      %parallel_loop3A_1259 = arith.index_cast %parallel_loop3A_1232 : i32 to index
      %parallel_loop3A_1260 = arith.index_cast %parallel_loop3A_1250 : i32 to index
      %parallel_loop3A_1261 = tpu.vector_load %arg6[%parallel_loop3A_1258, %parallel_loop3A_1259, %parallel_loop3A_1260] {strides = array<i32>} : memref<3x16x1024xf32, #tpu.memory_space<vmem>>, vector<1x1x16xf32>,
      %parallel_loop3A_1262 = vector.shape_cast %parallel_loop3A_1261 : vector<1x1x16xf32> to vector<16xf32>
      %parallel_loop3A_1263 = vector.shape_cast %parallel_loop3A_1256 : vector<16xf32> to vector<1x1x16xf32>
      tpu.vector_store %arg6[%parallel_loop3A_1258, %parallel_loop3A_1259, %parallel_loop3A_1260], %parallel_loop3A_1263 {add = true, strides = array<i32>} : memref<3x16x1024xf32, #tpu.memory_space<vmem>>, vector<1x1x16xf32>,
    } {sc.loop_unroll_factor = 8 : i64, sc.parallel_access}
    %add3A_872 = arith.constant 4144 : i32
    %add3A_873 = arith.addi %add3A_872, %mul3A_2 : i32
    %dma_start3A_874 = arith.constant 2 : i32
    %dma_start3A_875 = arith.constant 2 : i32
    %dma_start3A_876 = arith.constant 0 : i32
    %dma_start3A_877 = arith.constant 0 : i32
    %dma_start3A_878 = tpu.memref_slice %arg6[%dma_start3A_874, %dma_start3A_876, %dma_start3A_877] : memref<3x16x1024xf32, #tpu.memory_space<vmem>> -> memref<1x16x1024xf32, #tpu.memory_space<vmem>>
    %dma_start3A_879 = tpu.memref_squeeze %dma_start3A_878 : memref<1x16x1024xf32, #tpu.memory_space<vmem>> -> memref<16x1024xf32, #tpu.memory_space<vmem>>
    %dma_start3A_880 = arith.constant 0 : i32
    %dma_start3A_881 = tpu.memref_slice %arg4[%add3A_873, %dma_start3A_880] : memref<8192x1024xf32, #tpu.memory_space<hbm>> -> memref<16x1024xf32, #tpu.memory_space<hbm>>
    %dma_start3A_882 = tpu.memref_slice %arg9[%dma_start3A_875] : memref<3x!tpu.dma_semaphore, #tpu.memory_space<semaphore_mem>> -> memref<1x!tpu.dma_semaphore, #tpu.memory_space<semaphore_mem>>
    %dma_start3A_883 = tpu.memref_squeeze %dma_start3A_882 : memref<1x!tpu.dma_semaphore, #tpu.memory_space<semaphore_mem>> -> memref<!tpu.dma_semaphore, #tpu.memory_space<semaphore_mem>>
    %dma_start3A_884 = arith.constant 0 : i32
    %dma_start3A_885 = tpu.memref_slice %arg4[%add3A_873, %dma_start3A_884] : memref<8192x1024xf32, #tpu.memory_space<hbm>> -> memref<16x1024xf32, #tpu.memory_space<hbm>>
    %dma_start3A_886 = arith.constant 0 : i32
    %dma_start3A_887 = arith.constant 0 : i32
    %dma_start3A_888 = tpu.memref_slice %arg6[%dma_start3A_874, %dma_start3A_886, %dma_start3A_887] : memref<3x16x1024xf32, #tpu.memory_space<vmem>> -> memref<1x16x1024xf32, #tpu.memory_space<vmem>>
    %dma_start3A_889 = tpu.memref_squeeze %dma_start3A_888 : memref<1x16x1024xf32, #tpu.memory_space<vmem>> -> memref<16x1024xf32, #tpu.memory_space<vmem>>
    tpu.enqueue_dma source(%dma_start3A_889 : memref<16x1024xf32, #tpu.memory_space<vmem>>) target(%dma_start3A_885 : memref<16x1024xf32, #tpu.memory_space<hbm>>) target_semaphore(%dma_start3A_883 : memref<!tpu.dma_semaphore, #tpu.memory_space<semaphore_mem>>)
    %add3A_890 = arith.constant 4128 : i32
    %add3A_891 = arith.addi %add3A_890, %mul3A_2 : i32
    %dma_wait3A_892 = arith.constant 1 : i32
    %dma_wait3A_893 = arith.constant 1 : i32
    %dma_wait3A_894 = arith.constant 0 : i32
    %dma_wait3A_895 = arith.constant 0 : i32
    %dma_wait3A_896 = tpu.memref_slice %arg6[%dma_wait3A_892, %dma_wait3A_894, %dma_wait3A_895] : memref<3x16x1024xf32, #tpu.memory_space<vmem>> -> memref<1x16x1024xf32, #tpu.memory_space<vmem>>
    %dma_wait3A_897 = tpu.memref_squeeze %dma_wait3A_896 : memref<1x16x1024xf32, #tpu.memory_space<vmem>> -> memref<16x1024xf32, #tpu.memory_space<vmem>>
    %dma_wait3A_898 = arith.constant 0 : i32
    %dma_wait3A_899 = tpu.memref_slice %arg4[%add3A_891, %dma_wait3A_898] : memref<8192x1024xf32, #tpu.memory_space<hbm>> -> memref<16x1024xf32, #tpu.memory_space<hbm>>
    %dma_wait3A_900 = tpu.memref_slice %arg9[%dma_wait3A_893] : memref<3x!tpu.dma_semaphore, #tpu.memory_space<semaphore_mem>> -> memref<1x!tpu.dma_semaphore, #tpu.memory_space<semaphore_mem>>
    %dma_wait3A_901 = tpu.memref_squeeze %dma_wait3A_900 : memref<1x!tpu.dma_semaphore, #tpu.memory_space<semaphore_mem>> -> memref<!tpu.dma_semaphore, #tpu.memory_space<semaphore_mem>>
    %dma_wait3A_902 = arith.constant 0 : i32
    %dma_wait3A_903 = tpu.memref_slice %arg4[%add3A_891, %dma_wait3A_902] : memref<8192x1024xf32, #tpu.memory_space<hbm>> -> memref<16x1024xf32, #tpu.memory_space<hbm>>
    %dma_wait3A_904 = arith.constant 0 : i32
    %dma_wait3A_905 = arith.constant 0 : i32
    %dma_wait3A_906 = tpu.memref_slice %arg6[%dma_wait3A_892, %dma_wait3A_904, %dma_wait3A_905] : memref<3x16x1024xf32, #tpu.memory_space<vmem>> -> memref<1x16x1024xf32, #tpu.memory_space<vmem>>
    %dma_wait3A_907 = tpu.memref_squeeze %dma_wait3A_906 : memref<1x16x1024xf32, #tpu.memory_space<vmem>> -> memref<16x1024xf32, #tpu.memory_space<vmem>>
    tpu.wait_dma2 semaphore(%dma_wait3A_901 : memref<!tpu.dma_semaphore, #tpu.memory_space<semaphore_mem>>) src(%dma_wait3A_907 : memref<16x1024xf32, #tpu.memory_space<vmem>>) dst(%dma_wait3A_903 : memref<16x1024xf32, #tpu.memory_space<hbm>>)
    %add3A_908 = arith.constant 6160 : i32
    %add3A_909 = arith.addi %add3A_908, %mul3A_2 : i32
    %dma_start3A_910 = arith.constant 1 : i32
    %dma_start3A_911 = arith.constant 1 : i32
    %dma_start3A_912 = arith.constant 0 : i32
    %dma_start3A_913 = arith.constant 0 : i32
    %dma_start3A_914 = tpu.memref_slice %arg6[%dma_start3A_910, %dma_start3A_912, %dma_start3A_913] : memref<3x16x1024xf32, #tpu.memory_space<vmem>> -> memref<1x16x1024xf32, #tpu.memory_space<vmem>>
    %dma_start3A_915 = tpu.memref_squeeze %dma_start3A_914 : memref<1x16x1024xf32, #tpu.memory_space<vmem>> -> memref<16x1024xf32, #tpu.memory_space<vmem>>
    %dma_start3A_916 = arith.constant 0 : i32
    %dma_start3A_917 = tpu.memref_slice %arg2[%add3A_909, %dma_start3A_916] : memref<8192x1024xf32, #tpu.memory_space<hbm>> -> memref<16x1024xf32, #tpu.memory_space<hbm>>
    %dma_start3A_918 = tpu.memref_slice %arg8[%dma_start3A_911] : memref<3x!tpu.dma_semaphore, #tpu.memory_space<semaphore_mem>> -> memref<1x!tpu.dma_semaphore, #tpu.memory_space<semaphore_mem>>
    %dma_start3A_919 = tpu.memref_squeeze %dma_start3A_918 : memref<1x!tpu.dma_semaphore, #tpu.memory_space<semaphore_mem>> -> memref<!tpu.dma_semaphore, #tpu.memory_space<semaphore_mem>>
    %dma_start3A_920 = arith.constant 0 : i32
    %dma_start3A_921 = arith.constant 0 : i32
    %dma_start3A_922 = tpu.memref_slice %arg6[%dma_start3A_910, %dma_start3A_920, %dma_start3A_921] : memref<3x16x1024xf32, #tpu.memory_space<vmem>> -> memref<1x16x1024xf32, #tpu.memory_space<vmem>>
    %dma_start3A_923 = tpu.memref_squeeze %dma_start3A_922 : memref<1x16x1024xf32, #tpu.memory_space<vmem>> -> memref<16x1024xf32, #tpu.memory_space<vmem>>
    %dma_start3A_924 = arith.constant 0 : i32
    %dma_start3A_925 = tpu.memref_slice %arg2[%add3A_909, %dma_start3A_924] : memref<8192x1024xf32, #tpu.memory_space<hbm>> -> memref<16x1024xf32, #tpu.memory_space<hbm>>
    tpu.enqueue_dma source(%dma_start3A_925 : memref<16x1024xf32, #tpu.memory_space<hbm>>) target(%dma_start3A_923 : memref<16x1024xf32, #tpu.memory_space<vmem>>) target_semaphore(%dma_start3A_919 : memref<!tpu.dma_semaphore, #tpu.memory_space<semaphore_mem>>)
    %add3A_926 = arith.constant 6144 : i32
    %add3A_927 = arith.addi %add3A_926, %mul3A_2 : i32
    %dma_wait3A_928 = arith.constant 0 : i32
    %dma_wait3A_929 = arith.constant 0 : i32
    %dma_wait3A_930 = arith.constant 0 : i32
    %dma_wait3A_931 = arith.constant 0 : i32
    %dma_wait3A_932 = tpu.memref_slice %arg6[%dma_wait3A_928, %dma_wait3A_930, %dma_wait3A_931] : memref<3x16x1024xf32, #tpu.memory_space<vmem>> -> memref<1x16x1024xf32, #tpu.memory_space<vmem>>
    %dma_wait3A_933 = tpu.memref_squeeze %dma_wait3A_932 : memref<1x16x1024xf32, #tpu.memory_space<vmem>> -> memref<16x1024xf32, #tpu.memory_space<vmem>>
    %dma_wait3A_934 = arith.constant 0 : i32
    %dma_wait3A_935 = tpu.memref_slice %arg2[%add3A_927, %dma_wait3A_934] : memref<8192x1024xf32, #tpu.memory_space<hbm>> -> memref<16x1024xf32, #tpu.memory_space<hbm>>
    %dma_wait3A_936 = tpu.memref_slice %arg8[%dma_wait3A_929] : memref<3x!tpu.dma_semaphore, #tpu.memory_space<semaphore_mem>> -> memref<1x!tpu.dma_semaphore, #tpu.memory_space<semaphore_mem>>
    %dma_wait3A_937 = tpu.memref_squeeze %dma_wait3A_936 : memref<1x!tpu.dma_semaphore, #tpu.memory_space<semaphore_mem>> -> memref<!tpu.dma_semaphore, #tpu.memory_space<semaphore_mem>>
    %dma_wait3A_938 = arith.constant 0 : i32
    %dma_wait3A_939 = arith.constant 0 : i32
    %dma_wait3A_940 = tpu.memref_slice %arg6[%dma_wait3A_928, %dma_wait3A_938, %dma_wait3A_939] : memref<3x16x1024xf32, #tpu.memory_space<vmem>> -> memref<1x16x1024xf32, #tpu.memory_space<vmem>>
    %dma_wait3A_941 = tpu.memref_squeeze %dma_wait3A_940 : memref<1x16x1024xf32, #tpu.memory_space<vmem>> -> memref<16x1024xf32, #tpu.memory_space<vmem>>
    %dma_wait3A_942 = arith.constant 0 : i32
    %dma_wait3A_943 = tpu.memref_slice %arg2[%add3A_927, %dma_wait3A_942] : memref<8192x1024xf32, #tpu.memory_space<hbm>> -> memref<16x1024xf32, #tpu.memory_space<hbm>>
    tpu.wait_dma2 semaphore(%dma_wait3A_937 : memref<!tpu.dma_semaphore, #tpu.memory_space<semaphore_mem>>) src(%dma_wait3A_943 : memref<16x1024xf32, #tpu.memory_space<hbm>>) dst(%dma_wait3A_941 : memref<16x1024xf32, #tpu.memory_space<vmem>>)
    %parallel_loop3A_944 = arith.constant 0 : i32
    %parallel_loop3A_945 = arith.constant 1024 : i32
    %parallel_loop3A_946 = arith.constant 1 : i32
    scf.for %parallel_loop3A_1208 = %parallel_loop3A_944 to %parallel_loop3A_945 step %parallel_loop3A_946  : i32 {
      %parallel_loop3A_1209 = arith.constant 64 : i32
      %parallel_loop3A_1210 = arith.divsi %parallel_loop3A_1208, %parallel_loop3A_1209 : i32
      %parallel_loop3A_1211 = arith.constant 0 : i32
      %parallel_loop3A_1212 = arith.cmpi sgt, %parallel_loop3A_1208, %parallel_loop3A_1211 : i32
      %parallel_loop3A_1213 = arith.extui %parallel_loop3A_1212 : i1 to i32
      %parallel_loop3A_1214 = arith.constant 0 : i32
      %parallel_loop3A_1215 = arith.cmpi slt, %parallel_loop3A_1208, %parallel_loop3A_1214 : i32
      %parallel_loop3A_1216 = arith.extui %parallel_loop3A_1215 : i1 to i32
      %parallel_loop3A_1217 = arith.subi %parallel_loop3A_1213, %parallel_loop3A_1216 : i32
      %parallel_loop3A_1218 = arith.constant 0 : i32
      %parallel_loop3A_1219 = arith.cmpi sgt, %parallel_loop3A_1209, %parallel_loop3A_1218 : i32
      %parallel_loop3A_1220 = arith.extui %parallel_loop3A_1219 : i1 to i32
      %parallel_loop3A_1221 = arith.constant 0 : i32
      %parallel_loop3A_1222 = arith.cmpi slt, %parallel_loop3A_1209, %parallel_loop3A_1221 : i32
      %parallel_loop3A_1223 = arith.extui %parallel_loop3A_1222 : i1 to i32
      %parallel_loop3A_1224 = arith.subi %parallel_loop3A_1220, %parallel_loop3A_1223 : i32
      %parallel_loop3A_1225 = arith.cmpi ne, %parallel_loop3A_1217, %parallel_loop3A_1224 : i32
      %parallel_loop3A_1226 = arith.remsi %parallel_loop3A_1208, %parallel_loop3A_1209 : i32
      %parallel_loop3A_1227 = arith.constant 0 : i32
      %parallel_loop3A_1228 = arith.cmpi ne, %parallel_loop3A_1226, %parallel_loop3A_1227 : i32
      %parallel_loop3A_1229 = arith.andi %parallel_loop3A_1225, %parallel_loop3A_1228 : i1
      %parallel_loop3A_1230 = arith.constant 1 : i32
      %parallel_loop3A_1231 = arith.subi %parallel_loop3A_1210, %parallel_loop3A_1230 : i32
      %parallel_loop3A_1232 = arith.select %parallel_loop3A_1229, %parallel_loop3A_1231, %parallel_loop3A_1210 : i32
      %parallel_loop3A_1233 = arith.constant 64 : i32
      %parallel_loop3A_1234 = arith.constant 0 : i32
      %parallel_loop3A_1235 = arith.cmpi eq, %parallel_loop3A_1233, %parallel_loop3A_1234 : i32
      %parallel_loop3A_1236 = arith.constant 1 : i32
      %parallel_loop3A_1237 = arith.select %parallel_loop3A_1235, %parallel_loop3A_1236, %parallel_loop3A_1233 : i32
      %parallel_loop3A_1238 = arith.remsi %parallel_loop3A_1208, %parallel_loop3A_1237 : i32
      %parallel_loop3A_1239 = arith.constant 0 : i32
      %parallel_loop3A_1240 = arith.cmpi ne, %parallel_loop3A_1238, %parallel_loop3A_1239 : i32
      %parallel_loop3A_1241 = arith.constant 0 : i32
      %parallel_loop3A_1242 = arith.cmpi slt, %parallel_loop3A_1238, %parallel_loop3A_1241 : i32
      %parallel_loop3A_1243 = arith.constant 0 : i32
      %parallel_loop3A_1244 = arith.cmpi slt, %parallel_loop3A_1237, %parallel_loop3A_1243 : i32
      %parallel_loop3A_1245 = arith.xori %parallel_loop3A_1242, %parallel_loop3A_1244 : i1
      %parallel_loop3A_1246 = arith.andi %parallel_loop3A_1245, %parallel_loop3A_1240 : i1
      %parallel_loop3A_1247 = arith.addi %parallel_loop3A_1238, %parallel_loop3A_1237 : i32
      %parallel_loop3A_1248 = arith.select %parallel_loop3A_1246, %parallel_loop3A_1247, %parallel_loop3A_1238 : i32
      %parallel_loop3A_1249 = arith.constant 16 : i32
      %parallel_loop3A_1250 = arith.muli %parallel_loop3A_1248, %parallel_loop3A_1249 : i32
      %parallel_loop3A_1251 = arith.constant 0 : i32
      %parallel_loop3A_1252 = arith.addi %parallel_loop3A_1251, %parallel_loop3A_1232 : i32
      %parallel_loop3A_1253 = arith.index_cast %parallel_loop3A_1252 : i32 to index
      %parallel_loop3A_1254 = arith.index_cast %parallel_loop3A_1250 : i32 to index
      %parallel_loop3A_1255 = tpu.vector_load %arg5[%parallel_loop3A_1253, %parallel_loop3A_1254] {strides = array<i32>} : memref<64x1024xf32, #tpu.memory_space<vmem>>, vector<1x16xf32>,
      %parallel_loop3A_1256 = vector.shape_cast %parallel_loop3A_1255 : vector<1x16xf32> to vector<16xf32>
      %parallel_loop3A_1257 = arith.constant 0 : i32
      %parallel_loop3A_1258 = arith.index_cast %parallel_loop3A_1257 : i32 to index
      %parallel_loop3A_1259 = arith.index_cast %parallel_loop3A_1232 : i32 to index
      %parallel_loop3A_1260 = arith.index_cast %parallel_loop3A_1250 : i32 to index
      %parallel_loop3A_1261 = tpu.vector_load %arg6[%parallel_loop3A_1258, %parallel_loop3A_1259, %parallel_loop3A_1260] {strides = array<i32>} : memref<3x16x1024xf32, #tpu.memory_space<vmem>>, vector<1x1x16xf32>,
      %parallel_loop3A_1262 = vector.shape_cast %parallel_loop3A_1261 : vector<1x1x16xf32> to vector<16xf32>
      %parallel_loop3A_1263 = vector.shape_cast %parallel_loop3A_1256 : vector<16xf32> to vector<1x1x16xf32>
      tpu.vector_store %arg6[%parallel_loop3A_1258, %parallel_loop3A_1259, %parallel_loop3A_1260], %parallel_loop3A_1263 {add = true, strides = array<i32>} : memref<3x16x1024xf32, #tpu.memory_space<vmem>>, vector<1x1x16xf32>,
    } {sc.loop_unroll_factor = 8 : i64, sc.parallel_access}
    %add3A_947 = arith.constant 6144 : i32
    %add3A_948 = arith.addi %add3A_947, %mul3A_2 : i32
    %dma_start3A_949 = arith.constant 0 : i32
    %dma_start3A_950 = arith.constant 0 : i32
    %dma_start3A_951 = arith.constant 0 : i32
    %dma_start3A_952 = arith.constant 0 : i32
    %dma_start3A_953 = tpu.memref_slice %arg6[%dma_start3A_949, %dma_start3A_951, %dma_start3A_952] : memref<3x16x1024xf32, #tpu.memory_space<vmem>> -> memref<1x16x1024xf32, #tpu.memory_space<vmem>>
    %dma_start3A_954 = tpu.memref_squeeze %dma_start3A_953 : memref<1x16x1024xf32, #tpu.memory_space<vmem>> -> memref<16x1024xf32, #tpu.memory_space<vmem>>
    %dma_start3A_955 = arith.constant 0 : i32
    %dma_start3A_956 = tpu.memref_slice %arg4[%add3A_948, %dma_start3A_955] : memref<8192x1024xf32, #tpu.memory_space<hbm>> -> memref<16x1024xf32, #tpu.memory_space<hbm>>
    %dma_start3A_957 = tpu.memref_slice %arg9[%dma_start3A_950] : memref<3x!tpu.dma_semaphore, #tpu.memory_space<semaphore_mem>> -> memref<1x!tpu.dma_semaphore, #tpu.memory_space<semaphore_mem>>
    %dma_start3A_958 = tpu.memref_squeeze %dma_start3A_957 : memref<1x!tpu.dma_semaphore, #tpu.memory_space<semaphore_mem>> -> memref<!tpu.dma_semaphore, #tpu.memory_space<semaphore_mem>>
    %dma_start3A_959 = arith.constant 0 : i32
    %dma_start3A_960 = tpu.memref_slice %arg4[%add3A_948, %dma_start3A_959] : memref<8192x1024xf32, #tpu.memory_space<hbm>> -> memref<16x1024xf32, #tpu.memory_space<hbm>>
    %dma_start3A_961 = arith.constant 0 : i32
    %dma_start3A_962 = arith.constant 0 : i32
    %dma_start3A_963 = tpu.memref_slice %arg6[%dma_start3A_949, %dma_start3A_961, %dma_start3A_962] : memref<3x16x1024xf32, #tpu.memory_space<vmem>> -> memref<1x16x1024xf32, #tpu.memory_space<vmem>>
    %dma_start3A_964 = tpu.memref_squeeze %dma_start3A_963 : memref<1x16x1024xf32, #tpu.memory_space<vmem>> -> memref<16x1024xf32, #tpu.memory_space<vmem>>
    tpu.enqueue_dma source(%dma_start3A_964 : memref<16x1024xf32, #tpu.memory_space<vmem>>) target(%dma_start3A_960 : memref<16x1024xf32, #tpu.memory_space<hbm>>) target_semaphore(%dma_start3A_958 : memref<!tpu.dma_semaphore, #tpu.memory_space<semaphore_mem>>)
    %add3A_965 = arith.constant 4144 : i32
    %add3A_966 = arith.addi %add3A_965, %mul3A_2 : i32
    %dma_wait3A_967 = arith.constant 2 : i32
    %dma_wait3A_968 = arith.constant 2 : i32
    %dma_wait3A_969 = arith.constant 0 : i32
    %dma_wait3A_970 = arith.constant 0 : i32
    %dma_wait3A_971 = tpu.memref_slice %arg6[%dma_wait3A_967, %dma_wait3A_969, %dma_wait3A_970] : memref<3x16x1024xf32, #tpu.memory_space<vmem>> -> memref<1x16x1024xf32, #tpu.memory_space<vmem>>
    %dma_wait3A_972 = tpu.memref_squeeze %dma_wait3A_971 : memref<1x16x1024xf32, #tpu.memory_space<vmem>> -> memref<16x1024xf32, #tpu.memory_space<vmem>>
    %dma_wait3A_973 = arith.constant 0 : i32
    %dma_wait3A_974 = tpu.memref_slice %arg4[%add3A_966, %dma_wait3A_973] : memref<8192x1024xf32, #tpu.memory_space<hbm>> -> memref<16x1024xf32, #tpu.memory_space<hbm>>
    %dma_wait3A_975 = tpu.memref_slice %arg9[%dma_wait3A_968] : memref<3x!tpu.dma_semaphore, #tpu.memory_space<semaphore_mem>> -> memref<1x!tpu.dma_semaphore, #tpu.memory_space<semaphore_mem>>
    %dma_wait3A_976 = tpu.memref_squeeze %dma_wait3A_975 : memref<1x!tpu.dma_semaphore, #tpu.memory_space<semaphore_mem>> -> memref<!tpu.dma_semaphore, #tpu.memory_space<semaphore_mem>>
    %dma_wait3A_977 = arith.constant 0 : i32
    %dma_wait3A_978 = tpu.memref_slice %arg4[%add3A_966, %dma_wait3A_977] : memref<8192x1024xf32, #tpu.memory_space<hbm>> -> memref<16x1024xf32, #tpu.memory_space<hbm>>
    %dma_wait3A_979 = arith.constant 0 : i32
    %dma_wait3A_980 = arith.constant 0 : i32
    %dma_wait3A_981 = tpu.memref_slice %arg6[%dma_wait3A_967, %dma_wait3A_979, %dma_wait3A_980] : memref<3x16x1024xf32, #tpu.memory_space<vmem>> -> memref<1x16x1024xf32, #tpu.memory_space<vmem>>
    %dma_wait3A_982 = tpu.memref_squeeze %dma_wait3A_981 : memref<1x16x1024xf32, #tpu.memory_space<vmem>> -> memref<16x1024xf32, #tpu.memory_space<vmem>>
    tpu.wait_dma2 semaphore(%dma_wait3A_976 : memref<!tpu.dma_semaphore, #tpu.memory_space<semaphore_mem>>) src(%dma_wait3A_982 : memref<16x1024xf32, #tpu.memory_space<vmem>>) dst(%dma_wait3A_978 : memref<16x1024xf32, #tpu.memory_space<hbm>>)
    %add3A_983 = arith.constant 6176 : i32
    %add3A_984 = arith.addi %add3A_983, %mul3A_2 : i32
    %dma_start3A_985 = arith.constant 2 : i32
    %dma_start3A_986 = arith.constant 2 : i32
    %dma_start3A_987 = arith.constant 0 : i32
    %dma_start3A_988 = arith.constant 0 : i32
    %dma_start3A_989 = tpu.memref_slice %arg6[%dma_start3A_985, %dma_start3A_987, %dma_start3A_988] : memref<3x16x1024xf32, #tpu.memory_space<vmem>> -> memref<1x16x1024xf32, #tpu.memory_space<vmem>>
    %dma_start3A_990 = tpu.memref_squeeze %dma_start3A_989 : memref<1x16x1024xf32, #tpu.memory_space<vmem>> -> memref<16x1024xf32, #tpu.memory_space<vmem>>
    %dma_start3A_991 = arith.constant 0 : i32
    %dma_start3A_992 = tpu.memref_slice %arg2[%add3A_984, %dma_start3A_991] : memref<8192x1024xf32, #tpu.memory_space<hbm>> -> memref<16x1024xf32, #tpu.memory_space<hbm>>
    %dma_start3A_993 = tpu.memref_slice %arg8[%dma_start3A_986] : memref<3x!tpu.dma_semaphore, #tpu.memory_space<semaphore_mem>> -> memref<1x!tpu.dma_semaphore, #tpu.memory_space<semaphore_mem>>
    %dma_start3A_994 = tpu.memref_squeeze %dma_start3A_993 : memref<1x!tpu.dma_semaphore, #tpu.memory_space<semaphore_mem>> -> memref<!tpu.dma_semaphore, #tpu.memory_space<semaphore_mem>>
    %dma_start3A_995 = arith.constant 0 : i32
    %dma_start3A_996 = arith.constant 0 : i32
    %dma_start3A_997 = tpu.memref_slice %arg6[%dma_start3A_985, %dma_start3A_995, %dma_start3A_996] : memref<3x16x1024xf32, #tpu.memory_space<vmem>> -> memref<1x16x1024xf32, #tpu.memory_space<vmem>>
    %dma_start3A_998 = tpu.memref_squeeze %dma_start3A_997 : memref<1x16x1024xf32, #tpu.memory_space<vmem>> -> memref<16x1024xf32, #tpu.memory_space<vmem>>
    %dma_start3A_999 = arith.constant 0 : i32
    %dma_start3A_1000 = tpu.memref_slice %arg2[%add3A_984, %dma_start3A_999] : memref<8192x1024xf32, #tpu.memory_space<hbm>> -> memref<16x1024xf32, #tpu.memory_space<hbm>>
    tpu.enqueue_dma source(%dma_start3A_1000 : memref<16x1024xf32, #tpu.memory_space<hbm>>) target(%dma_start3A_998 : memref<16x1024xf32, #tpu.memory_space<vmem>>) target_semaphore(%dma_start3A_994 : memref<!tpu.dma_semaphore, #tpu.memory_space<semaphore_mem>>)
    %add3A_1001 = arith.constant 6160 : i32
    %add3A_1002 = arith.addi %add3A_1001, %mul3A_2 : i32
    %dma_wait3A_1003 = arith.constant 1 : i32
    %dma_wait3A_1004 = arith.constant 1 : i32
    %dma_wait3A_1005 = arith.constant 0 : i32
    %dma_wait3A_1006 = arith.constant 0 : i32
    %dma_wait3A_1007 = tpu.memref_slice %arg6[%dma_wait3A_1003, %dma_wait3A_1005, %dma_wait3A_1006] : memref<3x16x1024xf32, #tpu.memory_space<vmem>> -> memref<1x16x1024xf32, #tpu.memory_space<vmem>>
    %dma_wait3A_1008 = tpu.memref_squeeze %dma_wait3A_1007 : memref<1x16x1024xf32, #tpu.memory_space<vmem>> -> memref<16x1024xf32, #tpu.memory_space<vmem>>
    %dma_wait3A_1009 = arith.constant 0 : i32
    %dma_wait3A_1010 = tpu.memref_slice %arg2[%add3A_1002, %dma_wait3A_1009] : memref<8192x1024xf32, #tpu.memory_space<hbm>> -> memref<16x1024xf32, #tpu.memory_space<hbm>>
    %dma_wait3A_1011 = tpu.memref_slice %arg8[%dma_wait3A_1004] : memref<3x!tpu.dma_semaphore, #tpu.memory_space<semaphore_mem>> -> memref<1x!tpu.dma_semaphore, #tpu.memory_space<semaphore_mem>>
    %dma_wait3A_1012 = tpu.memref_squeeze %dma_wait3A_1011 : memref<1x!tpu.dma_semaphore, #tpu.memory_space<semaphore_mem>> -> memref<!tpu.dma_semaphore, #tpu.memory_space<semaphore_mem>>
    %dma_wait3A_1013 = arith.constant 0 : i32
    %dma_wait3A_1014 = arith.constant 0 : i32
    %dma_wait3A_1015 = tpu.memref_slice %arg6[%dma_wait3A_1003, %dma_wait3A_1013, %dma_wait3A_1014] : memref<3x16x1024xf32, #tpu.memory_space<vmem>> -> memref<1x16x1024xf32, #tpu.memory_space<vmem>>
    %dma_wait3A_1016 = tpu.memref_squeeze %dma_wait3A_1015 : memref<1x16x1024xf32, #tpu.memory_space<vmem>> -> memref<16x1024xf32, #tpu.memory_space<vmem>>
    %dma_wait3A_1017 = arith.constant 0 : i32
    %dma_wait3A_1018 = tpu.memref_slice %arg2[%add3A_1002, %dma_wait3A_1017] : memref<8192x1024xf32, #tpu.memory_space<hbm>> -> memref<16x1024xf32, #tpu.memory_space<hbm>>
    tpu.wait_dma2 semaphore(%dma_wait3A_1012 : memref<!tpu.dma_semaphore, #tpu.memory_space<semaphore_mem>>) src(%dma_wait3A_1018 : memref<16x1024xf32, #tpu.memory_space<hbm>>) dst(%dma_wait3A_1016 : memref<16x1024xf32, #tpu.memory_space<vmem>>)
    %parallel_loop3A_1019 = arith.constant 0 : i32
    %parallel_loop3A_1020 = arith.constant 1024 : i32
    %parallel_loop3A_1021 = arith.constant 1 : i32
    scf.for %parallel_loop3A_1208 = %parallel_loop3A_1019 to %parallel_loop3A_1020 step %parallel_loop3A_1021  : i32 {
      %parallel_loop3A_1209 = arith.constant 64 : i32
      %parallel_loop3A_1210 = arith.divsi %parallel_loop3A_1208, %parallel_loop3A_1209 : i32
      %parallel_loop3A_1211 = arith.constant 0 : i32
      %parallel_loop3A_1212 = arith.cmpi sgt, %parallel_loop3A_1208, %parallel_loop3A_1211 : i32
      %parallel_loop3A_1213 = arith.extui %parallel_loop3A_1212 : i1 to i32
      %parallel_loop3A_1214 = arith.constant 0 : i32
      %parallel_loop3A_1215 = arith.cmpi slt, %parallel_loop3A_1208, %parallel_loop3A_1214 : i32
      %parallel_loop3A_1216 = arith.extui %parallel_loop3A_1215 : i1 to i32
      %parallel_loop3A_1217 = arith.subi %parallel_loop3A_1213, %parallel_loop3A_1216 : i32
      %parallel_loop3A_1218 = arith.constant 0 : i32
      %parallel_loop3A_1219 = arith.cmpi sgt, %parallel_loop3A_1209, %parallel_loop3A_1218 : i32
      %parallel_loop3A_1220 = arith.extui %parallel_loop3A_1219 : i1 to i32
      %parallel_loop3A_1221 = arith.constant 0 : i32
      %parallel_loop3A_1222 = arith.cmpi slt, %parallel_loop3A_1209, %parallel_loop3A_1221 : i32
      %parallel_loop3A_1223 = arith.extui %parallel_loop3A_1222 : i1 to i32
      %parallel_loop3A_1224 = arith.subi %parallel_loop3A_1220, %parallel_loop3A_1223 : i32
      %parallel_loop3A_1225 = arith.cmpi ne, %parallel_loop3A_1217, %parallel_loop3A_1224 : i32
      %parallel_loop3A_1226 = arith.remsi %parallel_loop3A_1208, %parallel_loop3A_1209 : i32
      %parallel_loop3A_1227 = arith.constant 0 : i32
      %parallel_loop3A_1228 = arith.cmpi ne, %parallel_loop3A_1226, %parallel_loop3A_1227 : i32
      %parallel_loop3A_1229 = arith.andi %parallel_loop3A_1225, %parallel_loop3A_1228 : i1
      %parallel_loop3A_1230 = arith.constant 1 : i32
      %parallel_loop3A_1231 = arith.subi %parallel_loop3A_1210, %parallel_loop3A_1230 : i32
      %parallel_loop3A_1232 = arith.select %parallel_loop3A_1229, %parallel_loop3A_1231, %parallel_loop3A_1210 : i32
      %parallel_loop3A_1233 = arith.constant 64 : i32
      %parallel_loop3A_1234 = arith.constant 0 : i32
      %parallel_loop3A_1235 = arith.cmpi eq, %parallel_loop3A_1233, %parallel_loop3A_1234 : i32
      %parallel_loop3A_1236 = arith.constant 1 : i32
      %parallel_loop3A_1237 = arith.select %parallel_loop3A_1235, %parallel_loop3A_1236, %parallel_loop3A_1233 : i32
      %parallel_loop3A_1238 = arith.remsi %parallel_loop3A_1208, %parallel_loop3A_1237 : i32
      %parallel_loop3A_1239 = arith.constant 0 : i32
      %parallel_loop3A_1240 = arith.cmpi ne, %parallel_loop3A_1238, %parallel_loop3A_1239 : i32
      %parallel_loop3A_1241 = arith.constant 0 : i32
      %parallel_loop3A_1242 = arith.cmpi slt, %parallel_loop3A_1238, %parallel_loop3A_1241 : i32
      %parallel_loop3A_1243 = arith.constant 0 : i32
      %parallel_loop3A_1244 = arith.cmpi slt, %parallel_loop3A_1237, %parallel_loop3A_1243 : i32
      %parallel_loop3A_1245 = arith.xori %parallel_loop3A_1242, %parallel_loop3A_1244 : i1
      %parallel_loop3A_1246 = arith.andi %parallel_loop3A_1245, %parallel_loop3A_1240 : i1
      %parallel_loop3A_1247 = arith.addi %parallel_loop3A_1238, %parallel_loop3A_1237 : i32
      %parallel_loop3A_1248 = arith.select %parallel_loop3A_1246, %parallel_loop3A_1247, %parallel_loop3A_1238 : i32
      %parallel_loop3A_1249 = arith.constant 16 : i32
      %parallel_loop3A_1250 = arith.muli %parallel_loop3A_1248, %parallel_loop3A_1249 : i32
      %parallel_loop3A_1251 = arith.constant 16 : i32
      %parallel_loop3A_1252 = arith.addi %parallel_loop3A_1251, %parallel_loop3A_1232 : i32
      %parallel_loop3A_1253 = arith.index_cast %parallel_loop3A_1252 : i32 to index
      %parallel_loop3A_1254 = arith.index_cast %parallel_loop3A_1250 : i32 to index
      %parallel_loop3A_1255 = tpu.vector_load %arg5[%parallel_loop3A_1253, %parallel_loop3A_1254] {strides = array<i32>} : memref<64x1024xf32, #tpu.memory_space<vmem>>, vector<1x16xf32>,
      %parallel_loop3A_1256 = vector.shape_cast %parallel_loop3A_1255 : vector<1x16xf32> to vector<16xf32>
      %parallel_loop3A_1257 = arith.constant 1 : i32
      %parallel_loop3A_1258 = arith.index_cast %parallel_loop3A_1257 : i32 to index
      %parallel_loop3A_1259 = arith.index_cast %parallel_loop3A_1232 : i32 to index
      %parallel_loop3A_1260 = arith.index_cast %parallel_loop3A_1250 : i32 to index
      %parallel_loop3A_1261 = tpu.vector_load %arg6[%parallel_loop3A_1258, %parallel_loop3A_1259, %parallel_loop3A_1260] {strides = array<i32>} : memref<3x16x1024xf32, #tpu.memory_space<vmem>>, vector<1x1x16xf32>,
      %parallel_loop3A_1262 = vector.shape_cast %parallel_loop3A_1261 : vector<1x1x16xf32> to vector<16xf32>
      %parallel_loop3A_1263 = vector.shape_cast %parallel_loop3A_1256 : vector<16xf32> to vector<1x1x16xf32>
      tpu.vector_store %arg6[%parallel_loop3A_1258, %parallel_loop3A_1259, %parallel_loop3A_1260], %parallel_loop3A_1263 {add = true, strides = array<i32>} : memref<3x16x1024xf32, #tpu.memory_space<vmem>>, vector<1x1x16xf32>,
    } {sc.loop_unroll_factor = 8 : i64, sc.parallel_access}
    %add3A_1022 = arith.constant 6160 : i32
    %add3A_1023 = arith.addi %add3A_1022, %mul3A_2 : i32
    %dma_start3A_1024 = arith.constant 1 : i32
    %dma_start3A_1025 = arith.constant 1 : i32
    %dma_start3A_1026 = arith.constant 0 : i32
    %dma_start3A_1027 = arith.constant 0 : i32
    %dma_start3A_1028 = tpu.memref_slice %arg6[%dma_start3A_1024, %dma_start3A_1026, %dma_start3A_1027] : memref<3x16x1024xf32, #tpu.memory_space<vmem>> -> memref<1x16x1024xf32, #tpu.memory_space<vmem>>
    %dma_start3A_1029 = tpu.memref_squeeze %dma_start3A_1028 : memref<1x16x1024xf32, #tpu.memory_space<vmem>> -> memref<16x1024xf32, #tpu.memory_space<vmem>>
    %dma_start3A_1030 = arith.constant 0 : i32
    %dma_start3A_1031 = tpu.memref_slice %arg4[%add3A_1023, %dma_start3A_1030] : memref<8192x1024xf32, #tpu.memory_space<hbm>> -> memref<16x1024xf32, #tpu.memory_space<hbm>>
    %dma_start3A_1032 = tpu.memref_slice %arg9[%dma_start3A_1025] : memref<3x!tpu.dma_semaphore, #tpu.memory_space<semaphore_mem>> -> memref<1x!tpu.dma_semaphore, #tpu.memory_space<semaphore_mem>>
    %dma_start3A_1033 = tpu.memref_squeeze %dma_start3A_1032 : memref<1x!tpu.dma_semaphore, #tpu.memory_space<semaphore_mem>> -> memref<!tpu.dma_semaphore, #tpu.memory_space<semaphore_mem>>
    %dma_start3A_1034 = arith.constant 0 : i32
    %dma_start3A_1035 = tpu.memref_slice %arg4[%add3A_1023, %dma_start3A_1034] : memref<8192x1024xf32, #tpu.memory_space<hbm>> -> memref<16x1024xf32, #tpu.memory_space<hbm>>
    %dma_start3A_1036 = arith.constant 0 : i32
    %dma_start3A_1037 = arith.constant 0 : i32
    %dma_start3A_1038 = tpu.memref_slice %arg6[%dma_start3A_1024, %dma_start3A_1036, %dma_start3A_1037] : memref<3x16x1024xf32, #tpu.memory_space<vmem>> -> memref<1x16x1024xf32, #tpu.memory_space<vmem>>
    %dma_start3A_1039 = tpu.memref_squeeze %dma_start3A_1038 : memref<1x16x1024xf32, #tpu.memory_space<vmem>> -> memref<16x1024xf32, #tpu.memory_space<vmem>>
    tpu.enqueue_dma source(%dma_start3A_1039 : memref<16x1024xf32, #tpu.memory_space<vmem>>) target(%dma_start3A_1035 : memref<16x1024xf32, #tpu.memory_space<hbm>>) target_semaphore(%dma_start3A_1033 : memref<!tpu.dma_semaphore, #tpu.memory_space<semaphore_mem>>)
    %add3A_1040 = arith.constant 6144 : i32
    %add3A_1041 = arith.addi %add3A_1040, %mul3A_2 : i32
    %dma_wait3A_1042 = arith.constant 0 : i32
    %dma_wait3A_1043 = arith.constant 0 : i32
    %dma_wait3A_1044 = arith.constant 0 : i32
    %dma_wait3A_1045 = arith.constant 0 : i32
    %dma_wait3A_1046 = tpu.memref_slice %arg6[%dma_wait3A_1042, %dma_wait3A_1044, %dma_wait3A_1045] : memref<3x16x1024xf32, #tpu.memory_space<vmem>> -> memref<1x16x1024xf32, #tpu.memory_space<vmem>>
    %dma_wait3A_1047 = tpu.memref_squeeze %dma_wait3A_1046 : memref<1x16x1024xf32, #tpu.memory_space<vmem>> -> memref<16x1024xf32, #tpu.memory_space<vmem>>
    %dma_wait3A_1048 = arith.constant 0 : i32
    %dma_wait3A_1049 = tpu.memref_slice %arg4[%add3A_1041, %dma_wait3A_1048] : memref<8192x1024xf32, #tpu.memory_space<hbm>> -> memref<16x1024xf32, #tpu.memory_space<hbm>>
    %dma_wait3A_1050 = tpu.memref_slice %arg9[%dma_wait3A_1043] : memref<3x!tpu.dma_semaphore, #tpu.memory_space<semaphore_mem>> -> memref<1x!tpu.dma_semaphore, #tpu.memory_space<semaphore_mem>>
    %dma_wait3A_1051 = tpu.memref_squeeze %dma_wait3A_1050 : memref<1x!tpu.dma_semaphore, #tpu.memory_space<semaphore_mem>> -> memref<!tpu.dma_semaphore, #tpu.memory_space<semaphore_mem>>
    %dma_wait3A_1052 = arith.constant 0 : i32
    %dma_wait3A_1053 = tpu.memref_slice %arg4[%add3A_1041, %dma_wait3A_1052] : memref<8192x1024xf32, #tpu.memory_space<hbm>> -> memref<16x1024xf32, #tpu.memory_space<hbm>>
    %dma_wait3A_1054 = arith.constant 0 : i32
    %dma_wait3A_1055 = arith.constant 0 : i32
    %dma_wait3A_1056 = tpu.memref_slice %arg6[%dma_wait3A_1042, %dma_wait3A_1054, %dma_wait3A_1055] : memref<3x16x1024xf32, #tpu.memory_space<vmem>> -> memref<1x16x1024xf32, #tpu.memory_space<vmem>>
    %dma_wait3A_1057 = tpu.memref_squeeze %dma_wait3A_1056 : memref<1x16x1024xf32, #tpu.memory_space<vmem>> -> memref<16x1024xf32, #tpu.memory_space<vmem>>
    tpu.wait_dma2 semaphore(%dma_wait3A_1051 : memref<!tpu.dma_semaphore, #tpu.memory_space<semaphore_mem>>) src(%dma_wait3A_1057 : memref<16x1024xf32, #tpu.memory_space<vmem>>) dst(%dma_wait3A_1053 : memref<16x1024xf32, #tpu.memory_space<hbm>>)
    %add3A_1058 = arith.constant 6192 : i32
    %add3A_1059 = arith.addi %add3A_1058, %mul3A_2 : i32
    %dma_start3A_1060 = arith.constant 0 : i32
    %dma_start3A_1061 = arith.constant 0 : i32
    %dma_start3A_1062 = arith.constant 0 : i32
    %dma_start3A_1063 = arith.constant 0 : i32
    %dma_start3A_1064 = tpu.memref_slice %arg6[%dma_start3A_1060, %dma_start3A_1062, %dma_start3A_1063] : memref<3x16x1024xf32, #tpu.memory_space<vmem>> -> memref<1x16x1024xf32, #tpu.memory_space<vmem>>
    %dma_start3A_1065 = tpu.memref_squeeze %dma_start3A_1064 : memref<1x16x1024xf32, #tpu.memory_space<vmem>> -> memref<16x1024xf32, #tpu.memory_space<vmem>>
    %dma_start3A_1066 = arith.constant 0 : i32
    %dma_start3A_1067 = tpu.memref_slice %arg2[%add3A_1059, %dma_start3A_1066] : memref<8192x1024xf32, #tpu.memory_space<hbm>> -> memref<16x1024xf32, #tpu.memory_space<hbm>>
    %dma_start3A_1068 = tpu.memref_slice %arg8[%dma_start3A_1061] : memref<3x!tpu.dma_semaphore, #tpu.memory_space<semaphore_mem>> -> memref<1x!tpu.dma_semaphore, #tpu.memory_space<semaphore_mem>>
    %dma_start3A_1069 = tpu.memref_squeeze %dma_start3A_1068 : memref<1x!tpu.dma_semaphore, #tpu.memory_space<semaphore_mem>> -> memref<!tpu.dma_semaphore, #tpu.memory_space<semaphore_mem>>
    %dma_start3A_1070 = arith.constant 0 : i32
    %dma_start3A_1071 = arith.constant 0 : i32
    %dma_start3A_1072 = tpu.memref_slice %arg6[%dma_start3A_1060, %dma_start3A_1070, %dma_start3A_1071] : memref<3x16x1024xf32, #tpu.memory_space<vmem>> -> memref<1x16x1024xf32, #tpu.memory_space<vmem>>
    %dma_start3A_1073 = tpu.memref_squeeze %dma_start3A_1072 : memref<1x16x1024xf32, #tpu.memory_space<vmem>> -> memref<16x1024xf32, #tpu.memory_space<vmem>>
    %dma_start3A_1074 = arith.constant 0 : i32
    %dma_start3A_1075 = tpu.memref_slice %arg2[%add3A_1059, %dma_start3A_1074] : memref<8192x1024xf32, #tpu.memory_space<hbm>> -> memref<16x1024xf32, #tpu.memory_space<hbm>>
    tpu.enqueue_dma source(%dma_start3A_1075 : memref<16x1024xf32, #tpu.memory_space<hbm>>) target(%dma_start3A_1073 : memref<16x1024xf32, #tpu.memory_space<vmem>>) target_semaphore(%dma_start3A_1069 : memref<!tpu.dma_semaphore, #tpu.memory_space<semaphore_mem>>)
    %add3A_1076 = arith.constant 6176 : i32
    %add3A_1077 = arith.addi %add3A_1076, %mul3A_2 : i32
    %dma_wait3A_1078 = arith.constant 2 : i32
    %dma_wait3A_1079 = arith.constant 2 : i32
    %dma_wait3A_1080 = arith.constant 0 : i32
    %dma_wait3A_1081 = arith.constant 0 : i32
    %dma_wait3A_1082 = tpu.memref_slice %arg6[%dma_wait3A_1078, %dma_wait3A_1080, %dma_wait3A_1081] : memref<3x16x1024xf32, #tpu.memory_space<vmem>> -> memref<1x16x1024xf32, #tpu.memory_space<vmem>>
    %dma_wait3A_1083 = tpu.memref_squeeze %dma_wait3A_1082 : memref<1x16x1024xf32, #tpu.memory_space<vmem>> -> memref<16x1024xf32, #tpu.memory_space<vmem>>
    %dma_wait3A_1084 = arith.constant 0 : i32
    %dma_wait3A_1085 = tpu.memref_slice %arg2[%add3A_1077, %dma_wait3A_1084] : memref<8192x1024xf32, #tpu.memory_space<hbm>> -> memref<16x1024xf32, #tpu.memory_space<hbm>>
    %dma_wait3A_1086 = tpu.memref_slice %arg8[%dma_wait3A_1079] : memref<3x!tpu.dma_semaphore, #tpu.memory_space<semaphore_mem>> -> memref<1x!tpu.dma_semaphore, #tpu.memory_space<semaphore_mem>>
    %dma_wait3A_1087 = tpu.memref_squeeze %dma_wait3A_1086 : memref<1x!tpu.dma_semaphore, #tpu.memory_space<semaphore_mem>> -> memref<!tpu.dma_semaphore, #tpu.memory_space<semaphore_mem>>
    %dma_wait3A_1088 = arith.constant 0 : i32
    %dma_wait3A_1089 = arith.constant 0 : i32
    %dma_wait3A_1090 = tpu.memref_slice %arg6[%dma_wait3A_1078, %dma_wait3A_1088, %dma_wait3A_1089] : memref<3x16x1024xf32, #tpu.memory_space<vmem>> -> memref<1x16x1024xf32, #tpu.memory_space<vmem>>
    %dma_wait3A_1091 = tpu.memref_squeeze %dma_wait3A_1090 : memref<1x16x1024xf32, #tpu.memory_space<vmem>> -> memref<16x1024xf32, #tpu.memory_space<vmem>>
    %dma_wait3A_1092 = arith.constant 0 : i32
    %dma_wait3A_1093 = tpu.memref_slice %arg2[%add3A_1077, %dma_wait3A_1092] : memref<8192x1024xf32, #tpu.memory_space<hbm>> -> memref<16x1024xf32, #tpu.memory_space<hbm>>
    tpu.wait_dma2 semaphore(%dma_wait3A_1087 : memref<!tpu.dma_semaphore, #tpu.memory_space<semaphore_mem>>) src(%dma_wait3A_1093 : memref<16x1024xf32, #tpu.memory_space<hbm>>) dst(%dma_wait3A_1091 : memref<16x1024xf32, #tpu.memory_space<vmem>>)
    %parallel_loop3A_1094 = arith.constant 0 : i32
    %parallel_loop3A_1095 = arith.constant 1024 : i32
    %parallel_loop3A_1096 = arith.constant 1 : i32
    scf.for %parallel_loop3A_1208 = %parallel_loop3A_1094 to %parallel_loop3A_1095 step %parallel_loop3A_1096  : i32 {
      %parallel_loop3A_1209 = arith.constant 64 : i32
      %parallel_loop3A_1210 = arith.divsi %parallel_loop3A_1208, %parallel_loop3A_1209 : i32
      %parallel_loop3A_1211 = arith.constant 0 : i32
      %parallel_loop3A_1212 = arith.cmpi sgt, %parallel_loop3A_1208, %parallel_loop3A_1211 : i32
      %parallel_loop3A_1213 = arith.extui %parallel_loop3A_1212 : i1 to i32
      %parallel_loop3A_1214 = arith.constant 0 : i32
      %parallel_loop3A_1215 = arith.cmpi slt, %parallel_loop3A_1208, %parallel_loop3A_1214 : i32
      %parallel_loop3A_1216 = arith.extui %parallel_loop3A_1215 : i1 to i32
      %parallel_loop3A_1217 = arith.subi %parallel_loop3A_1213, %parallel_loop3A_1216 : i32
      %parallel_loop3A_1218 = arith.constant 0 : i32
      %parallel_loop3A_1219 = arith.cmpi sgt, %parallel_loop3A_1209, %parallel_loop3A_1218 : i32
      %parallel_loop3A_1220 = arith.extui %parallel_loop3A_1219 : i1 to i32
      %parallel_loop3A_1221 = arith.constant 0 : i32
      %parallel_loop3A_1222 = arith.cmpi slt, %parallel_loop3A_1209, %parallel_loop3A_1221 : i32
      %parallel_loop3A_1223 = arith.extui %parallel_loop3A_1222 : i1 to i32
      %parallel_loop3A_1224 = arith.subi %parallel_loop3A_1220, %parallel_loop3A_1223 : i32
      %parallel_loop3A_1225 = arith.cmpi ne, %parallel_loop3A_1217, %parallel_loop3A_1224 : i32
      %parallel_loop3A_1226 = arith.remsi %parallel_loop3A_1208, %parallel_loop3A_1209 : i32
      %parallel_loop3A_1227 = arith.constant 0 : i32
      %parallel_loop3A_1228 = arith.cmpi ne, %parallel_loop3A_1226, %parallel_loop3A_1227 : i32
      %parallel_loop3A_1229 = arith.andi %parallel_loop3A_1225, %parallel_loop3A_1228 : i1
      %parallel_loop3A_1230 = arith.constant 1 : i32
      %parallel_loop3A_1231 = arith.subi %parallel_loop3A_1210, %parallel_loop3A_1230 : i32
      %parallel_loop3A_1232 = arith.select %parallel_loop3A_1229, %parallel_loop3A_1231, %parallel_loop3A_1210 : i32
      %parallel_loop3A_1233 = arith.constant 64 : i32
      %parallel_loop3A_1234 = arith.constant 0 : i32
      %parallel_loop3A_1235 = arith.cmpi eq, %parallel_loop3A_1233, %parallel_loop3A_1234 : i32
      %parallel_loop3A_1236 = arith.constant 1 : i32
      %parallel_loop3A_1237 = arith.select %parallel_loop3A_1235, %parallel_loop3A_1236, %parallel_loop3A_1233 : i32
      %parallel_loop3A_1238 = arith.remsi %parallel_loop3A_1208, %parallel_loop3A_1237 : i32
      %parallel_loop3A_1239 = arith.constant 0 : i32
      %parallel_loop3A_1240 = arith.cmpi ne, %parallel_loop3A_1238, %parallel_loop3A_1239 : i32
      %parallel_loop3A_1241 = arith.constant 0 : i32
      %parallel_loop3A_1242 = arith.cmpi slt, %parallel_loop3A_1238, %parallel_loop3A_1241 : i32
      %parallel_loop3A_1243 = arith.constant 0 : i32
      %parallel_loop3A_1244 = arith.cmpi slt, %parallel_loop3A_1237, %parallel_loop3A_1243 : i32
      %parallel_loop3A_1245 = arith.xori %parallel_loop3A_1242, %parallel_loop3A_1244 : i1
      %parallel_loop3A_1246 = arith.andi %parallel_loop3A_1245, %parallel_loop3A_1240 : i1
      %parallel_loop3A_1247 = arith.addi %parallel_loop3A_1238, %parallel_loop3A_1237 : i32
      %parallel_loop3A_1248 = arith.select %parallel_loop3A_1246, %parallel_loop3A_1247, %parallel_loop3A_1238 : i32
      %parallel_loop3A_1249 = arith.constant 16 : i32
      %parallel_loop3A_1250 = arith.muli %parallel_loop3A_1248, %parallel_loop3A_1249 : i32
      %parallel_loop3A_1251 = arith.constant 32 : i32
      %parallel_loop3A_1252 = arith.addi %parallel_loop3A_1251, %parallel_loop3A_1232 : i32
      %parallel_loop3A_1253 = arith.index_cast %parallel_loop3A_1252 : i32 to index
      %parallel_loop3A_1254 = arith.index_cast %parallel_loop3A_1250 : i32 to index
      %parallel_loop3A_1255 = tpu.vector_load %arg5[%parallel_loop3A_1253, %parallel_loop3A_1254] {strides = array<i32>} : memref<64x1024xf32, #tpu.memory_space<vmem>>, vector<1x16xf32>,
      %parallel_loop3A_1256 = vector.shape_cast %parallel_loop3A_1255 : vector<1x16xf32> to vector<16xf32>
      %parallel_loop3A_1257 = arith.constant 2 : i32
      %parallel_loop3A_1258 = arith.index_cast %parallel_loop3A_1257 : i32 to index
      %parallel_loop3A_1259 = arith.index_cast %parallel_loop3A_1232 : i32 to index
      %parallel_loop3A_1260 = arith.index_cast %parallel_loop3A_1250 : i32 to index
      %parallel_loop3A_1261 = tpu.vector_load %arg6[%parallel_loop3A_1258, %parallel_loop3A_1259, %parallel_loop3A_1260] {strides = array<i32>} : memref<3x16x1024xf32, #tpu.memory_space<vmem>>, vector<1x1x16xf32>,
      %parallel_loop3A_1262 = vector.shape_cast %parallel_loop3A_1261 : vector<1x1x16xf32> to vector<16xf32>
      %parallel_loop3A_1263 = vector.shape_cast %parallel_loop3A_1256 : vector<16xf32> to vector<1x1x16xf32>
      tpu.vector_store %arg6[%parallel_loop3A_1258, %parallel_loop3A_1259, %parallel_loop3A_1260], %parallel_loop3A_1263 {add = true, strides = array<i32>} : memref<3x16x1024xf32, #tpu.memory_space<vmem>>, vector<1x1x16xf32>,
    } {sc.loop_unroll_factor = 8 : i64, sc.parallel_access}
    %add3A_1097 = arith.constant 6176 : i32
    %add3A_1098 = arith.addi %add3A_1097, %mul3A_2 : i32
    %dma_start3A_1099 = arith.constant 2 : i32
    %dma_start3A_1100 = arith.constant 2 : i32
    %dma_start3A_1101 = arith.constant 0 : i32
    %dma_start3A_1102 = arith.constant 0 : i32
    %dma_start3A_1103 = tpu.memref_slice %arg6[%dma_start3A_1099, %dma_start3A_1101, %dma_start3A_1102] : memref<3x16x1024xf32, #tpu.memory_space<vmem>> -> memref<1x16x1024xf32, #tpu.memory_space<vmem>>
    %dma_start3A_1104 = tpu.memref_squeeze %dma_start3A_1103 : memref<1x16x1024xf32, #tpu.memory_space<vmem>> -> memref<16x1024xf32, #tpu.memory_space<vmem>>
    %dma_start3A_1105 = arith.constant 0 : i32
    %dma_start3A_1106 = tpu.memref_slice %arg4[%add3A_1098, %dma_start3A_1105] : memref<8192x1024xf32, #tpu.memory_space<hbm>> -> memref<16x1024xf32, #tpu.memory_space<hbm>>
    %dma_start3A_1107 = tpu.memref_slice %arg9[%dma_start3A_1100] : memref<3x!tpu.dma_semaphore, #tpu.memory_space<semaphore_mem>> -> memref<1x!tpu.dma_semaphore, #tpu.memory_space<semaphore_mem>>
    %dma_start3A_1108 = tpu.memref_squeeze %dma_start3A_1107 : memref<1x!tpu.dma_semaphore, #tpu.memory_space<semaphore_mem>> -> memref<!tpu.dma_semaphore, #tpu.memory_space<semaphore_mem>>
    %dma_start3A_1109 = arith.constant 0 : i32
    %dma_start3A_1110 = tpu.memref_slice %arg4[%add3A_1098, %dma_start3A_1109] : memref<8192x1024xf32, #tpu.memory_space<hbm>> -> memref<16x1024xf32, #tpu.memory_space<hbm>>
    %dma_start3A_1111 = arith.constant 0 : i32
    %dma_start3A_1112 = arith.constant 0 : i32
    %dma_start3A_1113 = tpu.memref_slice %arg6[%dma_start3A_1099, %dma_start3A_1111, %dma_start3A_1112] : memref<3x16x1024xf32, #tpu.memory_space<vmem>> -> memref<1x16x1024xf32, #tpu.memory_space<vmem>>
    %dma_start3A_1114 = tpu.memref_squeeze %dma_start3A_1113 : memref<1x16x1024xf32, #tpu.memory_space<vmem>> -> memref<16x1024xf32, #tpu.memory_space<vmem>>
    tpu.enqueue_dma source(%dma_start3A_1114 : memref<16x1024xf32, #tpu.memory_space<vmem>>) target(%dma_start3A_1110 : memref<16x1024xf32, #tpu.memory_space<hbm>>) target_semaphore(%dma_start3A_1108 : memref<!tpu.dma_semaphore, #tpu.memory_space<semaphore_mem>>)
    %add3A_1115 = arith.constant 6192 : i32
    %add3A_1116 = arith.addi %add3A_1115, %mul3A_2 : i32
    %dma_wait3A_1117 = arith.constant 0 : i32
    %dma_wait3A_1118 = arith.constant 0 : i32
    %dma_wait3A_1119 = arith.constant 0 : i32
    %dma_wait3A_1120 = arith.constant 0 : i32
    %dma_wait3A_1121 = tpu.memref_slice %arg6[%dma_wait3A_1117, %dma_wait3A_1119, %dma_wait3A_1120] : memref<3x16x1024xf32, #tpu.memory_space<vmem>> -> memref<1x16x1024xf32, #tpu.memory_space<vmem>>
    %dma_wait3A_1122 = tpu.memref_squeeze %dma_wait3A_1121 : memref<1x16x1024xf32, #tpu.memory_space<vmem>> -> memref<16x1024xf32, #tpu.memory_space<vmem>>
    %dma_wait3A_1123 = arith.constant 0 : i32
    %dma_wait3A_1124 = tpu.memref_slice %arg2[%add3A_1116, %dma_wait3A_1123] : memref<8192x1024xf32, #tpu.memory_space<hbm>> -> memref<16x1024xf32, #tpu.memory_space<hbm>>
    %dma_wait3A_1125 = tpu.memref_slice %arg8[%dma_wait3A_1118] : memref<3x!tpu.dma_semaphore, #tpu.memory_space<semaphore_mem>> -> memref<1x!tpu.dma_semaphore, #tpu.memory_space<semaphore_mem>>
    %dma_wait3A_1126 = tpu.memref_squeeze %dma_wait3A_1125 : memref<1x!tpu.dma_semaphore, #tpu.memory_space<semaphore_mem>> -> memref<!tpu.dma_semaphore, #tpu.memory_space<semaphore_mem>>
    %dma_wait3A_1127 = arith.constant 0 : i32
    %dma_wait3A_1128 = arith.constant 0 : i32
    %dma_wait3A_1129 = tpu.memref_slice %arg6[%dma_wait3A_1117, %dma_wait3A_1127, %dma_wait3A_1128] : memref<3x16x1024xf32, #tpu.memory_space<vmem>> -> memref<1x16x1024xf32, #tpu.memory_space<vmem>>
    %dma_wait3A_1130 = tpu.memref_squeeze %dma_wait3A_1129 : memref<1x16x1024xf32, #tpu.memory_space<vmem>> -> memref<16x1024xf32, #tpu.memory_space<vmem>>
    %dma_wait3A_1131 = arith.constant 0 : i32
    %dma_wait3A_1132 = tpu.memref_slice %arg2[%add3A_1116, %dma_wait3A_1131] : memref<8192x1024xf32, #tpu.memory_space<hbm>> -> memref<16x1024xf32, #tpu.memory_space<hbm>>
    tpu.wait_dma2 semaphore(%dma_wait3A_1126 : memref<!tpu.dma_semaphore, #tpu.memory_space<semaphore_mem>>) src(%dma_wait3A_1132 : memref<16x1024xf32, #tpu.memory_space<hbm>>) dst(%dma_wait3A_1130 : memref<16x1024xf32, #tpu.memory_space<vmem>>)
    %parallel_loop3A_1133 = arith.constant 0 : i32
    %parallel_loop3A_1134 = arith.constant 1024 : i32
    %parallel_loop3A_1135 = arith.constant 1 : i32
    scf.for %parallel_loop3A_1208 = %parallel_loop3A_1133 to %parallel_loop3A_1134 step %parallel_loop3A_1135  : i32 {
      %parallel_loop3A_1209 = arith.constant 64 : i32
      %parallel_loop3A_1210 = arith.divsi %parallel_loop3A_1208, %parallel_loop3A_1209 : i32
      %parallel_loop3A_1211 = arith.constant 0 : i32
      %parallel_loop3A_1212 = arith.cmpi sgt, %parallel_loop3A_1208, %parallel_loop3A_1211 : i32
      %parallel_loop3A_1213 = arith.extui %parallel_loop3A_1212 : i1 to i32
      %parallel_loop3A_1214 = arith.constant 0 : i32
      %parallel_loop3A_1215 = arith.cmpi slt, %parallel_loop3A_1208, %parallel_loop3A_1214 : i32
      %parallel_loop3A_1216 = arith.extui %parallel_loop3A_1215 : i1 to i32
      %parallel_loop3A_1217 = arith.subi %parallel_loop3A_1213, %parallel_loop3A_1216 : i32
      %parallel_loop3A_1218 = arith.constant 0 : i32
      %parallel_loop3A_1219 = arith.cmpi sgt, %parallel_loop3A_1209, %parallel_loop3A_1218 : i32
      %parallel_loop3A_1220 = arith.extui %parallel_loop3A_1219 : i1 to i32
      %parallel_loop3A_1221 = arith.constant 0 : i32
      %parallel_loop3A_1222 = arith.cmpi slt, %parallel_loop3A_1209, %parallel_loop3A_1221 : i32
      %parallel_loop3A_1223 = arith.extui %parallel_loop3A_1222 : i1 to i32
      %parallel_loop3A_1224 = arith.subi %parallel_loop3A_1220, %parallel_loop3A_1223 : i32
      %parallel_loop3A_1225 = arith.cmpi ne, %parallel_loop3A_1217, %parallel_loop3A_1224 : i32
      %parallel_loop3A_1226 = arith.remsi %parallel_loop3A_1208, %parallel_loop3A_1209 : i32
      %parallel_loop3A_1227 = arith.constant 0 : i32
      %parallel_loop3A_1228 = arith.cmpi ne, %parallel_loop3A_1226, %parallel_loop3A_1227 : i32
      %parallel_loop3A_1229 = arith.andi %parallel_loop3A_1225, %parallel_loop3A_1228 : i1
      %parallel_loop3A_1230 = arith.constant 1 : i32
      %parallel_loop3A_1231 = arith.subi %parallel_loop3A_1210, %parallel_loop3A_1230 : i32
      %parallel_loop3A_1232 = arith.select %parallel_loop3A_1229, %parallel_loop3A_1231, %parallel_loop3A_1210 : i32
      %parallel_loop3A_1233 = arith.constant 64 : i32
      %parallel_loop3A_1234 = arith.constant 0 : i32
      %parallel_loop3A_1235 = arith.cmpi eq, %parallel_loop3A_1233, %parallel_loop3A_1234 : i32
      %parallel_loop3A_1236 = arith.constant 1 : i32
      %parallel_loop3A_1237 = arith.select %parallel_loop3A_1235, %parallel_loop3A_1236, %parallel_loop3A_1233 : i32
      %parallel_loop3A_1238 = arith.remsi %parallel_loop3A_1208, %parallel_loop3A_1237 : i32
      %parallel_loop3A_1239 = arith.constant 0 : i32
      %parallel_loop3A_1240 = arith.cmpi ne, %parallel_loop3A_1238, %parallel_loop3A_1239 : i32
      %parallel_loop3A_1241 = arith.constant 0 : i32
      %parallel_loop3A_1242 = arith.cmpi slt, %parallel_loop3A_1238, %parallel_loop3A_1241 : i32
      %parallel_loop3A_1243 = arith.constant 0 : i32
      %parallel_loop3A_1244 = arith.cmpi slt, %parallel_loop3A_1237, %parallel_loop3A_1243 : i32
      %parallel_loop3A_1245 = arith.xori %parallel_loop3A_1242, %parallel_loop3A_1244 : i1
      %parallel_loop3A_1246 = arith.andi %parallel_loop3A_1245, %parallel_loop3A_1240 : i1
      %parallel_loop3A_1247 = arith.addi %parallel_loop3A_1238, %parallel_loop3A_1237 : i32
      %parallel_loop3A_1248 = arith.select %parallel_loop3A_1246, %parallel_loop3A_1247, %parallel_loop3A_1238 : i32
      %parallel_loop3A_1249 = arith.constant 16 : i32
      %parallel_loop3A_1250 = arith.muli %parallel_loop3A_1248, %parallel_loop3A_1249 : i32
      %parallel_loop3A_1251 = arith.constant 48 : i32
      %parallel_loop3A_1252 = arith.addi %parallel_loop3A_1251, %parallel_loop3A_1232 : i32
      %parallel_loop3A_1253 = arith.index_cast %parallel_loop3A_1252 : i32 to index
      %parallel_loop3A_1254 = arith.index_cast %parallel_loop3A_1250 : i32 to index
      %parallel_loop3A_1255 = tpu.vector_load %arg5[%parallel_loop3A_1253, %parallel_loop3A_1254] {strides = array<i32>} : memref<64x1024xf32, #tpu.memory_space<vmem>>, vector<1x16xf32>,
      %parallel_loop3A_1256 = vector.shape_cast %parallel_loop3A_1255 : vector<1x16xf32> to vector<16xf32>
      %parallel_loop3A_1257 = arith.constant 0 : i32
      %parallel_loop3A_1258 = arith.index_cast %parallel_loop3A_1257 : i32 to index
      %parallel_loop3A_1259 = arith.index_cast %parallel_loop3A_1232 : i32 to index
      %parallel_loop3A_1260 = arith.index_cast %parallel_loop3A_1250 : i32 to index
      %parallel_loop3A_1261 = tpu.vector_load %arg6[%parallel_loop3A_1258, %parallel_loop3A_1259, %parallel_loop3A_1260] {strides = array<i32>} : memref<3x16x1024xf32, #tpu.memory_space<vmem>>, vector<1x1x16xf32>,
      %parallel_loop3A_1262 = vector.shape_cast %parallel_loop3A_1261 : vector<1x1x16xf32> to vector<16xf32>
      %parallel_loop3A_1263 = vector.shape_cast %parallel_loop3A_1256 : vector<16xf32> to vector<1x1x16xf32>
      tpu.vector_store %arg6[%parallel_loop3A_1258, %parallel_loop3A_1259, %parallel_loop3A_1260], %parallel_loop3A_1263 {add = true, strides = array<i32>} : memref<3x16x1024xf32, #tpu.memory_space<vmem>>, vector<1x1x16xf32>,
    } {sc.loop_unroll_factor = 8 : i64, sc.parallel_access}
    %add3A_1136 = arith.constant 6192 : i32
    %add3A_1137 = arith.addi %add3A_1136, %mul3A_2 : i32
    %dma_start3A_1138 = arith.constant 0 : i32
    %dma_start3A_1139 = arith.constant 0 : i32
    %dma_start3A_1140 = arith.constant 0 : i32
    %dma_start3A_1141 = arith.constant 0 : i32
    %dma_start3A_1142 = tpu.memref_slice %arg6[%dma_start3A_1138, %dma_start3A_1140, %dma_start3A_1141] : memref<3x16x1024xf32, #tpu.memory_space<vmem>> -> memref<1x16x1024xf32, #tpu.memory_space<vmem>>
    %dma_start3A_1143 = tpu.memref_squeeze %dma_start3A_1142 : memref<1x16x1024xf32, #tpu.memory_space<vmem>> -> memref<16x1024xf32, #tpu.memory_space<vmem>>
    %dma_start3A_1144 = arith.constant 0 : i32
    %dma_start3A_1145 = tpu.memref_slice %arg4[%add3A_1137, %dma_start3A_1144] : memref<8192x1024xf32, #tpu.memory_space<hbm>> -> memref<16x1024xf32, #tpu.memory_space<hbm>>
    %dma_start3A_1146 = tpu.memref_slice %arg9[%dma_start3A_1139] : memref<3x!tpu.dma_semaphore, #tpu.memory_space<semaphore_mem>> -> memref<1x!tpu.dma_semaphore, #tpu.memory_space<semaphore_mem>>
    %dma_start3A_1147 = tpu.memref_squeeze %dma_start3A_1146 : memref<1x!tpu.dma_semaphore, #tpu.memory_space<semaphore_mem>> -> memref<!tpu.dma_semaphore, #tpu.memory_space<semaphore_mem>>
    %dma_start3A_1148 = arith.constant 0 : i32
    %dma_start3A_1149 = tpu.memref_slice %arg4[%add3A_1137, %dma_start3A_1148] : memref<8192x1024xf32, #tpu.memory_space<hbm>> -> memref<16x1024xf32, #tpu.memory_space<hbm>>
    %dma_start3A_1150 = arith.constant 0 : i32
    %dma_start3A_1151 = arith.constant 0 : i32
    %dma_start3A_1152 = tpu.memref_slice %arg6[%dma_start3A_1138, %dma_start3A_1150, %dma_start3A_1151] : memref<3x16x1024xf32, #tpu.memory_space<vmem>> -> memref<1x16x1024xf32, #tpu.memory_space<vmem>>
    %dma_start3A_1153 = tpu.memref_squeeze %dma_start3A_1152 : memref<1x16x1024xf32, #tpu.memory_space<vmem>> -> memref<16x1024xf32, #tpu.memory_space<vmem>>
    tpu.enqueue_dma source(%dma_start3A_1153 : memref<16x1024xf32, #tpu.memory_space<vmem>>) target(%dma_start3A_1149 : memref<16x1024xf32, #tpu.memory_space<hbm>>) target_semaphore(%dma_start3A_1147 : memref<!tpu.dma_semaphore, #tpu.memory_space<semaphore_mem>>)
    %add3A_1154 = arith.constant 6160 : i32
    %add3A_1155 = arith.addi %add3A_1154, %mul3A_2 : i32
    %dma_wait3A_1156 = arith.constant 1 : i32
    %dma_wait3A_1157 = arith.constant 1 : i32
    %dma_wait3A_1158 = arith.constant 0 : i32
    %dma_wait3A_1159 = arith.constant 0 : i32
    %dma_wait3A_1160 = tpu.memref_slice %arg6[%dma_wait3A_1156, %dma_wait3A_1158, %dma_wait3A_1159] : memref<3x16x1024xf32, #tpu.memory_space<vmem>> -> memref<1x16x1024xf32, #tpu.memory_space<vmem>>
    %dma_wait3A_1161 = tpu.memref_squeeze %dma_wait3A_1160 : memref<1x16x1024xf32, #tpu.memory_space<vmem>> -> memref<16x1024xf32, #tpu.memory_space<vmem>>
    %dma_wait3A_1162 = arith.constant 0 : i32
    %dma_wait3A_1163 = tpu.memref_slice %arg4[%add3A_1155, %dma_wait3A_1162] : memref<8192x1024xf32, #tpu.memory_space<hbm>> -> memref<16x1024xf32, #tpu.memory_space<hbm>>
    %dma_wait3A_1164 = tpu.memref_slice %arg9[%dma_wait3A_1157] : memref<3x!tpu.dma_semaphore, #tpu.memory_space<semaphore_mem>> -> memref<1x!tpu.dma_semaphore, #tpu.memory_space<semaphore_mem>>
    %dma_wait3A_1165 = tpu.memref_squeeze %dma_wait3A_1164 : memref<1x!tpu.dma_semaphore, #tpu.memory_space<semaphore_mem>> -> memref<!tpu.dma_semaphore, #tpu.memory_space<semaphore_mem>>
    %dma_wait3A_1166 = arith.constant 0 : i32
    %dma_wait3A_1167 = tpu.memref_slice %arg4[%add3A_1155, %dma_wait3A_1166] : memref<8192x1024xf32, #tpu.memory_space<hbm>> -> memref<16x1024xf32, #tpu.memory_space<hbm>>
    %dma_wait3A_1168 = arith.constant 0 : i32
    %dma_wait3A_1169 = arith.constant 0 : i32
    %dma_wait3A_1170 = tpu.memref_slice %arg6[%dma_wait3A_1156, %dma_wait3A_1168, %dma_wait3A_1169] : memref<3x16x1024xf32, #tpu.memory_space<vmem>> -> memref<1x16x1024xf32, #tpu.memory_space<vmem>>
    %dma_wait3A_1171 = tpu.memref_squeeze %dma_wait3A_1170 : memref<1x16x1024xf32, #tpu.memory_space<vmem>> -> memref<16x1024xf32, #tpu.memory_space<vmem>>
    tpu.wait_dma2 semaphore(%dma_wait3A_1165 : memref<!tpu.dma_semaphore, #tpu.memory_space<semaphore_mem>>) src(%dma_wait3A_1171 : memref<16x1024xf32, #tpu.memory_space<vmem>>) dst(%dma_wait3A_1167 : memref<16x1024xf32, #tpu.memory_space<hbm>>)
    %add3A_1172 = arith.constant 6176 : i32
    %add3A_1173 = arith.addi %add3A_1172, %mul3A_2 : i32
    %dma_wait3A_1174 = arith.constant 2 : i32
    %dma_wait3A_1175 = arith.constant 2 : i32
    %dma_wait3A_1176 = arith.constant 0 : i32
    %dma_wait3A_1177 = arith.constant 0 : i32
    %dma_wait3A_1178 = tpu.memref_slice %arg6[%dma_wait3A_1174, %dma_wait3A_1176, %dma_wait3A_1177] : memref<3x16x1024xf32, #tpu.memory_space<vmem>> -> memref<1x16x1024xf32, #tpu.memory_space<vmem>>
    %dma_wait3A_1179 = tpu.memref_squeeze %dma_wait3A_1178 : memref<1x16x1024xf32, #tpu.memory_space<vmem>> -> memref<16x1024xf32, #tpu.memory_space<vmem>>
    %dma_wait3A_1180 = arith.constant 0 : i32
    %dma_wait3A_1181 = tpu.memref_slice %arg4[%add3A_1173, %dma_wait3A_1180] : memref<8192x1024xf32, #tpu.memory_space<hbm>> -> memref<16x1024xf32, #tpu.memory_space<hbm>>
    %dma_wait3A_1182 = tpu.memref_slice %arg9[%dma_wait3A_1175] : memref<3x!tpu.dma_semaphore, #tpu.memory_space<semaphore_mem>> -> memref<1x!tpu.dma_semaphore, #tpu.memory_space<semaphore_mem>>
    %dma_wait3A_1183 = tpu.memref_squeeze %dma_wait3A_1182 : memref<1x!tpu.dma_semaphore, #tpu.memory_space<semaphore_mem>> -> memref<!tpu.dma_semaphore, #tpu.memory_space<semaphore_mem>>
    %dma_wait3A_1184 = arith.constant 0 : i32
    %dma_wait3A_1185 = tpu.memref_slice %arg4[%add3A_1173, %dma_wait3A_1184] : memref<8192x1024xf32, #tpu.memory_space<hbm>> -> memref<16x1024xf32, #tpu.memory_space<hbm>>
    %dma_wait3A_1186 = arith.constant 0 : i32
    %dma_wait3A_1187 = arith.constant 0 : i32
    %dma_wait3A_1188 = tpu.memref_slice %arg6[%dma_wait3A_1174, %dma_wait3A_1186, %dma_wait3A_1187] : memref<3x16x1024xf32, #tpu.memory_space<vmem>> -> memref<1x16x1024xf32, #tpu.memory_space<vmem>>
    %dma_wait3A_1189 = tpu.memref_squeeze %dma_wait3A_1188 : memref<1x16x1024xf32, #tpu.memory_space<vmem>> -> memref<16x1024xf32, #tpu.memory_space<vmem>>
    tpu.wait_dma2 semaphore(%dma_wait3A_1183 : memref<!tpu.dma_semaphore, #tpu.memory_space<semaphore_mem>>) src(%dma_wait3A_1189 : memref<16x1024xf32, #tpu.memory_space<vmem>>) dst(%dma_wait3A_1185 : memref<16x1024xf32, #tpu.memory_space<hbm>>)
    %add3A_1190 = arith.constant 6192 : i32
    %add3A_1191 = arith.addi %add3A_1190, %mul3A_2 : i32
    %dma_wait3A_1192 = arith.constant 0 : i32
    %dma_wait3A_1193 = arith.constant 0 : i32
    %dma_wait3A_1194 = arith.constant 0 : i32
    %dma_wait3A_1195 = arith.constant 0 : i32
    %dma_wait3A_1196 = tpu.memref_slice %arg6[%dma_wait3A_1192, %dma_wait3A_1194, %dma_wait3A_1195] : memref<3x16x1024xf32, #tpu.memory_space<vmem>> -> memref<1x16x1024xf32, #tpu.memory_space<vmem>>
    %dma_wait3A_1197 = tpu.memref_squeeze %dma_wait3A_1196 : memref<1x16x1024xf32, #tpu.memory_space<vmem>> -> memref<16x1024xf32, #tpu.memory_space<vmem>>
    %dma_wait3A_1198 = arith.constant 0 : i32
    %dma_wait3A_1199 = tpu.memref_slice %arg4[%add3A_1191, %dma_wait3A_1198] : memref<8192x1024xf32, #tpu.memory_space<hbm>> -> memref<16x1024xf32, #tpu.memory_space<hbm>>
    %dma_wait3A_1200 = tpu.memref_slice %arg9[%dma_wait3A_1193] : memref<3x!tpu.dma_semaphore, #tpu.memory_space<semaphore_mem>> -> memref<1x!tpu.dma_semaphore, #tpu.memory_space<semaphore_mem>>
    %dma_wait3A_1201 = tpu.memref_squeeze %dma_wait3A_1200 : memref<1x!tpu.dma_semaphore, #tpu.memory_space<semaphore_mem>> -> memref<!tpu.dma_semaphore, #tpu.memory_space<semaphore_mem>>
    %dma_wait3A_1202 = arith.constant 0 : i32
    %dma_wait3A_1203 = tpu.memref_slice %arg4[%add3A_1191, %dma_wait3A_1202] : memref<8192x1024xf32, #tpu.memory_space<hbm>> -> memref<16x1024xf32, #tpu.memory_space<hbm>>
    %dma_wait3A_1204 = arith.constant 0 : i32
    %dma_wait3A_1205 = arith.constant 0 : i32
    %dma_wait3A_1206 = tpu.memref_slice %arg6[%dma_wait3A_1192, %dma_wait3A_1204, %dma_wait3A_1205] : memref<3x16x1024xf32, #tpu.memory_space<vmem>> -> memref<1x16x1024xf32, #tpu.memory_space<vmem>>
    %dma_wait3A_1207 = tpu.memref_squeeze %dma_wait3A_1206 : memref<1x16x1024xf32, #tpu.memory_space<vmem>> -> memref<16x1024xf32, #tpu.memory_space<vmem>>
    tpu.wait_dma2 semaphore(%dma_wait3A_1201 : memref<!tpu.dma_semaphore, #tpu.memory_space<semaphore_mem>>) src(%dma_wait3A_1207 : memref<16x1024xf32, #tpu.memory_space<vmem>>) dst(%dma_wait3A_1203 : memref<16x1024xf32, #tpu.memory_space<hbm>>)
    return
  }
}

</mosaic_0001>

<sc_bundles>
// kernel: kernel.3.cloned.1.call-start
scs
__scs_entry_jumppad:
0x0: {  	(pc) =	sbr.rel $0x88, $3  }
0x1: {  	(tag) =	ssettag $0x0;
	lr =	simm.s32 $0x1  }
0x2: {  	[smem:$0x3F9F] =	sst lr;
	_ =	strace $0xD0000000  }
0x3: {  	_ = 	snop  }
0x4: {  	_ = 	snop  }
0x5: {  	_ = 	snop  }
0x6: {  	_ = 	snop  }
0x7: {  	_ = 	snop  }
__scs_overlays_trampoline_lowered:
0x8: {  	[smem:$0x3FAE] =	sst s0  }
0x9: {  	[smem:$0x3FAF] =	sst s1  }
0xa: {  	[smem:$0x3FB0] =	sst s2  }
0xb: {  	[smem:$0x3FB1] =	sst s3  }
0xc: {  	[smem:$0x3FB2] =	sst s4  }
0xd: {  	[smem:$0x3FB3] =	sst s5  }
0xe: {  	[smem:$0x3FB4] =	sst s6  }
0xf: {  	[smem:$0x3FB5] =	sst s7  }
0x10: {  	[smem:$0x3FB6] =	sst s8  }
0x11: {  	[smem:$0x3FB7] =	sst s9;
	s0 =	simm.s32 @!p0 $0x0  }
0x12: {  	s1 =	sld [smem:$0x3F9D];
	s0 =	simm.s32 @p0 $0x1  }
0x13: {  	[smem:$0x3FB8] =	sst s0;
	s0 =	simm.s32 @!p1 $0x0  }
0x14: {  	s2 =	sld [smem:$0x3F9C];
	s0 =	simm.s32 @p1 $0x1  }
0x15: {  	[smem:$0x3FB9] =	sst s0;
	s0 =	simm.s32 @!p2 $0x0  }
0x16: {  	s3 =	sld [smem:$0x3FDB];
	s0 =	simm.s32 @p2 $0x1  }
0x17: {  	s4 =	simm.s32 $0x1BF5;
	[smem:$0x3FBB] =	sst s0  }
0x18: {  	s0 =	sld [smem:$0x3F9E];
	_ =	swait.ge [sflag:s4], $0x0  }
0x19: {  	s7 =	sld [smem:$0x3F9F]  }
0x1a: {  	s8 =	sadd.s32 $0xFFFFE003, lr  }
0x1b: {  	s9 =	sadd.s32 $0xFFFFFEF7, lr;
	s5 =	simm.s32 $0xFFFFFFFF;
	p2 =	slt.u32 s8, $0xFFFFF086  }
0x1c: {  	p1 =	slt.u32 s9, $0xF7A;
	s5 =	simm.s32 @!p2 $0x0  }
0x1d: {  	s5 =	simm.s32 @p1 $0x1;
	p0 =	seq.s32 s7, s2  }
0x1e: {  	s7 =	smul.u32 @!p0 $0xF7A, s2;
	p2 =	seq.s32 @!p0 s5, $0x0  }
0x1f: {  	s9 =	smul.u32 $0xF7A, s1;
	s8 =	simm.s32 @!p0 $0x1BF5;
	p2 =	por !p2, p0  }
0x20: {  	[sflag:s8] =	ssyncset.s32 @!p0 $0xFFFFF086;
	s6 =	sadd.s32 @!p0 s3, s7;
	s7 =	simm.s32 @!p0 $0x108  }
0x21: {  	s3 =	sadd.s32 s3, s9;
	s6 =	sadd.s32 @!p0 $0x88, s6;
	s7 =	simm.s32 @p2 $0x1082  }
0x22: {  	[simem:s7], [sflag:s8] =	dma.local @!p0 [hbm:s6], $0xF7A  }
0x23: {  	s9 =	sor.u32 $0xD0000000, s2;
	s6 =	simm.s32 $0x108;
	_ =	swait.ge @!p0 [sflag:s8], $0x0  }
0x24: {  	s3 =	sadd.s32 $0x88, s3;
	s6 =	simm.s32 @!p1 $0x1082;
	[sflag:s4] =	ssyncset.s32 $0xFFFFF086  }
0x25: {  	[simem:s6], [sflag:s4] =	dma.local [hbm:s3], $0xF7A  }
0x26: {  	[smem:$0x3F9F] =	sst s1;
	(tag) =	ssettag s2;
	_ =	strace s9  }
0x27: {  	s1 =	sld [smem:$0x3FAF]  }
0x28: {  	s2 =	sld [smem:$0x3FB0]  }
0x29: {  	s4 =	sld [smem:$0x3FB2]  }
0x2a: {  	p0 =	seq.s32 s5, $0x0;
	s5 =	sld [smem:$0x3FB3]  }
0x2b: {  	s6 =	sld [smem:$0x3FB4]  }
0x2c: {  	s7 =	sld [smem:$0x3FB5]  }
0x2d: {  	s3 =	simm.s32 $0x108;
	s8 =	sld [smem:$0x3FB6]  }
0x2e: {  	s3 =	simm.s32 @!p0 $0x1082;
	s9 =	sld [smem:$0x3FB7]  }
0x2f: {  	lr =	sadd.s32 s0, s3;
	s0 =	sld [smem:$0x3FAE]  }
0x30: {  	s3 =	sld [smem:$0x3FB1]  }
0x31: {  	[smem:$0x3FBA] =	sst s10  }
0x32: {  	s10 =	sld [smem:$0x3FB8];
	_ =	sdelay $0x3  }
0x33: {  	p0 =	seq.s32 s10, $0x1;
	s10 =	sld [smem:$0x3FBA];
	_ =	sdelay $0x3  }
0x34: {  	[smem:$0x3FBA] =	sst s10  }
0x35: {  	s10 =	sld [smem:$0x3FB9];
	_ =	sdelay $0x3  }
0x36: {  	p1 =	seq.s32 s10, $0x1;
	s10 =	sld [smem:$0x3FBA];
	_ =	sdelay $0x3  }
0x37: {  	[smem:$0x3FBA] =	sst s10  }
0x38: {  	s10 =	sld [smem:$0x3FBB]  }
0x39: {  	_ = 	snop;
	(pc) =	sbr.ind lr, $3  }
0x3a: {  	_ = 	snop  }
0x3b: {  	_ = 	snop  }
0x3c: {  	p2 =	seq.s32 s10, $0x1;
	s10 =	sld [smem:$0x3FBA]  }
0x3d: {  	_ =	shalt  }
0x3e: {  	_ =	shalt  }
0x3f: {  	_ =	shalt  }
0x40: {  	_ =	shalt  }
0x41: {  	_ =	shalt  }
0x42: {  	_ =	shalt  }
0x43: {  	_ =	shalt  }
0x44: {  	_ =	shalt  }
0x45: {  	_ =	shalt  }
0x46: {  	_ =	shalt  }
0x47: {  	_ =	shalt  }
0x48: {  	_ =	shalt  }
0x49: {  	_ =	shalt  }
0x4a: {  	_ =	shalt  }
0x4b: {  	_ =	shalt  }
0x4c: {  	_ =	shalt  }
0x4d: {  	_ =	shalt  }
0x4e: {  	_ =	shalt  }
0x4f: {  	_ =	shalt  }
0x50: {  	_ =	shalt  }
0x51: {  	_ =	shalt  }
0x52: {  	_ =	shalt  }
0x53: {  	_ =	shalt  }
0x54: {  	_ =	shalt  }
0x55: {  	_ =	shalt  }
0x56: {  	_ =	shalt  }
0x57: {  	_ =	shalt  }
0x58: {  	_ =	shalt  }
0x59: {  	_ =	shalt  }
0x5a: {  	_ =	shalt  }
0x5b: {  	_ =	shalt  }
0x5c: {  	_ =	shalt  }
0x5d: {  	_ =	shalt  }
0x5e: {  	_ =	shalt  }
0x5f: {  	_ =	shalt  }
0x60: {  	_ =	shalt  }
0x61: {  	_ =	shalt  }
0x62: {  	_ =	shalt  }
0x63: {  	_ =	shalt  }
0x64: {  	_ =	shalt  }
0x65: {  	_ =	shalt  }
0x66: {  	_ =	shalt  }
0x67: {  	_ =	shalt  }
0x68: {  	_ =	shalt  }
0x69: {  	_ =	shalt  }
0x6a: {  	_ =	shalt  }
0x6b: {  	_ =	shalt  }
0x6c: {  	_ =	shalt  }
0x6d: {  	_ =	shalt  }
0x6e: {  	_ =	shalt  }
0x6f: {  	_ =	shalt  }
0x70: {  	_ =	shalt  }
0x71: {  	_ =	shalt  }
0x72: {  	_ =	shalt  }
0x73: {  	_ =	shalt  }
0x74: {  	_ =	shalt  }
0x75: {  	_ =	shalt  }
0x76: {  	_ =	shalt  }
0x77: {  	_ =	shalt  }
0x78: {  	_ =	shalt  }
0x79: {  	_ =	shalt  }
0x7a: {  	_ =	shalt  }
0x7b: {  	_ =	shalt  }
0x7c: {  	_ =	shalt  }
0x7d: {  	_ =	shalt  }
0x7e: {  	_ =	shalt  }
0x7f: {  	_ =	shalt  }
0x80: {  	_ =	shalt  }
0x81: {  	_ =	shalt  }
0x82: {  	_ =	shalt  }
0x83: {  	_ =	shalt  }
0x84: {  	_ =	shalt  }
0x85: {  	_ =	shalt  }
0x86: {  	_ =	shalt  }
0x87: {  	_ =	shalt  }
.Lfunc_end0:
.L_simem_size_0:
called_computation_lowered:
.L_overlay_start_0:
0x88: {  	s2 =	sld [smem:$0x3FD9]  }
0x89: {  	s3 =	sld [smem:$0x3FFE];
	_ =	sdelay $0x1  }
0x8a: {  	s1 =	srdreg.scid  }
0x8b: {  	s0 =	sand.u32 $0x1, s1  }
0x8c: {  	s18 =	sshll.u32 s0, $0xA;
	s2 =	sadd.s32 s3, s2  }
0x8d: {  	s2 =	sadd.s32 s2, s18  }
0x8e: {  	[smem:$0x3FC6] =	sst s2  }
0x8f: {  	_ = 	snop  }
0x90: {  	s2 =	sld [smem:$0x3FC9]  }
0x91: {  	s19 =	sld [smem:$0x3FC8]  }
0x92: {  	s4 =	sld [smem:$0x3FD0];
	(tm) =	ssettm $0x1  }
0x93: {  	s5 =	sld [smem:$0x3FFB];
	_ =	sdelay $0x3  }
0x94: {  	_ =	strace s5  }
0x95: {  	s5 =	sld [smem:$0x3FFC];
	_ =	sdelay $0x3  }
0x96: {  	_ =	strace s5  }
0x97: {  	s5 =	sld [smem:$0x3FFD];
	_ =	sdelay $0x3  }
0x98: {  	_ =	strace s5  }
0x99: {  	_ =	strace $0x8FFFFFFF  }
0x9a: {  	s20 =	sld [smem:$0x3FDB];
	_ =	sdelay $0x1  }
0x9b: {  	s6 =	simm.s32 $_scs_section_size  }
0x9c: {  	s7 =	simm.s32 $_size__tile_overlayer_lowered;
	s8 =	simm.s32 $_tile_overlayer_lowered  }
0x9d: {  	s23 =	simm.s32 $0x1BFF;
	s22 =	sshll.u32 s8, $0x1;
	s5 =	sadd.s32 s6, s20  }
0x9e: {  	s9 =	simm.s32 $0x0;
	s21 =	sshll.u32 s7, $0x1;
	s7 =	sadd.s32 s22, s5  }
0x9f: {  	[timem:s9], [sflag:s23] =	dma.local [hbm:s7], s21  }
0xa0: {  	_ =	swait.ge [sflag:s23], s21  }
0xa1: {  	s6 =	ssub.s32 $0x0, s21;
	[sflag:s23] =	ssyncset.done $0x0  }
0xa2: {  	[sflag:s23] =	ssyncadd.s32 s6;
	_ =	sdelay $0x1  }
0xa3: {  	s24 =	simm.s32 $0x1B8B  }
0xa4: {  	_ =	swait.ge [sflag:s24], $0x1  }
0xa5: {  	[sflag:s24] =	ssyncset.done $0x0  }
0xa6: {  	s25 =	simm.s32 $0x1B8E;
	[sflag:s24] =	ssyncadd.s32 $0xFFFFFFFF  }
0xa7: {  	s26 =	simm.s32 $execute0_lowered;
	[smem:$0x3FD2] =	sst s25  }
0xa8: {  	s6 =	sshll.u32 s26, $0x1;
	_ =	strace $0x80000046;
	[dreg:$0x1] =	wrdreg $0xFFFFFFFF  }
0xa9: {  	s28 =	simm.s32 $_size_execute0_lowered;
	s5 =	sadd.s32 s5, s6;
	[dreg:$0x0] =	wrdreg $0x0  }
0xaa: {  	s6 =	sshll.u32 s28, $0x1;
	[dreg:$0x2] =	wrdreg s5  }
0xab: {  	[dreg:$0x3] =	wrdreg s6  }
0xac: {  	[dreg:$0x4] =	wrdreg $0xC0  }
0xad: {  	_ =	task [dreg:s9], $0x5FFFF  }
0xae: {  	[dreg:$0x1] =	wrdreg $0xFFFFFFFF  }
0xaf: {  	[dreg:$0x0] =	wrdreg $0x60  }
0xb0: {  	[dreg:$0x2] =	wrdreg s2  }
0xb1: {  	[dreg:$0x3] =	wrdreg s19  }
0xb2: {  	[dreg:$0x4] =	wrdreg s4  }
0xb3: {  	[dreg:$0x5] =	wrdreg $0x9  }
0xb4: {  	_ =	task.clear_ibuf [dreg:s9], $0x6FFFF;
	_ =	strace $0x90000046  }
0xb5: {  	s29 =	simm.s32 $0x9;
	_ =	strace $0x80000048  }
0xb6: {  	_ =	swait.ge [sflag:s29], $0x1  }
0xb7: {  	[sflag:s29] =	ssyncadd.s32 $0xFFFFFFFF  }
0xb8: {  	_ =	strace $0x90000048  }
0xb9: {  	_ =	sfence  }
0xba: {  	s30 =	sld [smem:$0x0];
	_ =	sdelay $0x2  }
0xbb: {  	s31 =	sshll.u32 s1, $0xD;
	s1 =	sshrl.u32 s1, $0x2  }
0xbc: {  	s3 =	sand.u32 $0x4000, s31;
	s1 =	sadd.s32 s1, s30  }
0xbd: {  	s0 =	sor.u32 s3, s0;
	s1 =	sshll.u32 s1, $0x11  }
0xbe: {  	s0 =	sor.u32 s1, s0  }
0xbf: {  	s0 =	sadd.s32 $0x8F2B, s0  }
0xc0: {  	[sflag:s0] =	ssyncadd.remote.s32 $0x1  }
0xc1: {  	_ =	sfence.sel $0xFFFF  }
0xc2: {  	[dreg:$0x0] =	wrdreg $0xFFFFFFFF;
	(pc) =	sbr.abs _section_cstart, $3  }
0xc3: {  	[dreg:$0x1] =	wrdreg $0xFFFFFFFF  }
0xc4: {  	_ =	task.clear_ibuf [dreg:s9], $0x2FFFF;
	_ =	strace $0x9FFFFFFF  }
0xc5: {  	(tm) =	ssettm $0x7FFFFFFF  }
tec
execute0_lowered:
.L_overlay_start_1:
0x0: {  	(tag) =	ssettag $0x1  }
0x1: {  	s2 =	rddreg [dreg:$0x0]  }
0x2: {  	s0 =	rddreg [dreg:$0x1];
	s3 =	srdreg.scid  }
0x3: {  	s4 =	rddreg [dreg:$0x2];
	s3 =	sand.u32 $0x1, s3  }
0x4: {  	s1 =	simm.s32 $0x0;
	s6 =	stileid.u32;
	s5 =	ssub.s32 $0x2, s3  }
0x5: {  	s6 =	sshll.u32 s6, $0xE;
	s3 =	sshll.u32 s3, $0xD;
	s7 =	sshrl.u32 s5, $0x1  }
0x6: {  	[smem:$0x7FF] =	sst s1;
	s3 =	sor.u32 s3, s6;
	s5 =	ssub.s32 s5, s7  }
0x7: {  	s0 =	sadd.s32 s0, s3;
	s19 =	sor.u32 $0x800, s3;
	s21 =	sor.u32 $0x1000, s3  }
0x8: {  	s22 =	sor.u32 $0x1800, s3;
	[dreg:$0x4] =	wrdreg s0;
	s20 =	sadd.s32 s2, s19  }
0x9: {  	s25 =	sor.u32 $0x40000, s3;
	s8 =	sadd.s32 s2, s21;
	[dreg:$0x5] =	wrdreg s20  }
0xa: {  	s26 =	sor.u32 $0x40800, s3;
	s0 =	sadd.s32 s4, s19;
	[dreg:$0x6] =	wrdreg s8  }
0xb: {  	s10 =	sor.u32 $0x41000, s3;
	s23 =	sadd.s32 s2, s22;
	[dreg:$0x7] =	wrdreg s0  }
0xc: {  	s11 =	sor.u32 $0x41800, s3;
	s24 =	sadd.s32 s4, s21;
	[dreg:$0x8] =	wrdreg s23  }
0xd: {  	s14 =	sor.u32 $0x80000, s3;
	s28 =	sadd.s32 s2, s25;
	[dreg:$0x9] =	wrdreg s24  }
0xe: {  	s15 =	sor.u32 $0x80800, s3;
	s7 =	sadd.s32 s4, s22;
	[dreg:$0xa] =	wrdreg s28  }
0xf: {  	s18 =	sor.u32 $0x81000, s3;
	s9 =	sadd.s32 s2, s26;
	[dreg:$0xb] =	wrdreg s7  }
0x10: {  	s31 =	sadd.s32 s2, s3;
	s12 =	sadd.s32 s2, s10;
	[dreg:$0xc] =	wrdreg s9  }
0x11: {  	s30 =	sadd.s32 s4, s3;
	s6 =	sadd.s32 s4, s26;
	[dreg:$0xe] =	wrdreg s12  }
0x12: {  	s13 =	sadd.s32 s2, s11;
	s16 =	sadd.s32 s2, s14;
	[dreg:$0xf] =	wrdreg s6  }
0x13: {  	s17 =	sadd.s32 s2, s15;
	s19 =	sadd.s32 s2, s18;
	[dreg:$0x10] =	wrdreg s13  }
0x14: {  	s22 =	sor.u32 $0xC0000, s3;
	s26 =	sor.u32 $0xC1000, s3;
	[dreg:$0x12] =	wrdreg s16  }
0x15: {  	s5 =	smax.u32 s5, $0x1;
	s0 =	sadd.s32 s4, s25;
	[dreg:$0x14] =	wrdreg s17  }
0x16: {  	s7 =	sadd.s32 s4, s11;
	s6 =	sadd.s32 s4, s15;
	[dreg:$0x17] =	wrdreg s19  }
0x17: {  	s20 =	sor.u32 $0x81800, s3;
	s23 =	sadd.s32 s2, s22;
	s24 =	sor.u32 $0xC0800, s3  }
0x18: {  	s28 =	sor.u32 $0xC1800, s3;
	s3 =	sadd.s32 s4, s26;
	[dreg:$0xd] =	wrdreg s0  }
0x19: {  	s8 =	simm.s32 $0x1;
	s9 =	simm.s32 $0x2;
	[dreg:$0x13] =	wrdreg s7  }
0x1a: {  	s11 =	simm.s32 $0x3;
	s12 =	simm.s32 $0x5;
	[dreg:$0x16] =	wrdreg s6  }
0x1b: {  	s13 =	simm.s32 $0x4;
	s0 =	sadd.s32 s4, s10;
	[dreg:$0x1b] =	wrdreg s23  }
0x1c: {  	s15 =	simm.s32 $0x7;
	s21 =	sadd.s32 s2, s20;
	[dreg:$0x11] =	wrdreg s0  }
0x1d: {  	s16 =	simm.s32 $0x0;
	s25 =	sadd.s32 s2, s24;
	[dreg:$0x19] =	wrdreg s21  }
0x1e: {  	s29 =	sadd.s32 s4, s24;
	s0 =	sadd.s32 s4, s14;
	[dreg:$0x1d] =	wrdreg s25  }
0x1f: {  	s6 =	simm.s32 $0x10000;
	[dreg:$0x15] =	wrdreg s0;
	s0 =	sadd.s32 s4, s18  }
0x20: {  	s7 =	simm.s32 $0x14000;
	[dreg:$0x18] =	wrdreg s0;
	s0 =	sadd.s32 s4, s20  }
0x21: {  	s10 =	simm.s32 $0x18000;
	[dreg:$0x1a] =	wrdreg s0;
	s0 =	sadd.s32 s4, s22  }
0x22: {  	s14 =	simm.s32 $0x6;
	s4 =	sadd.s32 s4, s28;
	[dreg:$0x1c] =	wrdreg s0  }
0x23: {  	s0 =	sadd.s32 s2, s26;
	s2 =	sadd.s32 s2, s28;
	_ =	strace $0x80000047  }
.LBB2_1:
0x24: {  	s17 =	rddreg [dreg:$0x4]  }
0x25: {  	[tilespmem:s1], [sflag:$0x1] =	stream.linear.gather [hbm4b:s17+s1], $0x10000, $0x38;
	[tilespmem:$0x1C000] =	vst v63  }
0x26: {  	_ = 	snop  }
0x27: {  	[tilespmem:s6], [sflag:$0x2] =	stream.linear.gather [hbm4b:s31+s1], $0x4000, $0x38;
	[tilespmem:$0x1C000] =	vst v63  }
0x28: {  	s24 =	rddreg [dreg:$0x5]  }
0x29: {  	[tilespmem:s7], [sflag:$0x3] =	stream.linear.gather [hbm4b:s24+s1], $0x4000, $0x38;
	[tilespmem:$0x1C000] =	vst v63  }
0x2a: {  	_ =	swait.ge [sflag:s8], $0x10000  }
0x2b: {  	[sflag:s8] =	ssyncset.done $0x0  }
0x2c: {  	s25 =	simm.s32 $0x0;
	s18 =	sand.u32 $0x1C00, s1;
	[sflag:s8] =	ssyncadd.s32 $0xFFFF0000  }
0x2d: {  	s19 =	simm.s32 $0x0;
	s17 =	sand.u32 $0x2000, s25;
	_ =	swait.ge [sflag:s9], $0x4000  }
0x2e: {  	s26 =	sand.u32 $0x380, s19;
	s17 =	sor.u32 s18, s17;
	[sflag:s9] =	ssyncset.done $0x0  }
0x2f: {  	s18 =	sor.u32 s26, s17;
	[sflag:s9] =	ssyncadd.s32 $0xFFFFC000  }
0x30: {  	v0 =	vld [tilespmem:s18+$0x70]  }
0x31: {  	v5 =	vld [tilespmem:s18+$0x0]  }
0x32: {  	v6 =	vld [tilespmem:s18+$0x10]  }
0x33: {  	v4 =	vld [tilespmem:s18+$0x20]  }
0x34: {  	v1 =	vld [tilespmem:s18+$0x30]  }
0x35: {  	v2 =	vld [tilespmem:s18+$0x40]  }
0x36: {  	s17 =	sor.u32 $0x10070, s18;
	v3 =	vld [tilespmem:s18+$0x60]  }
0x37: {  	[tilespmem:s17+$0x0] =	vst.add.f32.msk $0xffff, v0  }
0x38: {  	s28 =	sor.u32 $0x10000, s18;
	s22 =	sor.u32 $0x10020, s18;
	s23 =	sor.u32 $0x10030, s18;
	v0 =	vld [tilespmem:s18+$0x50]  }
0x39: {  	s21 =	sor.u32 $0x10040, s18;
	s19 =	sor.u32 $0x10050, s18;
	s24 =	sor.u32 $0x10010, s18;
	[tilespmem:s28+$0x0] =	vst.add.f32.msk $0xffff, v5  }
0x3a: {  	s20 =	sor.u32 $0x10060, s18;
	s17 =	simm.s32 $0x0;
	[tilespmem:s24+$0x0] =	vst.add.f32.msk $0xffff, v6;
	s18 =	simm.s32 $0x0  }
.LBB2_2:
0x3b: {  	s17 =	sadd.s32 $0x8, s17;
	[tilespmem:s22+$0x0] =	vst.add.f32.msk $0xffff, v4  }
0x3c: {  	s18 =	sadd.s32 $0x400, s18;
	s22 =	sshll.u32 s17, $0x4;
	p0 =	slt.u32 s17, $0x3F8;
	[tilespmem:s23+$0x0] =	vst.add.f32.msk $0xffff, v1  }
0x3d: {  	s23 =	sand.u32 $0x1C00, s18;
	s24 =	sshll.u32 s17, $0x1;
	s22 =	sand.u32 $0x2000, s22;
	[tilespmem:s21+$0x0] =	vst.add.f32.msk $0xffff, v2  }
0x3e: {  	s21 =	sor.u32 s23, s22;
	s22 =	sand.u32 $0x380, s24;
	[tilespmem:s19+$0x0] =	vst.add.f32.msk $0xffff, v0  }
0x3f: {  	s24 =	sor.u32 s22, s21;
	[tilespmem:s20+$0x0] =	vst.add.f32.msk $0xffff, v3  }
0x40: {  	s25 =	sor.u32 $0x10000, s24;
	s26 =	sor.u32 $0x10010, s24;
	s22 =	sor.u32 $0x10020, s24;
	v0 =	vld [tilespmem:s24+$0x70]  }
0x41: {  	s23 =	sor.u32 $0x10030, s24;
	s21 =	sor.u32 $0x10040, s24;
	s19 =	sor.u32 $0x10050, s24;
	v5 =	vld [tilespmem:s24+$0x0]  }
0x42: {  	s20 =	sor.u32 $0x10060, s24;
	v6 =	vld [tilespmem:s24+$0x10]  }
0x43: {  	v4 =	vld [tilespmem:s24+$0x20]  }
0x44: {  	s28 =	sor.u32 $0x10070, s24;
	v1 =	vld [tilespmem:s24+$0x30]  }
0x45: {  	[tilespmem:s28+$0x0] =	vst.add.f32.msk $0xffff, v0  }
.Ltmp0:
0x46: {  	v2 =	vld [tilespmem:s24+$0x40];
	(pc) =	sbr.rel @p0 .LBB2_2-.Ltmp0, $4  }
0x47: {  	v0 =	vld [tilespmem:s24+$0x50]  }
0x48: {  	v3 =	vld [tilespmem:s24+$0x60]  }
0x49: {  	[tilespmem:s25+$0x0] =	vst.add.f32.msk $0xffff, v5  }
0x4a: {  	[tilespmem:s26+$0x0] =	vst.add.f32.msk $0xffff, v6  }
0x4b: {  	[tilespmem:s22+$0x0] =	vst.add.f32.msk $0xffff, v4  }
0x4c: {  	[tilespmem:s23+$0x0] =	vst.add.f32.msk $0xffff, v1  }
0x4d: {  	[tilespmem:s21+$0x0] =	vst.add.f32.msk $0xffff, v2  }
0x4e: {  	[tilespmem:s19+$0x0] =	vst.add.f32.msk $0xffff, v0  }
0x4f: {  	s17 =	simm.s32 $0x0;
	[tilespmem:s20+$0x0] =	vst.add.f32.msk $0xffff, v3  }
0x50: {  	[hbm4b:s30+s17] =	stream.linear.scatter [tilespmem:s6], [sflag:$0x5], $0x4000, $0x38;
	[tilespmem:$0x1C000] =	vst v63  }
0x51: {  	s24 =	simm.s32 $0x0;
	s25 =	simm.s32 $0x0;
	s18 =	rddreg [dreg:$0x6]  }
0x52: {  	[tilespmem:s10], [sflag:$0x4] =	stream.linear.gather [hbm4b:s18+s17], $0x4000, $0x38;
	[tilespmem:$0x1C000] =	vst v63  }
0x53: {  	s19 =	sand.u32 $0x380, s25;
	s18 =	sand.u32 $0x2000, s24;
	_ =	swait.ge [sflag:s11], $0x4000  }
0x54: {  	s26 =	sand.u32 $0x1C00, s17;
	s18 =	sor.u32 s19, s18;
	[sflag:s11] =	ssyncset.done $0x0  }
0x55: {  	s20 =	sor.u32 s26, s18;
	[sflag:s11] =	ssyncadd.s32 $0xFFFFC000  }
0x56: {  	v1 =	vld [tilespmem:s20+$0x4070]  }
0x57: {  	v5 =	vld [tilespmem:s20+$0x4000]  }
0x58: {  	v6 =	vld [tilespmem:s20+$0x4010]  }
0x59: {  	v3 =	vld [tilespmem:s20+$0x4020]  }
0x5a: {  	v0 =	vld [tilespmem:s20+$0x4030]  }
0x5b: {  	v4 =	vld [tilespmem:s20+$0x4040]  }
0x5c: {  	s18 =	sor.u32 $0x14070, s20;
	v2 =	vld [tilespmem:s20+$0x4060]  }
0x5d: {  	[tilespmem:s18+$0x0] =	vst.add.f32.msk $0xffff, v1  }
0x5e: {  	s28 =	sor.u32 $0x14000, s20;
	s24 =	sor.u32 $0x14010, s20;
	v1 =	vld [tilespmem:s20+$0x4050]  }
0x5f: {  	s23 =	sor.u32 $0x14020, s20;
	s22 =	sor.u32 $0x14030, s20;
	s21 =	sor.u32 $0x14040, s20;
	[tilespmem:s28+$0x0] =	vst.add.f32.msk $0xffff, v5  }
0x60: {  	s19 =	sor.u32 $0x14050, s20;
	s18 =	simm.s32 $0x0;
	s20 =	sor.u32 $0x14060, s20;
	[tilespmem:s24+$0x0] =	vst.add.f32.msk $0xffff, v6  }
.LBB2_4:
0x61: {  	s18 =	sadd.s32 $0x8, s18;
	[tilespmem:s23+$0x0] =	vst.add.f32.msk $0xffff, v3  }
0x62: {  	s23 =	sshll.u32 s18, $0x4;
	s24 =	sshll.u32 s18, $0x1;
	p0 =	slt.u32 s18, $0x3F8;
	[tilespmem:s22+$0x0] =	vst.add.f32.msk $0xffff, v0  }
0x63: {  	s17 =	sadd.s32 $0x400, s17;
	s22 =	sand.u32 $0x2000, s23;
	s23 =	sand.u32 $0x380, s24;
	[tilespmem:s21+$0x0] =	vst.add.f32.msk $0xffff, v4  }
0x64: {  	s21 =	sand.u32 $0x1C00, s17;
	s22 =	sor.u32 s23, s22;
	[tilespmem:s19+$0x0] =	vst.add.f32.msk $0xffff, v1  }
0x65: {  	s24 =	sor.u32 s21, s22;
	[tilespmem:s20+$0x0] =	vst.add.f32.msk $0xffff, v2  }
0x66: {  	s25 =	sor.u32 $0x14000, s24;
	s26 =	sor.u32 $0x14010, s24;
	s23 =	sor.u32 $0x14020, s24;
	v1 =	vld [tilespmem:s24+$0x4070]  }
0x67: {  	s22 =	sor.u32 $0x14030, s24;
	s21 =	sor.u32 $0x14040, s24;
	s19 =	sor.u32 $0x14050, s24;
	v5 =	vld [tilespmem:s24+$0x4000]  }
0x68: {  	s20 =	sor.u32 $0x14060, s24;
	v6 =	vld [tilespmem:s24+$0x4010]  }
0x69: {  	v3 =	vld [tilespmem:s24+$0x4020]  }
0x6a: {  	s28 =	sor.u32 $0x14070, s24;
	v0 =	vld [tilespmem:s24+$0x4030]  }
0x6b: {  	[tilespmem:s28+$0x0] =	vst.add.f32.msk $0xffff, v1  }
.Ltmp1:
0x6c: {  	v4 =	vld [tilespmem:s24+$0x4040];
	(pc) =	sbr.rel @p0 .LBB2_4-.Ltmp1, $4  }
0x6d: {  	v1 =	vld [tilespmem:s24+$0x4050]  }
0x6e: {  	v2 =	vld [tilespmem:s24+$0x4060]  }
0x6f: {  	[tilespmem:s25+$0x0] =	vst.add.f32.msk $0xffff, v5  }
0x70: {  	[tilespmem:s26+$0x0] =	vst.add.f32.msk $0xffff, v6  }
0x71: {  	[tilespmem:s23+$0x0] =	vst.add.f32.msk $0xffff, v3  }
0x72: {  	[tilespmem:s22+$0x0] =	vst.add.f32.msk $0xffff, v0  }
0x73: {  	[tilespmem:s21+$0x0] =	vst.add.f32.msk $0xffff, v4  }
0x74: {  	[tilespmem:s19+$0x0] =	vst.add.f32.msk $0xffff, v1  }
0x75: {  	[tilespmem:s20+$0x0] =	vst.add.f32.msk $0xffff, v2  }
0x76: {  	s17 =	simm.s32 $0x0;
	s18 =	rddreg [dreg:$0x7]  }
0x77: {  	[hbm4b:s18+s17] =	stream.linear.scatter [tilespmem:s7], [sflag:$0x6], $0x4000, $0x38;
	[tilespmem:$0x1C000] =	vst v63  }
0x78: {  	_ =	swait.ge [sflag:s12], $0x4000  }
0x79: {  	s24 =	simm.s32 $0x0;
	[sflag:s12] =	ssyncset.done $0x0  }
0x7a: {  	s25 =	simm.s32 $0x0;
	s23 =	rddreg [dreg:$0x8];
	[sflag:s12] =	ssyncadd.s32 $0xFFFFC000  }
0x7b: {  	[tilespmem:s6], [sflag:$0x2] =	stream.linear.gather [hbm4b:s23+s17], $0x4000, $0x38;
	[tilespmem:$0x1C000] =	vst v63  }
0x7c: {  	s19 =	sand.u32 $0x380, s25;
	s18 =	sand.u32 $0x2000, s24;
	_ =	swait.ge [sflag:s13], $0x4000  }
0x7d: {  	s26 =	sand.u32 $0x1C00, s17;
	s18 =	sor.u32 s19, s18;
	[sflag:s13] =	ssyncset.done $0x0  }
0x7e: {  	s20 =	sor.u32 s26, s18;
	[sflag:s13] =	ssyncadd.s32 $0xFFFFC000  }
0x7f: {  	v1 =	vld [tilespmem:s20+$0x8070]  }
0x80: {  	v5 =	vld [tilespmem:s20+$0x8000]  }
0x81: {  	v6 =	vld [tilespmem:s20+$0x8010]  }
0x82: {  	v3 =	vld [tilespmem:s20+$0x8020]  }
0x83: {  	v0 =	vld [tilespmem:s20+$0x8030]  }
0x84: {  	v4 =	vld [tilespmem:s20+$0x8040]  }
0x85: {  	s18 =	sor.u32 $0x18070, s20;
	v2 =	vld [tilespmem:s20+$0x8060]  }
0x86: {  	[tilespmem:s18+$0x0] =	vst.add.f32.msk $0xffff, v1  }
0x87: {  	s28 =	sor.u32 $0x18000, s20;
	s24 =	sor.u32 $0x18010, s20;
	v1 =	vld [tilespmem:s20+$0x8050]  }
0x88: {  	s22 =	sor.u32 $0x18030, s20;
	s21 =	sor.u32 $0x18040, s20;
	s19 =	sor.u32 $0x18050, s20;
	[tilespmem:s28+$0x0] =	vst.add.f32.msk $0xffff, v5  }
0x89: {  	s23 =	sor.u32 $0x18020, s20;
	s18 =	simm.s32 $0x0;
	s20 =	sor.u32 $0x18060, s20;
	[tilespmem:s24+$0x0] =	vst.add.f32.msk $0xffff, v6  }
.LBB2_6:
0x8a: {  	s18 =	sadd.s32 $0x8, s18;
	[tilespmem:s23+$0x0] =	vst.add.f32.msk $0xffff, v3  }
0x8b: {  	s23 =	sshll.u32 s18, $0x4;
	s24 =	sshll.u32 s18, $0x1;
	p0 =	slt.u32 s18, $0x3F8;
	[tilespmem:s22+$0x0] =	vst.add.f32.msk $0xffff, v0  }
0x8c: {  	s17 =	sadd.s32 $0x400, s17;
	s22 =	sand.u32 $0x2000, s23;
	s23 =	sand.u32 $0x380, s24;
	[tilespmem:s21+$0x0] =	vst.add.f32.msk $0xffff, v4  }
0x8d: {  	s21 =	sand.u32 $0x1C00, s17;
	s22 =	sor.u32 s23, s22;
	[tilespmem:s19+$0x0] =	vst.add.f32.msk $0xffff, v1  }
0x8e: {  	s24 =	sor.u32 s21, s22;
	[tilespmem:s20+$0x0] =	vst.add.f32.msk $0xffff, v2  }
0x8f: {  	s25 =	sor.u32 $0x18000, s24;
	s26 =	sor.u32 $0x18010, s24;
	s23 =	sor.u32 $0x18020, s24;
	v1 =	vld [tilespmem:s24+$0x8070]  }
0x90: {  	s22 =	sor.u32 $0x18030, s24;
	s21 =	sor.u32 $0x18040, s24;
	s19 =	sor.u32 $0x18050, s24;
	v5 =	vld [tilespmem:s24+$0x8000]  }
0x91: {  	s20 =	sor.u32 $0x18060, s24;
	v6 =	vld [tilespmem:s24+$0x8010]  }
0x92: {  	v3 =	vld [tilespmem:s24+$0x8020]  }
0x93: {  	s28 =	sor.u32 $0x18070, s24;
	v0 =	vld [tilespmem:s24+$0x8030]  }
0x94: {  	[tilespmem:s28+$0x0] =	vst.add.f32.msk $0xffff, v1  }
.Ltmp2:
0x95: {  	v4 =	vld [tilespmem:s24+$0x8040];
	(pc) =	sbr.rel @p0 .LBB2_6-.Ltmp2, $4  }
0x96: {  	v1 =	vld [tilespmem:s24+$0x8050]  }
0x97: {  	v2 =	vld [tilespmem:s24+$0x8060]  }
0x98: {  	[tilespmem:s25+$0x0] =	vst.add.f32.msk $0xffff, v5  }
0x99: {  	[tilespmem:s26+$0x0] =	vst.add.f32.msk $0xffff, v6  }
0x9a: {  	[tilespmem:s23+$0x0] =	vst.add.f32.msk $0xffff, v3  }
0x9b: {  	[tilespmem:s22+$0x0] =	vst.add.f32.msk $0xffff, v0  }
0x9c: {  	[tilespmem:s21+$0x0] =	vst.add.f32.msk $0xffff, v4  }
0x9d: {  	[tilespmem:s19+$0x0] =	vst.add.f32.msk $0xffff, v1  }
0x9e: {  	[tilespmem:s20+$0x0] =	vst.add.f32.msk $0xffff, v2  }
0x9f: {  	s17 =	simm.s32 $0x0;
	s18 =	rddreg [dreg:$0x9]  }
0xa0: {  	[hbm4b:s18+s17] =	stream.linear.scatter [tilespmem:s10], [sflag:$0x7], $0x4000, $0x38;
	[tilespmem:$0x1C000] =	vst v63  }
0xa1: {  	_ =	swait.ge [sflag:s14], $0x4000  }
0xa2: {  	s24 =	simm.s32 $0x0;
	[sflag:s14] =	ssyncset.done $0x0  }
0xa3: {  	s25 =	simm.s32 $0x0;
	s23 =	rddreg [dreg:$0xa];
	[sflag:s14] =	ssyncadd.s32 $0xFFFFC000  }
0xa4: {  	[tilespmem:s7], [sflag:$0x3] =	stream.linear.gather [hbm4b:s23+s17], $0x4000, $0x38;
	[tilespmem:$0x1C000] =	vst v63  }
0xa5: {  	s19 =	sand.u32 $0x380, s25;
	s18 =	sand.u32 $0x2000, s24;
	_ =	swait.ge [sflag:s9], $0x4000  }
0xa6: {  	s26 =	sand.u32 $0x1C00, s17;
	s18 =	sor.u32 s19, s18;
	[sflag:s9] =	ssyncset.done $0x0  }
0xa7: {  	s20 =	sor.u32 s26, s18;
	[sflag:s9] =	ssyncadd.s32 $0xFFFFC000  }
0xa8: {  	v1 =	vld [tilespmem:s20+$0xC070]  }
0xa9: {  	v5 =	vld [tilespmem:s20+$0xC000]  }
0xaa: {  	v6 =	vld [tilespmem:s20+$0xC010]  }
0xab: {  	v3 =	vld [tilespmem:s20+$0xC020]  }
0xac: {  	v0 =	vld [tilespmem:s20+$0xC030]  }
0xad: {  	v4 =	vld [tilespmem:s20+$0xC040]  }
0xae: {  	s18 =	sor.u32 $0x10070, s20;
	v2 =	vld [tilespmem:s20+$0xC060]  }
0xaf: {  	[tilespmem:s18+$0x0] =	vst.add.f32.msk $0xffff, v1  }
0xb0: {  	s28 =	sor.u32 $0x10000, s20;
	s24 =	sor.u32 $0x10010, s20;
	v1 =	vld [tilespmem:s20+$0xC050]  }
0xb1: {  	s22 =	sor.u32 $0x10030, s20;
	s21 =	sor.u32 $0x10040, s20;
	s19 =	sor.u32 $0x10050, s20;
	[tilespmem:s28+$0x0] =	vst.add.f32.msk $0xffff, v5  }
0xb2: {  	s23 =	sor.u32 $0x10020, s20;
	s18 =	simm.s32 $0x0;
	s20 =	sor.u32 $0x10060, s20;
	[tilespmem:s24+$0x0] =	vst.add.f32.msk $0xffff, v6  }
.LBB2_8:
0xb3: {  	s18 =	sadd.s32 $0x8, s18;
	[tilespmem:s23+$0x0] =	vst.add.f32.msk $0xffff, v3  }
0xb4: {  	s23 =	sshll.u32 s18, $0x4;
	s24 =	sshll.u32 s18, $0x1;
	p0 =	slt.u32 s18, $0x3F8;
	[tilespmem:s22+$0x0] =	vst.add.f32.msk $0xffff, v0  }
0xb5: {  	s17 =	sadd.s32 $0x400, s17;
	s22 =	sand.u32 $0x2000, s23;
	s23 =	sand.u32 $0x380, s24;
	[tilespmem:s21+$0x0] =	vst.add.f32.msk $0xffff, v4  }
0xb6: {  	s21 =	sand.u32 $0x1C00, s17;
	s22 =	sor.u32 s23, s22;
	[tilespmem:s19+$0x0] =	vst.add.f32.msk $0xffff, v1  }
0xb7: {  	s24 =	sor.u32 s21, s22;
	[tilespmem:s20+$0x0] =	vst.add.f32.msk $0xffff, v2  }
0xb8: {  	s25 =	sor.u32 $0x10000, s24;
	s26 =	sor.u32 $0x10010, s24;
	s23 =	sor.u32 $0x10020, s24;
	v1 =	vld [tilespmem:s24+$0xC070]  }
0xb9: {  	s22 =	sor.u32 $0x10030, s24;
	s21 =	sor.u32 $0x10040, s24;
	s19 =	sor.u32 $0x10050, s24;
	v5 =	vld [tilespmem:s24+$0xC000]  }
0xba: {  	s20 =	sor.u32 $0x10060, s24;
	v6 =	vld [tilespmem:s24+$0xC010]  }
0xbb: {  	v3 =	vld [tilespmem:s24+$0xC020]  }
0xbc: {  	s28 =	sor.u32 $0x10070, s24;
	v0 =	vld [tilespmem:s24+$0xC030]  }
0xbd: {  	[tilespmem:s28+$0x0] =	vst.add.f32.msk $0xffff, v1  }
.Ltmp3:
0xbe: {  	v4 =	vld [tilespmem:s24+$0xC040];
	(pc) =	sbr.rel @p0 .LBB2_8-.Ltmp3, $4  }
0xbf: {  	v1 =	vld [tilespmem:s24+$0xC050]  }
0xc0: {  	v2 =	vld [tilespmem:s24+$0xC060]  }
0xc1: {  	[tilespmem:s25+$0x0] =	vst.add.f32.msk $0xffff, v5  }
0xc2: {  	[tilespmem:s26+$0x0] =	vst.add.f32.msk $0xffff, v6  }
0xc3: {  	[tilespmem:s23+$0x0] =	vst.add.f32.msk $0xffff, v3  }
0xc4: {  	[tilespmem:s22+$0x0] =	vst.add.f32.msk $0xffff, v0  }
0xc5: {  	[tilespmem:s21+$0x0] =	vst.add.f32.msk $0xffff, v4  }
0xc6: {  	[tilespmem:s19+$0x0] =	vst.add.f32.msk $0xffff, v1  }
0xc7: {  	[tilespmem:s20+$0x0] =	vst.add.f32.msk $0xffff, v2  }
0xc8: {  	s17 =	simm.s32 $0x0;
	s18 =	rddreg [dreg:$0xb]  }
0xc9: {  	[hbm4b:s18+s17] =	stream.linear.scatter [tilespmem:s6], [sflag:$0x5], $0x4000, $0x38;
	[tilespmem:$0x1C000] =	vst v63  }
0xca: {  	_ =	swait.ge [sflag:s15], $0x4000  }
0xcb: {  	s24 =	simm.s32 $0x0;
	[sflag:s15] =	ssyncset.done $0x0  }
0xcc: {  	s26 =	simm.s32 $0x0;
	s23 =	rddreg [dreg:$0xc];
	[sflag:s15] =	ssyncadd.s32 $0xFFFFC000  }
0xcd: {  	[tilespmem:s10], [sflag:$0x4] =	stream.linear.gather [hbm4b:s23+s17], $0x4000, $0x38;
	[tilespmem:$0x1C000] =	vst v63  }
0xce: {  	s25 =	sand.u32 $0x1C00, s17;
	s18 =	sand.u32 $0x2000, s24;
	_ =	swait.ge [sflag:s11], $0x4000  }
0xcf: {  	s20 =	sand.u32 $0x380, s26;
	s18 =	sor.u32 s25, s18;
	[sflag:s11] =	ssyncset.done $0x0  }
0xd0: {  	s20 =	sor.u32 s20, s18;
	[sflag:s11] =	ssyncadd.s32 $0xFFFFC000  }
0xd1: {  	v0 =	vld [tilespmem:s20+$0x70]  }
0xd2: {  	v5 =	vld [tilespmem:s20+$0x0]  }
0xd3: {  	v6 =	vld [tilespmem:s20+$0x10]  }
0xd4: {  	v4 =	vld [tilespmem:s20+$0x20]  }
0xd5: {  	v1 =	vld [tilespmem:s20+$0x30]  }
0xd6: {  	v3 =	vld [tilespmem:s20+$0x40]  }
0xd7: {  	s18 =	sor.u32 $0x14070, s20;
	v2 =	vld [tilespmem:s20+$0x60]  }
0xd8: {  	[tilespmem:s18+$0x0] =	vst.add.f32.msk $0xffff, v0  }
0xd9: {  	s28 =	sor.u32 $0x14000, s20;
	s24 =	sor.u32 $0x14010, s20;
	v0 =	vld [tilespmem:s20+$0x50]  }
0xda: {  	s22 =	sor.u32 $0x14020, s20;
	s21 =	sor.u32 $0x14040, s20;
	s19 =	sor.u32 $0x14050, s20;
	[tilespmem:s28+$0x0] =	vst.add.f32.msk $0xffff, v5  }
0xdb: {  	s23 =	sor.u32 $0x14030, s20;
	s18 =	simm.s32 $0x0;
	s20 =	sor.u32 $0x14060, s20;
	[tilespmem:s24+$0x0] =	vst.add.f32.msk $0xffff, v6  }
.LBB2_10:
0xdc: {  	s18 =	sadd.s32 $0x8, s18;
	[tilespmem:s22+$0x0] =	vst.add.f32.msk $0xffff, v4  }
0xdd: {  	s17 =	sadd.s32 $0x400, s17;
	s22 =	sshll.u32 s18, $0x4;
	p0 =	slt.u32 s18, $0x3F8;
	[tilespmem:s23+$0x0] =	vst.add.f32.msk $0xffff, v1  }
0xde: {  	s23 =	sand.u32 $0x1C00, s17;
	s24 =	sshll.u32 s18, $0x1;
	s22 =	sand.u32 $0x2000, s22;
	[tilespmem:s21+$0x0] =	vst.add.f32.msk $0xffff, v3  }
0xdf: {  	s21 =	sand.u32 $0x380, s24;
	s22 =	sor.u32 s23, s22;
	[tilespmem:s19+$0x0] =	vst.add.f32.msk $0xffff, v0  }
0xe0: {  	s24 =	sor.u32 s21, s22;
	[tilespmem:s20+$0x0] =	vst.add.f32.msk $0xffff, v2  }
0xe1: {  	s25 =	sor.u32 $0x14000, s24;
	s26 =	sor.u32 $0x14010, s24;
	s22 =	sor.u32 $0x14020, s24;
	v0 =	vld [tilespmem:s24+$0x70]  }
0xe2: {  	s23 =	sor.u32 $0x14030, s24;
	s21 =	sor.u32 $0x14040, s24;
	s19 =	sor.u32 $0x14050, s24;
	v5 =	vld [tilespmem:s24+$0x0]  }
0xe3: {  	s20 =	sor.u32 $0x14060, s24;
	v6 =	vld [tilespmem:s24+$0x10]  }
0xe4: {  	v4 =	vld [tilespmem:s24+$0x20]  }
0xe5: {  	s28 =	sor.u32 $0x14070, s24;
	v1 =	vld [tilespmem:s24+$0x30]  }
0xe6: {  	[tilespmem:s28+$0x0] =	vst.add.f32.msk $0xffff, v0  }
.Ltmp4:
0xe7: {  	v3 =	vld [tilespmem:s24+$0x40];
	(pc) =	sbr.rel @p0 .LBB2_10-.Ltmp4, $4  }
0xe8: {  	v0 =	vld [tilespmem:s24+$0x50]  }
0xe9: {  	v2 =	vld [tilespmem:s24+$0x60]  }
0xea: {  	[tilespmem:s25+$0x0] =	vst.add.f32.msk $0xffff, v5  }
0xeb: {  	[tilespmem:s26+$0x0] =	vst.add.f32.msk $0xffff, v6  }
0xec: {  	[tilespmem:s22+$0x0] =	vst.add.f32.msk $0xffff, v4  }
0xed: {  	[tilespmem:s23+$0x0] =	vst.add.f32.msk $0xffff, v1  }
0xee: {  	[tilespmem:s21+$0x0] =	vst.add.f32.msk $0xffff, v3  }
0xef: {  	[tilespmem:s19+$0x0] =	vst.add.f32.msk $0xffff, v0  }
0xf0: {  	[tilespmem:s20+$0x0] =	vst.add.f32.msk $0xffff, v2  }
0xf1: {  	s17 =	simm.s32 $0x0;
	s18 =	rddreg [dreg:$0xd]  }
0xf2: {  	[hbm4b:s18+s17] =	stream.linear.scatter [tilespmem:s7], [sflag:$0x6], $0x4000, $0x38;
	[tilespmem:$0x1C000] =	vst v63  }
0xf3: {  	_ =	swait.ge [sflag:s12], $0x4000  }
0xf4: {  	s24 =	simm.s32 $0x0;
	[sflag:s12] =	ssyncset.done $0x0  }
0xf5: {  	s25 =	simm.s32 $0x0;
	s23 =	rddreg [dreg:$0xe];
	[sflag:s12] =	ssyncadd.s32 $0xFFFFC000  }
0xf6: {  	[tilespmem:s6], [sflag:$0x2] =	stream.linear.gather [hbm4b:s23+s17], $0x4000, $0x38;
	[tilespmem:$0x1C000] =	vst v63  }
0xf7: {  	s19 =	sand.u32 $0x380, s25;
	s18 =	sand.u32 $0x2000, s24;
	_ =	swait.ge [sflag:s13], $0x4000  }
0xf8: {  	s26 =	sand.u32 $0x1C00, s17;
	s18 =	sor.u32 s19, s18;
	[sflag:s13] =	ssyncset.done $0x0  }
0xf9: {  	s20 =	sor.u32 s26, s18;
	[sflag:s13] =	ssyncadd.s32 $0xFFFFC000  }
0xfa: {  	v1 =	vld [tilespmem:s20+$0x4070]  }
0xfb: {  	v5 =	vld [tilespmem:s20+$0x4000]  }
0xfc: {  	v6 =	vld [tilespmem:s20+$0x4010]  }
0xfd: {  	v3 =	vld [tilespmem:s20+$0x4020]  }
0xfe: {  	v0 =	vld [tilespmem:s20+$0x4030]  }
0xff: {  	v4 =	vld [tilespmem:s20+$0x4040]  }
0x100: {  	s18 =	sor.u32 $0x18070, s20;
	v2 =	vld [tilespmem:s20+$0x4060]  }
0x101: {  	[tilespmem:s18+$0x0] =	vst.add.f32.msk $0xffff, v1  }
0x102: {  	s28 =	sor.u32 $0x18000, s20;
	s24 =	sor.u32 $0x18010, s20;
	v1 =	vld [tilespmem:s20+$0x4050]  }
0x103: {  	s22 =	sor.u32 $0x18030, s20;
	s21 =	sor.u32 $0x18040, s20;
	s19 =	sor.u32 $0x18050, s20;
	[tilespmem:s28+$0x0] =	vst.add.f32.msk $0xffff, v5  }
0x104: {  	s23 =	sor.u32 $0x18020, s20;
	s18 =	simm.s32 $0x0;
	s20 =	sor.u32 $0x18060, s20;
	[tilespmem:s24+$0x0] =	vst.add.f32.msk $0xffff, v6  }
.LBB2_12:
0x105: {  	s18 =	sadd.s32 $0x8, s18;
	[tilespmem:s23+$0x0] =	vst.add.f32.msk $0xffff, v3  }
0x106: {  	s23 =	sshll.u32 s18, $0x4;
	s24 =	sshll.u32 s18, $0x1;
	p0 =	slt.u32 s18, $0x3F8;
	[tilespmem:s22+$0x0] =	vst.add.f32.msk $0xffff, v0  }
0x107: {  	s17 =	sadd.s32 $0x400, s17;
	s22 =	sand.u32 $0x2000, s23;
	s23 =	sand.u32 $0x380, s24;
	[tilespmem:s21+$0x0] =	vst.add.f32.msk $0xffff, v4  }
0x108: {  	s21 =	sand.u32 $0x1C00, s17;
	s22 =	sor.u32 s23, s22;
	[tilespmem:s19+$0x0] =	vst.add.f32.msk $0xffff, v1  }
0x109: {  	s24 =	sor.u32 s21, s22;
	[tilespmem:s20+$0x0] =	vst.add.f32.msk $0xffff, v2  }
0x10a: {  	s25 =	sor.u32 $0x18000, s24;
	s26 =	sor.u32 $0x18010, s24;
	s23 =	sor.u32 $0x18020, s24;
	v1 =	vld [tilespmem:s24+$0x4070]  }
0x10b: {  	s22 =	sor.u32 $0x18030, s24;
	s21 =	sor.u32 $0x18040, s24;
	s19 =	sor.u32 $0x18050, s24;
	v5 =	vld [tilespmem:s24+$0x4000]  }
0x10c: {  	s20 =	sor.u32 $0x18060, s24;
	v6 =	vld [tilespmem:s24+$0x4010]  }
0x10d: {  	v3 =	vld [tilespmem:s24+$0x4020]  }
0x10e: {  	s28 =	sor.u32 $0x18070, s24;
	v0 =	vld [tilespmem:s24+$0x4030]  }
0x10f: {  	[tilespmem:s28+$0x0] =	vst.add.f32.msk $0xffff, v1  }
.Ltmp5:
0x110: {  	v4 =	vld [tilespmem:s24+$0x4040];
	(pc) =	sbr.rel @p0 .LBB2_12-.Ltmp5, $4  }
0x111: {  	v1 =	vld [tilespmem:s24+$0x4050]  }
0x112: {  	v2 =	vld [tilespmem:s24+$0x4060]  }
0x113: {  	[tilespmem:s25+$0x0] =	vst.add.f32.msk $0xffff, v5  }
0x114: {  	[tilespmem:s26+$0x0] =	vst.add.f32.msk $0xffff, v6  }
0x115: {  	[tilespmem:s23+$0x0] =	vst.add.f32.msk $0xffff, v3  }
0x116: {  	[tilespmem:s22+$0x0] =	vst.add.f32.msk $0xffff, v0  }
0x117: {  	[tilespmem:s21+$0x0] =	vst.add.f32.msk $0xffff, v4  }
0x118: {  	[tilespmem:s19+$0x0] =	vst.add.f32.msk $0xffff, v1  }
0x119: {  	[tilespmem:s20+$0x0] =	vst.add.f32.msk $0xffff, v2  }
0x11a: {  	s17 =	simm.s32 $0x0;
	s18 =	rddreg [dreg:$0xf]  }
0x11b: {  	[hbm4b:s18+s17] =	stream.linear.scatter [tilespmem:s10], [sflag:$0x7], $0x4000, $0x38;
	[tilespmem:$0x1C000] =	vst v63  }
0x11c: {  	_ =	swait.ge [sflag:s14], $0x4000  }
0x11d: {  	s24 =	simm.s32 $0x0;
	[sflag:s14] =	ssyncset.done $0x0  }
0x11e: {  	s25 =	simm.s32 $0x0;
	s23 =	rddreg [dreg:$0x10];
	[sflag:s14] =	ssyncadd.s32 $0xFFFFC000  }
0x11f: {  	[tilespmem:s7], [sflag:$0x3] =	stream.linear.gather [hbm4b:s23+s17], $0x4000, $0x38;
	[tilespmem:$0x1C000] =	vst v63  }
0x120: {  	s19 =	sand.u32 $0x380, s25;
	s18 =	sand.u32 $0x2000, s24;
	_ =	swait.ge [sflag:s9], $0x4000  }
0x121: {  	s26 =	sand.u32 $0x1C00, s17;
	s18 =	sor.u32 s19, s18;
	[sflag:s9] =	ssyncset.done $0x0  }
0x122: {  	s20 =	sor.u32 s26, s18;
	[sflag:s9] =	ssyncadd.s32 $0xFFFFC000  }
0x123: {  	v1 =	vld [tilespmem:s20+$0x8070]  }
0x124: {  	v5 =	vld [tilespmem:s20+$0x8000]  }
0x125: {  	v6 =	vld [tilespmem:s20+$0x8010]  }
0x126: {  	v3 =	vld [tilespmem:s20+$0x8020]  }
0x127: {  	v0 =	vld [tilespmem:s20+$0x8030]  }
0x128: {  	v4 =	vld [tilespmem:s20+$0x8040]  }
0x129: {  	s18 =	sor.u32 $0x10070, s20;
	v2 =	vld [tilespmem:s20+$0x8060]  }
0x12a: {  	[tilespmem:s18+$0x0] =	vst.add.f32.msk $0xffff, v1  }
0x12b: {  	s28 =	sor.u32 $0x10000, s20;
	s24 =	sor.u32 $0x10010, s20;
	v1 =	vld [tilespmem:s20+$0x8050]  }
0x12c: {  	s22 =	sor.u32 $0x10030, s20;
	s21 =	sor.u32 $0x10040, s20;
	s19 =	sor.u32 $0x10050, s20;
	[tilespmem:s28+$0x0] =	vst.add.f32.msk $0xffff, v5  }
0x12d: {  	s23 =	sor.u32 $0x10020, s20;
	s18 =	simm.s32 $0x0;
	s20 =	sor.u32 $0x10060, s20;
	[tilespmem:s24+$0x0] =	vst.add.f32.msk $0xffff, v6  }
.LBB2_14:
0x12e: {  	s18 =	sadd.s32 $0x8, s18;
	[tilespmem:s23+$0x0] =	vst.add.f32.msk $0xffff, v3  }
0x12f: {  	s23 =	sshll.u32 s18, $0x4;
	s24 =	sshll.u32 s18, $0x1;
	p0 =	slt.u32 s18, $0x3F8;
	[tilespmem:s22+$0x0] =	vst.add.f32.msk $0xffff, v0  }
0x130: {  	s17 =	sadd.s32 $0x400, s17;
	s22 =	sand.u32 $0x2000, s23;
	s23 =	sand.u32 $0x380, s24;
	[tilespmem:s21+$0x0] =	vst.add.f32.msk $0xffff, v4  }
0x131: {  	s21 =	sand.u32 $0x1C00, s17;
	s22 =	sor.u32 s23, s22;
	[tilespmem:s19+$0x0] =	vst.add.f32.msk $0xffff, v1  }
0x132: {  	s24 =	sor.u32 s21, s22;
	[tilespmem:s20+$0x0] =	vst.add.f32.msk $0xffff, v2  }
0x133: {  	s25 =	sor.u32 $0x10000, s24;
	s26 =	sor.u32 $0x10010, s24;
	s23 =	sor.u32 $0x10020, s24;
	v1 =	vld [tilespmem:s24+$0x8070]  }
0x134: {  	s22 =	sor.u32 $0x10030, s24;
	s21 =	sor.u32 $0x10040, s24;
	s19 =	sor.u32 $0x10050, s24;
	v5 =	vld [tilespmem:s24+$0x8000]  }
0x135: {  	s20 =	sor.u32 $0x10060, s24;
	v6 =	vld [tilespmem:s24+$0x8010]  }
0x136: {  	v3 =	vld [tilespmem:s24+$0x8020]  }
0x137: {  	s28 =	sor.u32 $0x10070, s24;
	v0 =	vld [tilespmem:s24+$0x8030]  }
0x138: {  	[tilespmem:s28+$0x0] =	vst.add.f32.msk $0xffff, v1  }
.Ltmp6:
0x139: {  	v4 =	vld [tilespmem:s24+$0x8040];
	(pc) =	sbr.rel @p0 .LBB2_14-.Ltmp6, $4  }
0x13a: {  	v1 =	vld [tilespmem:s24+$0x8050]  }
0x13b: {  	v2 =	vld [tilespmem:s24+$0x8060]  }
0x13c: {  	[tilespmem:s25+$0x0] =	vst.add.f32.msk $0xffff, v5  }
0x13d: {  	[tilespmem:s26+$0x0] =	vst.add.f32.msk $0xffff, v6  }
0x13e: {  	[tilespmem:s23+$0x0] =	vst.add.f32.msk $0xffff, v3  }
0x13f: {  	[tilespmem:s22+$0x0] =	vst.add.f32.msk $0xffff, v0  }
0x140: {  	[tilespmem:s21+$0x0] =	vst.add.f32.msk $0xffff, v4  }
0x141: {  	[tilespmem:s19+$0x0] =	vst.add.f32.msk $0xffff, v1  }
0x142: {  	[tilespmem:s20+$0x0] =	vst.add.f32.msk $0xffff, v2  }
0x143: {  	s17 =	simm.s32 $0x0;
	s18 =	rddreg [dreg:$0x11]  }
0x144: {  	[hbm4b:s18+s17] =	stream.linear.scatter [tilespmem:s6], [sflag:$0x5], $0x4000, $0x38;
	[tilespmem:$0x1C000] =	vst v63  }
0x145: {  	_ =	swait.ge [sflag:s15], $0x4000  }
0x146: {  	s24 =	simm.s32 $0x0;
	[sflag:s15] =	ssyncset.done $0x0  }
0x147: {  	s25 =	simm.s32 $0x0;
	s23 =	rddreg [dreg:$0x12];
	[sflag:s15] =	ssyncadd.s32 $0xFFFFC000  }
0x148: {  	[tilespmem:s10], [sflag:$0x4] =	stream.linear.gather [hbm4b:s23+s17], $0x4000, $0x38;
	[tilespmem:$0x1C000] =	vst v63  }
0x149: {  	s19 =	sand.u32 $0x380, s25;
	s18 =	sand.u32 $0x2000, s24;
	_ =	swait.ge [sflag:s11], $0x4000  }
0x14a: {  	s26 =	sand.u32 $0x1C00, s17;
	s18 =	sor.u32 s19, s18;
	[sflag:s11] =	ssyncset.done $0x0  }
0x14b: {  	s20 =	sor.u32 s26, s18;
	[sflag:s11] =	ssyncadd.s32 $0xFFFFC000  }
0x14c: {  	v1 =	vld [tilespmem:s20+$0xC070]  }
0x14d: {  	v5 =	vld [tilespmem:s20+$0xC000]  }
0x14e: {  	v6 =	vld [tilespmem:s20+$0xC010]  }
0x14f: {  	v3 =	vld [tilespmem:s20+$0xC020]  }
0x150: {  	v0 =	vld [tilespmem:s20+$0xC030]  }
0x151: {  	v4 =	vld [tilespmem:s20+$0xC040]  }
0x152: {  	s18 =	sor.u32 $0x14070, s20;
	v2 =	vld [tilespmem:s20+$0xC060]  }
0x153: {  	[tilespmem:s18+$0x0] =	vst.add.f32.msk $0xffff, v1  }
0x154: {  	s28 =	sor.u32 $0x14000, s20;
	s24 =	sor.u32 $0x14010, s20;
	v1 =	vld [tilespmem:s20+$0xC050]  }
0x155: {  	s22 =	sor.u32 $0x14030, s20;
	s21 =	sor.u32 $0x14040, s20;
	s19 =	sor.u32 $0x14050, s20;
	[tilespmem:s28+$0x0] =	vst.add.f32.msk $0xffff, v5  }
0x156: {  	s23 =	sor.u32 $0x14020, s20;
	s18 =	simm.s32 $0x0;
	s20 =	sor.u32 $0x14060, s20;
	[tilespmem:s24+$0x0] =	vst.add.f32.msk $0xffff, v6  }
.LBB2_16:
0x157: {  	s18 =	sadd.s32 $0x8, s18;
	[tilespmem:s23+$0x0] =	vst.add.f32.msk $0xffff, v3  }
0x158: {  	s23 =	sshll.u32 s18, $0x4;
	s24 =	sshll.u32 s18, $0x1;
	p0 =	slt.u32 s18, $0x3F8;
	[tilespmem:s22+$0x0] =	vst.add.f32.msk $0xffff, v0  }
0x159: {  	s17 =	sadd.s32 $0x400, s17;
	s22 =	sand.u32 $0x2000, s23;
	s23 =	sand.u32 $0x380, s24;
	[tilespmem:s21+$0x0] =	vst.add.f32.msk $0xffff, v4  }
0x15a: {  	s21 =	sand.u32 $0x1C00, s17;
	s22 =	sor.u32 s23, s22;
	[tilespmem:s19+$0x0] =	vst.add.f32.msk $0xffff, v1  }
0x15b: {  	s24 =	sor.u32 s21, s22;
	[tilespmem:s20+$0x0] =	vst.add.f32.msk $0xffff, v2  }
0x15c: {  	s25 =	sor.u32 $0x14000, s24;
	s26 =	sor.u32 $0x14010, s24;
	s23 =	sor.u32 $0x14020, s24;
	v1 =	vld [tilespmem:s24+$0xC070]  }
0x15d: {  	s22 =	sor.u32 $0x14030, s24;
	s21 =	sor.u32 $0x14040, s24;
	s19 =	sor.u32 $0x14050, s24;
	v5 =	vld [tilespmem:s24+$0xC000]  }
0x15e: {  	s20 =	sor.u32 $0x14060, s24;
	v6 =	vld [tilespmem:s24+$0xC010]  }
0x15f: {  	v3 =	vld [tilespmem:s24+$0xC020]  }
0x160: {  	s28 =	sor.u32 $0x14070, s24;
	v0 =	vld [tilespmem:s24+$0xC030]  }
0x161: {  	[tilespmem:s28+$0x0] =	vst.add.f32.msk $0xffff, v1  }
.Ltmp7:
0x162: {  	v4 =	vld [tilespmem:s24+$0xC040];
	(pc) =	sbr.rel @p0 .LBB2_16-.Ltmp7, $4  }
0x163: {  	v1 =	vld [tilespmem:s24+$0xC050]  }
0x164: {  	v2 =	vld [tilespmem:s24+$0xC060]  }
0x165: {  	[tilespmem:s25+$0x0] =	vst.add.f32.msk $0xffff, v5  }
0x166: {  	[tilespmem:s26+$0x0] =	vst.add.f32.msk $0xffff, v6  }
0x167: {  	[tilespmem:s23+$0x0] =	vst.add.f32.msk $0xffff, v3  }
0x168: {  	[tilespmem:s22+$0x0] =	vst.add.f32.msk $0xffff, v0  }
0x169: {  	[tilespmem:s21+$0x0] =	vst.add.f32.msk $0xffff, v4  }
0x16a: {  	[tilespmem:s19+$0x0] =	vst.add.f32.msk $0xffff, v1  }
0x16b: {  	[tilespmem:s20+$0x0] =	vst.add.f32.msk $0xffff, v2  }
0x16c: {  	s17 =	simm.s32 $0x0;
	s18 =	rddreg [dreg:$0x13]  }
0x16d: {  	[hbm4b:s18+s17] =	stream.linear.scatter [tilespmem:s7], [sflag:$0x6], $0x4000, $0x38;
	[tilespmem:$0x1C000] =	vst v63  }
0x16e: {  	_ =	swait.ge [sflag:s12], $0x4000  }
0x16f: {  	s24 =	simm.s32 $0x0;
	[sflag:s12] =	ssyncset.done $0x0  }
0x170: {  	s26 =	simm.s32 $0x0;
	s23 =	rddreg [dreg:$0x14];
	[sflag:s12] =	ssyncadd.s32 $0xFFFFC000  }
0x171: {  	[tilespmem:s6], [sflag:$0x2] =	stream.linear.gather [hbm4b:s23+s17], $0x4000, $0x38;
	[tilespmem:$0x1C000] =	vst v63  }
0x172: {  	s25 =	sand.u32 $0x1C00, s17;
	s18 =	sand.u32 $0x2000, s24;
	_ =	swait.ge [sflag:s13], $0x4000  }
0x173: {  	s20 =	sand.u32 $0x380, s26;
	s18 =	sor.u32 s25, s18;
	[sflag:s13] =	ssyncset.done $0x0  }
0x174: {  	s20 =	sor.u32 s20, s18;
	[sflag:s13] =	ssyncadd.s32 $0xFFFFC000  }
0x175: {  	v0 =	vld [tilespmem:s20+$0x70]  }
0x176: {  	v5 =	vld [tilespmem:s20+$0x0]  }
0x177: {  	v6 =	vld [tilespmem:s20+$0x10]  }
0x178: {  	v4 =	vld [tilespmem:s20+$0x20]  }
0x179: {  	v1 =	vld [tilespmem:s20+$0x30]  }
0x17a: {  	v3 =	vld [tilespmem:s20+$0x40]  }
0x17b: {  	s18 =	sor.u32 $0x18070, s20;
	v2 =	vld [tilespmem:s20+$0x60]  }
0x17c: {  	[tilespmem:s18+$0x0] =	vst.add.f32.msk $0xffff, v0  }
0x17d: {  	s28 =	sor.u32 $0x18000, s20;
	s24 =	sor.u32 $0x18010, s20;
	v0 =	vld [tilespmem:s20+$0x50]  }
0x17e: {  	s22 =	sor.u32 $0x18020, s20;
	s21 =	sor.u32 $0x18040, s20;
	s19 =	sor.u32 $0x18050, s20;
	[tilespmem:s28+$0x0] =	vst.add.f32.msk $0xffff, v5  }
0x17f: {  	s23 =	sor.u32 $0x18030, s20;
	s18 =	simm.s32 $0x0;
	s20 =	sor.u32 $0x18060, s20;
	[tilespmem:s24+$0x0] =	vst.add.f32.msk $0xffff, v6  }
.LBB2_18:
0x180: {  	s18 =	sadd.s32 $0x8, s18;
	[tilespmem:s22+$0x0] =	vst.add.f32.msk $0xffff, v4  }
0x181: {  	s17 =	sadd.s32 $0x400, s17;
	s22 =	sshll.u32 s18, $0x4;
	p0 =	slt.u32 s18, $0x3F8;
	[tilespmem:s23+$0x0] =	vst.add.f32.msk $0xffff, v1  }
0x182: {  	s23 =	sand.u32 $0x1C00, s17;
	s24 =	sshll.u32 s18, $0x1;
	s22 =	sand.u32 $0x2000, s22;
	[tilespmem:s21+$0x0] =	vst.add.f32.msk $0xffff, v3  }
0x183: {  	s21 =	sand.u32 $0x380, s24;
	s22 =	sor.u32 s23, s22;
	[tilespmem:s19+$0x0] =	vst.add.f32.msk $0xffff, v0  }
0x184: {  	s24 =	sor.u32 s21, s22;
	[tilespmem:s20+$0x0] =	vst.add.f32.msk $0xffff, v2  }
0x185: {  	s25 =	sor.u32 $0x18000, s24;
	s26 =	sor.u32 $0x18010, s24;
	s22 =	sor.u32 $0x18020, s24;
	v0 =	vld [tilespmem:s24+$0x70]  }
0x186: {  	s23 =	sor.u32 $0x18030, s24;
	s21 =	sor.u32 $0x18040, s24;
	s19 =	sor.u32 $0x18050, s24;
	v5 =	vld [tilespmem:s24+$0x0]  }
0x187: {  	s20 =	sor.u32 $0x18060, s24;
	v6 =	vld [tilespmem:s24+$0x10]  }
0x188: {  	v4 =	vld [tilespmem:s24+$0x20]  }
0x189: {  	s28 =	sor.u32 $0x18070, s24;
	v1 =	vld [tilespmem:s24+$0x30]  }
0x18a: {  	[tilespmem:s28+$0x0] =	vst.add.f32.msk $0xffff, v0  }
.Ltmp8:
0x18b: {  	v3 =	vld [tilespmem:s24+$0x40];
	(pc) =	sbr.rel @p0 .LBB2_18-.Ltmp8, $4  }
0x18c: {  	v0 =	vld [tilespmem:s24+$0x50]  }
0x18d: {  	v2 =	vld [tilespmem:s24+$0x60]  }
0x18e: {  	[tilespmem:s25+$0x0] =	vst.add.f32.msk $0xffff, v5  }
0x18f: {  	[tilespmem:s26+$0x0] =	vst.add.f32.msk $0xffff, v6  }
0x190: {  	[tilespmem:s22+$0x0] =	vst.add.f32.msk $0xffff, v4  }
0x191: {  	[tilespmem:s23+$0x0] =	vst.add.f32.msk $0xffff, v1  }
0x192: {  	[tilespmem:s21+$0x0] =	vst.add.f32.msk $0xffff, v3  }
0x193: {  	[tilespmem:s19+$0x0] =	vst.add.f32.msk $0xffff, v0  }
0x194: {  	[tilespmem:s20+$0x0] =	vst.add.f32.msk $0xffff, v2  }
0x195: {  	s17 =	simm.s32 $0x0;
	s18 =	rddreg [dreg:$0x15]  }
0x196: {  	[hbm4b:s18+s17] =	stream.linear.scatter [tilespmem:s10], [sflag:$0x7], $0x4000, $0x38;
	[tilespmem:$0x1C000] =	vst v63  }
0x197: {  	_ =	swait.ge [sflag:s14], $0x4000  }
0x198: {  	s24 =	simm.s32 $0x0;
	[sflag:s14] =	ssyncset.done $0x0  }
0x199: {  	s25 =	simm.s32 $0x0;
	s23 =	rddreg [dreg:$0x17];
	[sflag:s14] =	ssyncadd.s32 $0xFFFFC000  }
0x19a: {  	[tilespmem:s7], [sflag:$0x3] =	stream.linear.gather [hbm4b:s23+s17], $0x4000, $0x38;
	[tilespmem:$0x1C000] =	vst v63  }
0x19b: {  	s19 =	sand.u32 $0x380, s25;
	s18 =	sand.u32 $0x2000, s24;
	_ =	swait.ge [sflag:s9], $0x4000  }
0x19c: {  	s26 =	sand.u32 $0x1C00, s17;
	s18 =	sor.u32 s19, s18;
	[sflag:s9] =	ssyncset.done $0x0  }
0x19d: {  	s20 =	sor.u32 s26, s18;
	[sflag:s9] =	ssyncadd.s32 $0xFFFFC000  }
0x19e: {  	v1 =	vld [tilespmem:s20+$0x4070]  }
0x19f: {  	v5 =	vld [tilespmem:s20+$0x4000]  }
0x1a0: {  	v6 =	vld [tilespmem:s20+$0x4010]  }
0x1a1: {  	v3 =	vld [tilespmem:s20+$0x4020]  }
0x1a2: {  	v0 =	vld [tilespmem:s20+$0x4030]  }
0x1a3: {  	v4 =	vld [tilespmem:s20+$0x4040]  }
0x1a4: {  	s18 =	sor.u32 $0x10070, s20;
	v2 =	vld [tilespmem:s20+$0x4060]  }
0x1a5: {  	[tilespmem:s18+$0x0] =	vst.add.f32.msk $0xffff, v1  }
0x1a6: {  	s28 =	sor.u32 $0x10000, s20;
	s24 =	sor.u32 $0x10010, s20;
	v1 =	vld [tilespmem:s20+$0x4050]  }
0x1a7: {  	s22 =	sor.u32 $0x10030, s20;
	s21 =	sor.u32 $0x10040, s20;
	s19 =	sor.u32 $0x10050, s20;
	[tilespmem:s28+$0x0] =	vst.add.f32.msk $0xffff, v5  }
0x1a8: {  	s23 =	sor.u32 $0x10020, s20;
	s18 =	simm.s32 $0x0;
	s20 =	sor.u32 $0x10060, s20;
	[tilespmem:s24+$0x0] =	vst.add.f32.msk $0xffff, v6  }
.LBB2_20:
0x1a9: {  	s18 =	sadd.s32 $0x8, s18;
	[tilespmem:s23+$0x0] =	vst.add.f32.msk $0xffff, v3  }
0x1aa: {  	s23 =	sshll.u32 s18, $0x4;
	s24 =	sshll.u32 s18, $0x1;
	p0 =	slt.u32 s18, $0x3F8;
	[tilespmem:s22+$0x0] =	vst.add.f32.msk $0xffff, v0  }
0x1ab: {  	s17 =	sadd.s32 $0x400, s17;
	s22 =	sand.u32 $0x2000, s23;
	s23 =	sand.u32 $0x380, s24;
	[tilespmem:s21+$0x0] =	vst.add.f32.msk $0xffff, v4  }
0x1ac: {  	s21 =	sand.u32 $0x1C00, s17;
	s22 =	sor.u32 s23, s22;
	[tilespmem:s19+$0x0] =	vst.add.f32.msk $0xffff, v1  }
0x1ad: {  	s24 =	sor.u32 s21, s22;
	[tilespmem:s20+$0x0] =	vst.add.f32.msk $0xffff, v2  }
0x1ae: {  	s25 =	sor.u32 $0x10000, s24;
	s26 =	sor.u32 $0x10010, s24;
	s23 =	sor.u32 $0x10020, s24;
	v1 =	vld [tilespmem:s24+$0x4070]  }
0x1af: {  	s22 =	sor.u32 $0x10030, s24;
	s21 =	sor.u32 $0x10040, s24;
	s19 =	sor.u32 $0x10050, s24;
	v5 =	vld [tilespmem:s24+$0x4000]  }
0x1b0: {  	s20 =	sor.u32 $0x10060, s24;
	v6 =	vld [tilespmem:s24+$0x4010]  }
0x1b1: {  	v3 =	vld [tilespmem:s24+$0x4020]  }
0x1b2: {  	s28 =	sor.u32 $0x10070, s24;
	v0 =	vld [tilespmem:s24+$0x4030]  }
0x1b3: {  	[tilespmem:s28+$0x0] =	vst.add.f32.msk $0xffff, v1  }
.Ltmp9:
0x1b4: {  	v4 =	vld [tilespmem:s24+$0x4040];
	(pc) =	sbr.rel @p0 .LBB2_20-.Ltmp9, $4  }
0x1b5: {  	v1 =	vld [tilespmem:s24+$0x4050]  }
0x1b6: {  	v2 =	vld [tilespmem:s24+$0x4060]  }
0x1b7: {  	[tilespmem:s25+$0x0] =	vst.add.f32.msk $0xffff, v5  }
0x1b8: {  	[tilespmem:s26+$0x0] =	vst.add.f32.msk $0xffff, v6  }
0x1b9: {  	[tilespmem:s23+$0x0] =	vst.add.f32.msk $0xffff, v3  }
0x1ba: {  	[tilespmem:s22+$0x0] =	vst.add.f32.msk $0xffff, v0  }
0x1bb: {  	[tilespmem:s21+$0x0] =	vst.add.f32.msk $0xffff, v4  }
0x1bc: {  	[tilespmem:s19+$0x0] =	vst.add.f32.msk $0xffff, v1  }
0x1bd: {  	[tilespmem:s20+$0x0] =	vst.add.f32.msk $0xffff, v2  }
0x1be: {  	s17 =	simm.s32 $0x0;
	s18 =	rddreg [dreg:$0x16]  }
0x1bf: {  	[hbm4b:s18+s17] =	stream.linear.scatter [tilespmem:s6], [sflag:$0x5], $0x4000, $0x38;
	[tilespmem:$0x1C000] =	vst v63  }
0x1c0: {  	_ =	swait.ge [sflag:s15], $0x4000  }
0x1c1: {  	s24 =	simm.s32 $0x0;
	[sflag:s15] =	ssyncset.done $0x0  }
0x1c2: {  	s25 =	simm.s32 $0x0;
	s23 =	rddreg [dreg:$0x19];
	[sflag:s15] =	ssyncadd.s32 $0xFFFFC000  }
0x1c3: {  	[tilespmem:s10], [sflag:$0x4] =	stream.linear.gather [hbm4b:s23+s17], $0x4000, $0x38;
	[tilespmem:$0x1C000] =	vst v63  }
0x1c4: {  	s19 =	sand.u32 $0x380, s25;
	s18 =	sand.u32 $0x2000, s24;
	_ =	swait.ge [sflag:s11], $0x4000  }
0x1c5: {  	s26 =	sand.u32 $0x1C00, s17;
	s18 =	sor.u32 s19, s18;
	[sflag:s11] =	ssyncset.done $0x0  }
0x1c6: {  	s20 =	sor.u32 s26, s18;
	[sflag:s11] =	ssyncadd.s32 $0xFFFFC000  }
0x1c7: {  	v1 =	vld [tilespmem:s20+$0x8070]  }
0x1c8: {  	v5 =	vld [tilespmem:s20+$0x8000]  }
0x1c9: {  	v6 =	vld [tilespmem:s20+$0x8010]  }
0x1ca: {  	v3 =	vld [tilespmem:s20+$0x8020]  }
0x1cb: {  	v0 =	vld [tilespmem:s20+$0x8030]  }
0x1cc: {  	v4 =	vld [tilespmem:s20+$0x8040]  }
0x1cd: {  	s18 =	sor.u32 $0x14070, s20;
	v2 =	vld [tilespmem:s20+$0x8060]  }
0x1ce: {  	[tilespmem:s18+$0x0] =	vst.add.f32.msk $0xffff, v1  }
0x1cf: {  	s28 =	sor.u32 $0x14000, s20;
	s24 =	sor.u32 $0x14010, s20;
	v1 =	vld [tilespmem:s20+$0x8050]  }
0x1d0: {  	s22 =	sor.u32 $0x14030, s20;
	s21 =	sor.u32 $0x14040, s20;
	s19 =	sor.u32 $0x14050, s20;
	[tilespmem:s28+$0x0] =	vst.add.f32.msk $0xffff, v5  }
0x1d1: {  	s23 =	sor.u32 $0x14020, s20;
	s18 =	simm.s32 $0x0;
	s20 =	sor.u32 $0x14060, s20;
	[tilespmem:s24+$0x0] =	vst.add.f32.msk $0xffff, v6  }
.LBB2_22:
0x1d2: {  	s18 =	sadd.s32 $0x8, s18;
	[tilespmem:s23+$0x0] =	vst.add.f32.msk $0xffff, v3  }
0x1d3: {  	s23 =	sshll.u32 s18, $0x4;
	s24 =	sshll.u32 s18, $0x1;
	p0 =	slt.u32 s18, $0x3F8;
	[tilespmem:s22+$0x0] =	vst.add.f32.msk $0xffff, v0  }
0x1d4: {  	s17 =	sadd.s32 $0x400, s17;
	s22 =	sand.u32 $0x2000, s23;
	s23 =	sand.u32 $0x380, s24;
	[tilespmem:s21+$0x0] =	vst.add.f32.msk $0xffff, v4  }
0x1d5: {  	s21 =	sand.u32 $0x1C00, s17;
	s22 =	sor.u32 s23, s22;
	[tilespmem:s19+$0x0] =	vst.add.f32.msk $0xffff, v1  }
0x1d6: {  	s24 =	sor.u32 s21, s22;
	[tilespmem:s20+$0x0] =	vst.add.f32.msk $0xffff, v2  }
0x1d7: {  	s25 =	sor.u32 $0x14000, s24;
	s26 =	sor.u32 $0x14010, s24;
	s23 =	sor.u32 $0x14020, s24;
	v1 =	vld [tilespmem:s24+$0x8070]  }
0x1d8: {  	s22 =	sor.u32 $0x14030, s24;
	s21 =	sor.u32 $0x14040, s24;
	s19 =	sor.u32 $0x14050, s24;
	v5 =	vld [tilespmem:s24+$0x8000]  }
0x1d9: {  	s20 =	sor.u32 $0x14060, s24;
	v6 =	vld [tilespmem:s24+$0x8010]  }
0x1da: {  	v3 =	vld [tilespmem:s24+$0x8020]  }
0x1db: {  	s28 =	sor.u32 $0x14070, s24;
	v0 =	vld [tilespmem:s24+$0x8030]  }
0x1dc: {  	[tilespmem:s28+$0x0] =	vst.add.f32.msk $0xffff, v1  }
.Ltmp10:
0x1dd: {  	v4 =	vld [tilespmem:s24+$0x8040];
	(pc) =	sbr.rel @p0 .LBB2_22-.Ltmp10, $4  }
0x1de: {  	v1 =	vld [tilespmem:s24+$0x8050]  }
0x1df: {  	v2 =	vld [tilespmem:s24+$0x8060]  }
0x1e0: {  	[tilespmem:s25+$0x0] =	vst.add.f32.msk $0xffff, v5  }
0x1e1: {  	[tilespmem:s26+$0x0] =	vst.add.f32.msk $0xffff, v6  }
0x1e2: {  	[tilespmem:s23+$0x0] =	vst.add.f32.msk $0xffff, v3  }
0x1e3: {  	[tilespmem:s22+$0x0] =	vst.add.f32.msk $0xffff, v0  }
0x1e4: {  	[tilespmem:s21+$0x0] =	vst.add.f32.msk $0xffff, v4  }
0x1e5: {  	[tilespmem:s19+$0x0] =	vst.add.f32.msk $0xffff, v1  }
0x1e6: {  	[tilespmem:s20+$0x0] =	vst.add.f32.msk $0xffff, v2  }
0x1e7: {  	s17 =	simm.s32 $0x0;
	s18 =	rddreg [dreg:$0x18]  }
0x1e8: {  	[hbm4b:s18+s17] =	stream.linear.scatter [tilespmem:s7], [sflag:$0x6], $0x4000, $0x38;
	[tilespmem:$0x1C000] =	vst v63  }
0x1e9: {  	_ =	swait.ge [sflag:s12], $0x4000  }
0x1ea: {  	s24 =	simm.s32 $0x0;
	[sflag:s12] =	ssyncset.done $0x0  }
0x1eb: {  	s25 =	simm.s32 $0x0;
	s23 =	rddreg [dreg:$0x1b];
	[sflag:s12] =	ssyncadd.s32 $0xFFFFC000  }
0x1ec: {  	[tilespmem:s6], [sflag:$0x2] =	stream.linear.gather [hbm4b:s23+s17], $0x4000, $0x38;
	[tilespmem:$0x1C000] =	vst v63  }
0x1ed: {  	s19 =	sand.u32 $0x380, s25;
	s18 =	sand.u32 $0x2000, s24;
	_ =	swait.ge [sflag:s13], $0x4000  }
0x1ee: {  	s26 =	sand.u32 $0x1C00, s17;
	s18 =	sor.u32 s19, s18;
	[sflag:s13] =	ssyncset.done $0x0  }
0x1ef: {  	s20 =	sor.u32 s26, s18;
	[sflag:s13] =	ssyncadd.s32 $0xFFFFC000  }
0x1f0: {  	v1 =	vld [tilespmem:s20+$0xC070]  }
0x1f1: {  	v5 =	vld [tilespmem:s20+$0xC000]  }
0x1f2: {  	v6 =	vld [tilespmem:s20+$0xC010]  }
0x1f3: {  	v3 =	vld [tilespmem:s20+$0xC020]  }
0x1f4: {  	v0 =	vld [tilespmem:s20+$0xC030]  }
0x1f5: {  	v4 =	vld [tilespmem:s20+$0xC040]  }
0x1f6: {  	s18 =	sor.u32 $0x18070, s20;
	v2 =	vld [tilespmem:s20+$0xC060]  }
0x1f7: {  	[tilespmem:s18+$0x0] =	vst.add.f32.msk $0xffff, v1  }
0x1f8: {  	s28 =	sor.u32 $0x18000, s20;
	s24 =	sor.u32 $0x18010, s20;
	v1 =	vld [tilespmem:s20+$0xC050]  }
0x1f9: {  	s22 =	sor.u32 $0x18030, s20;
	s21 =	sor.u32 $0x18040, s20;
	s19 =	sor.u32 $0x18050, s20;
	[tilespmem:s28+$0x0] =	vst.add.f32.msk $0xffff, v5  }
0x1fa: {  	s23 =	sor.u32 $0x18020, s20;
	s18 =	simm.s32 $0x0;
	s20 =	sor.u32 $0x18060, s20;
	[tilespmem:s24+$0x0] =	vst.add.f32.msk $0xffff, v6  }
.LBB2_24:
0x1fb: {  	s18 =	sadd.s32 $0x8, s18;
	[tilespmem:s23+$0x0] =	vst.add.f32.msk $0xffff, v3  }
0x1fc: {  	s23 =	sshll.u32 s18, $0x4;
	s24 =	sshll.u32 s18, $0x1;
	p0 =	slt.u32 s18, $0x3F8;
	[tilespmem:s22+$0x0] =	vst.add.f32.msk $0xffff, v0  }
0x1fd: {  	s17 =	sadd.s32 $0x400, s17;
	s22 =	sand.u32 $0x2000, s23;
	s23 =	sand.u32 $0x380, s24;
	[tilespmem:s21+$0x0] =	vst.add.f32.msk $0xffff, v4  }
0x1fe: {  	s21 =	sand.u32 $0x1C00, s17;
	s22 =	sor.u32 s23, s22;
	[tilespmem:s19+$0x0] =	vst.add.f32.msk $0xffff, v1  }
0x1ff: {  	s24 =	sor.u32 s21, s22;
	[tilespmem:s20+$0x0] =	vst.add.f32.msk $0xffff, v2  }
0x200: {  	s25 =	sor.u32 $0x18000, s24;
	s26 =	sor.u32 $0x18010, s24;
	s23 =	sor.u32 $0x18020, s24;
	v1 =	vld [tilespmem:s24+$0xC070]  }
0x201: {  	s22 =	sor.u32 $0x18030, s24;
	s21 =	sor.u32 $0x18040, s24;
	s19 =	sor.u32 $0x18050, s24;
	v5 =	vld [tilespmem:s24+$0xC000]  }
0x202: {  	s20 =	sor.u32 $0x18060, s24;
	v6 =	vld [tilespmem:s24+$0xC010]  }
0x203: {  	v3 =	vld [tilespmem:s24+$0xC020]  }
0x204: {  	s28 =	sor.u32 $0x18070, s24;
	v0 =	vld [tilespmem:s24+$0xC030]  }
0x205: {  	[tilespmem:s28+$0x0] =	vst.add.f32.msk $0xffff, v1  }
.Ltmp11:
0x206: {  	v4 =	vld [tilespmem:s24+$0xC040];
	(pc) =	sbr.rel @p0 .LBB2_24-.Ltmp11, $4  }
0x207: {  	v1 =	vld [tilespmem:s24+$0xC050]  }
0x208: {  	v2 =	vld [tilespmem:s24+$0xC060]  }
0x209: {  	[tilespmem:s25+$0x0] =	vst.add.f32.msk $0xffff, v5  }
0x20a: {  	[tilespmem:s26+$0x0] =	vst.add.f32.msk $0xffff, v6  }
0x20b: {  	[tilespmem:s23+$0x0] =	vst.add.f32.msk $0xffff, v3  }
0x20c: {  	[tilespmem:s22+$0x0] =	vst.add.f32.msk $0xffff, v0  }
0x20d: {  	[tilespmem:s21+$0x0] =	vst.add.f32.msk $0xffff, v4  }
0x20e: {  	[tilespmem:s19+$0x0] =	vst.add.f32.msk $0xffff, v1  }
0x20f: {  	[tilespmem:s20+$0x0] =	vst.add.f32.msk $0xffff, v2  }
0x210: {  	s17 =	simm.s32 $0x0;
	s18 =	rddreg [dreg:$0x1a]  }
0x211: {  	[hbm4b:s18+s17] =	stream.linear.scatter [tilespmem:s10], [sflag:$0x7], $0x4000, $0x38;
	[tilespmem:$0x1C000] =	vst v63  }
0x212: {  	_ =	swait.ge [sflag:s14], $0x4000  }
0x213: {  	s24 =	simm.s32 $0x0;
	[sflag:s14] =	ssyncset.done $0x0  }
0x214: {  	s26 =	simm.s32 $0x0;
	s23 =	rddreg [dreg:$0x1d];
	[sflag:s14] =	ssyncadd.s32 $0xFFFFC000  }
0x215: {  	[tilespmem:s7], [sflag:$0x3] =	stream.linear.gather [hbm4b:s23+s17], $0x4000, $0x38;
	[tilespmem:$0x1C000] =	vst v63  }
0x216: {  	s25 =	sand.u32 $0x1C00, s17;
	s18 =	sand.u32 $0x2000, s24;
	_ =	swait.ge [sflag:s9], $0x4000  }
0x217: {  	s28 =	sand.u32 $0x380, s26;
	s18 =	sor.u32 s25, s18;
	[sflag:s9] =	ssyncset.done $0x0  }
0x218: {  	s20 =	sor.u32 s28, s18;
	[sflag:s9] =	ssyncadd.s32 $0xFFFFC000  }
0x219: {  	v0 =	vld [tilespmem:s20+$0x70]  }
0x21a: {  	v5 =	vld [tilespmem:s20+$0x0]  }
0x21b: {  	v6 =	vld [tilespmem:s20+$0x10]  }
0x21c: {  	v4 =	vld [tilespmem:s20+$0x20]  }
0x21d: {  	v1 =	vld [tilespmem:s20+$0x30]  }
0x21e: {  	v3 =	vld [tilespmem:s20+$0x40]  }
0x21f: {  	s18 =	sor.u32 $0x10070, s20;
	v2 =	vld [tilespmem:s20+$0x60]  }
0x220: {  	[tilespmem:s18+$0x0] =	vst.add.f32.msk $0xffff, v0  }
0x221: {  	s19 =	sor.u32 $0x10000, s20;
	s24 =	sor.u32 $0x10010, s20;
	v0 =	vld [tilespmem:s20+$0x50]  }
0x222: {  	s22 =	sor.u32 $0x10020, s20;
	s21 =	sor.u32 $0x10040, s20;
	s23 =	sor.u32 $0x10030, s20;
	[tilespmem:s19+$0x0] =	vst.add.f32.msk $0xffff, v5  }
0x223: {  	s18 =	simm.s32 $0x0;
	s19 =	sor.u32 $0x10050, s20;
	s20 =	sor.u32 $0x10060, s20;
	[tilespmem:s24+$0x0] =	vst.add.f32.msk $0xffff, v6  }
.LBB2_26:
0x224: {  	s18 =	sadd.s32 $0x8, s18;
	[tilespmem:s22+$0x0] =	vst.add.f32.msk $0xffff, v4  }
0x225: {  	s17 =	sadd.s32 $0x400, s17;
	s22 =	sshll.u32 s18, $0x4;
	p0 =	slt.u32 s18, $0x3F8;
	[tilespmem:s23+$0x0] =	vst.add.f32.msk $0xffff, v1  }
0x226: {  	s23 =	sand.u32 $0x1C00, s17;
	s24 =	sshll.u32 s18, $0x1;
	s22 =	sand.u32 $0x2000, s22;
	[tilespmem:s21+$0x0] =	vst.add.f32.msk $0xffff, v3  }
0x227: {  	s21 =	sor.u32 s23, s22;
	s22 =	sand.u32 $0x380, s24;
	[tilespmem:s19+$0x0] =	vst.add.f32.msk $0xffff, v0  }
0x228: {  	s24 =	sor.u32 s22, s21;
	[tilespmem:s20+$0x0] =	vst.add.f32.msk $0xffff, v2  }
0x229: {  	s25 =	sor.u32 $0x10000, s24;
	s26 =	sor.u32 $0x10010, s24;
	s22 =	sor.u32 $0x10020, s24;
	v0 =	vld [tilespmem:s24+$0x70]  }
0x22a: {  	s23 =	sor.u32 $0x10030, s24;
	s21 =	sor.u32 $0x10040, s24;
	s19 =	sor.u32 $0x10050, s24;
	v5 =	vld [tilespmem:s24+$0x0]  }
0x22b: {  	s20 =	sor.u32 $0x10060, s24;
	v6 =	vld [tilespmem:s24+$0x10]  }
0x22c: {  	v4 =	vld [tilespmem:s24+$0x20]  }
0x22d: {  	s28 =	sor.u32 $0x10070, s24;
	v1 =	vld [tilespmem:s24+$0x30]  }
0x22e: {  	[tilespmem:s28+$0x0] =	vst.add.f32.msk $0xffff, v0  }
.Ltmp12:
0x22f: {  	v3 =	vld [tilespmem:s24+$0x40];
	(pc) =	sbr.rel @p0 .LBB2_26-.Ltmp12, $4  }
0x230: {  	v0 =	vld [tilespmem:s24+$0x50]  }
0x231: {  	v2 =	vld [tilespmem:s24+$0x60]  }
0x232: {  	[tilespmem:s25+$0x0] =	vst.add.f32.msk $0xffff, v5  }
0x233: {  	[tilespmem:s26+$0x0] =	vst.add.f32.msk $0xffff, v6  }
0x234: {  	[tilespmem:s22+$0x0] =	vst.add.f32.msk $0xffff, v4  }
0x235: {  	[tilespmem:s23+$0x0] =	vst.add.f32.msk $0xffff, v1  }
0x236: {  	[tilespmem:s21+$0x0] =	vst.add.f32.msk $0xffff, v3  }
0x237: {  	[tilespmem:s19+$0x0] =	vst.add.f32.msk $0xffff, v0  }
0x238: {  	[tilespmem:s20+$0x0] =	vst.add.f32.msk $0xffff, v2  }
0x239: {  	s17 =	simm.s32 $0x0;
	s18 =	rddreg [dreg:$0x1c]  }
0x23a: {  	[hbm4b:s18+s17] =	stream.linear.scatter [tilespmem:s6], [sflag:$0x5], $0x4000, $0x38;
	[tilespmem:$0x1C000] =	vst v63  }
0x23b: {  	_ =	swait.ge [sflag:s15], $0x4000  }
0x23c: {  	[sflag:s15] =	ssyncset.done $0x0  }
0x23d: {  	s24 =	simm.s32 $0x0;
	s25 =	simm.s32 $0x0;
	[sflag:s15] =	ssyncadd.s32 $0xFFFFC000  }
0x23e: {  	[tilespmem:s10], [sflag:$0x4] =	stream.linear.gather [hbm4b:s0+s17], $0x4000, $0x38;
	[tilespmem:$0x1C000] =	vst v63  }
0x23f: {  	s19 =	sand.u32 $0x380, s25;
	s18 =	sand.u32 $0x2000, s24;
	_ =	swait.ge [sflag:s11], $0x4000  }
0x240: {  	s26 =	sand.u32 $0x1C00, s17;
	s18 =	sor.u32 s19, s18;
	[sflag:s11] =	ssyncset.done $0x0  }
0x241: {  	s20 =	sor.u32 s26, s18;
	[sflag:s11] =	ssyncadd.s32 $0xFFFFC000  }
0x242: {  	v1 =	vld [tilespmem:s20+$0x4070]  }
0x243: {  	v5 =	vld [tilespmem:s20+$0x4000]  }
0x244: {  	v6 =	vld [tilespmem:s20+$0x4010]  }
0x245: {  	v3 =	vld [tilespmem:s20+$0x4020]  }
0x246: {  	v0 =	vld [tilespmem:s20+$0x4030]  }
0x247: {  	v4 =	vld [tilespmem:s20+$0x4040]  }
0x248: {  	s18 =	sor.u32 $0x14070, s20;
	v2 =	vld [tilespmem:s20+$0x4060]  }
0x249: {  	[tilespmem:s18+$0x0] =	vst.add.f32.msk $0xffff, v1  }
0x24a: {  	s28 =	sor.u32 $0x14000, s20;
	s24 =	sor.u32 $0x14010, s20;
	v1 =	vld [tilespmem:s20+$0x4050]  }
0x24b: {  	s23 =	sor.u32 $0x14020, s20;
	s22 =	sor.u32 $0x14030, s20;
	s21 =	sor.u32 $0x14040, s20;
	[tilespmem:s28+$0x0] =	vst.add.f32.msk $0xffff, v5  }
0x24c: {  	s19 =	sor.u32 $0x14050, s20;
	s18 =	simm.s32 $0x0;
	s20 =	sor.u32 $0x14060, s20;
	[tilespmem:s24+$0x0] =	vst.add.f32.msk $0xffff, v6  }
.LBB2_28:
0x24d: {  	s18 =	sadd.s32 $0x8, s18;
	[tilespmem:s23+$0x0] =	vst.add.f32.msk $0xffff, v3  }
0x24e: {  	s23 =	sshll.u32 s18, $0x4;
	s24 =	sshll.u32 s18, $0x1;
	p0 =	slt.u32 s18, $0x3F8;
	[tilespmem:s22+$0x0] =	vst.add.f32.msk $0xffff, v0  }
0x24f: {  	s17 =	sadd.s32 $0x400, s17;
	s22 =	sand.u32 $0x2000, s23;
	s23 =	sand.u32 $0x380, s24;
	[tilespmem:s21+$0x0] =	vst.add.f32.msk $0xffff, v4  }
0x250: {  	s21 =	sand.u32 $0x1C00, s17;
	s22 =	sor.u32 s23, s22;
	[tilespmem:s19+$0x0] =	vst.add.f32.msk $0xffff, v1  }
0x251: {  	s24 =	sor.u32 s21, s22;
	[tilespmem:s20+$0x0] =	vst.add.f32.msk $0xffff, v2  }
0x252: {  	s25 =	sor.u32 $0x14000, s24;
	s26 =	sor.u32 $0x14010, s24;
	s23 =	sor.u32 $0x14020, s24;
	v1 =	vld [tilespmem:s24+$0x4070]  }
0x253: {  	s22 =	sor.u32 $0x14030, s24;
	s21 =	sor.u32 $0x14040, s24;
	s19 =	sor.u32 $0x14050, s24;
	v5 =	vld [tilespmem:s24+$0x4000]  }
0x254: {  	s20 =	sor.u32 $0x14060, s24;
	v6 =	vld [tilespmem:s24+$0x4010]  }
0x255: {  	v3 =	vld [tilespmem:s24+$0x4020]  }
0x256: {  	s28 =	sor.u32 $0x14070, s24;
	v0 =	vld [tilespmem:s24+$0x4030]  }
0x257: {  	[tilespmem:s28+$0x0] =	vst.add.f32.msk $0xffff, v1  }
.Ltmp13:
0x258: {  	v4 =	vld [tilespmem:s24+$0x4040];
	(pc) =	sbr.rel @p0 .LBB2_28-.Ltmp13, $4  }
0x259: {  	v1 =	vld [tilespmem:s24+$0x4050]  }
0x25a: {  	v2 =	vld [tilespmem:s24+$0x4060]  }
0x25b: {  	[tilespmem:s25+$0x0] =	vst.add.f32.msk $0xffff, v5  }
0x25c: {  	[tilespmem:s26+$0x0] =	vst.add.f32.msk $0xffff, v6  }
0x25d: {  	[tilespmem:s23+$0x0] =	vst.add.f32.msk $0xffff, v3  }
0x25e: {  	[tilespmem:s22+$0x0] =	vst.add.f32.msk $0xffff, v0  }
0x25f: {  	[tilespmem:s21+$0x0] =	vst.add.f32.msk $0xffff, v4  }
0x260: {  	[tilespmem:s19+$0x0] =	vst.add.f32.msk $0xffff, v1  }
0x261: {  	s17 =	simm.s32 $0x0;
	[tilespmem:s20+$0x0] =	vst.add.f32.msk $0xffff, v2  }
0x262: {  	[hbm4b:s29+s17] =	stream.linear.scatter [tilespmem:s7], [sflag:$0x6], $0x4000, $0x38;
	[tilespmem:$0x1C000] =	vst v63  }
0x263: {  	_ =	swait.ge [sflag:s12], $0x4000  }
0x264: {  	[sflag:s12] =	ssyncset.done $0x0  }
0x265: {  	s18 =	simm.s32 $0x0;
	s25 =	simm.s32 $0x0;
	[sflag:s12] =	ssyncadd.s32 $0xFFFFC000  }
0x266: {  	[tilespmem:s6], [sflag:$0x2] =	stream.linear.gather [hbm4b:s2+s17], $0x4000, $0x38;
	[tilespmem:$0x1C000] =	vst v63  }
0x267: {  	s18 =	sand.u32 $0x2000, s18;
	s19 =	sand.u32 $0x380, s25;
	_ =	swait.ge [sflag:s13], $0x4000  }
0x268: {  	s26 =	sand.u32 $0x1C00, s17;
	s18 =	sor.u32 s19, s18;
	[sflag:s13] =	ssyncset.done $0x0  }
0x269: {  	s20 =	sor.u32 s26, s18;
	[sflag:s13] =	ssyncadd.s32 $0xFFFFC000  }
0x26a: {  	v1 =	vld [tilespmem:s20+$0x8070]  }
0x26b: {  	v5 =	vld [tilespmem:s20+$0x8000]  }
0x26c: {  	v6 =	vld [tilespmem:s20+$0x8010]  }
0x26d: {  	v3 =	vld [tilespmem:s20+$0x8020]  }
0x26e: {  	v0 =	vld [tilespmem:s20+$0x8030]  }
0x26f: {  	v4 =	vld [tilespmem:s20+$0x8040]  }
0x270: {  	s18 =	sor.u32 $0x18070, s20;
	v2 =	vld [tilespmem:s20+$0x8060]  }
0x271: {  	[tilespmem:s18+$0x0] =	vst.add.f32.msk $0xffff, v1  }
0x272: {  	s28 =	sor.u32 $0x18000, s20;
	s24 =	sor.u32 $0x18010, s20;
	v1 =	vld [tilespmem:s20+$0x8050]  }
0x273: {  	s23 =	sor.u32 $0x18020, s20;
	s22 =	sor.u32 $0x18030, s20;
	s21 =	sor.u32 $0x18040, s20;
	[tilespmem:s28+$0x0] =	vst.add.f32.msk $0xffff, v5  }
0x274: {  	s19 =	sor.u32 $0x18050, s20;
	s18 =	simm.s32 $0x0;
	s20 =	sor.u32 $0x18060, s20;
	[tilespmem:s24+$0x0] =	vst.add.f32.msk $0xffff, v6  }
.LBB2_30:
0x275: {  	s18 =	sadd.s32 $0x8, s18;
	[tilespmem:s23+$0x0] =	vst.add.f32.msk $0xffff, v3  }
0x276: {  	s23 =	sshll.u32 s18, $0x4;
	s24 =	sshll.u32 s18, $0x1;
	p0 =	slt.u32 s18, $0x3F8;
	[tilespmem:s22+$0x0] =	vst.add.f32.msk $0xffff, v0  }
0x277: {  	s17 =	sadd.s32 $0x400, s17;
	s22 =	sand.u32 $0x2000, s23;
	s23 =	sand.u32 $0x380, s24;
	[tilespmem:s21+$0x0] =	vst.add.f32.msk $0xffff, v4  }
0x278: {  	s21 =	sand.u32 $0x1C00, s17;
	s22 =	sor.u32 s23, s22;
	[tilespmem:s19+$0x0] =	vst.add.f32.msk $0xffff, v1  }
0x279: {  	s24 =	sor.u32 s21, s22;
	[tilespmem:s20+$0x0] =	vst.add.f32.msk $0xffff, v2  }
0x27a: {  	s25 =	sor.u32 $0x18000, s24;
	s26 =	sor.u32 $0x18010, s24;
	s23 =	sor.u32 $0x18020, s24;
	v1 =	vld [tilespmem:s24+$0x8070]  }
0x27b: {  	s22 =	sor.u32 $0x18030, s24;
	s21 =	sor.u32 $0x18040, s24;
	s19 =	sor.u32 $0x18050, s24;
	v5 =	vld [tilespmem:s24+$0x8000]  }
0x27c: {  	s20 =	sor.u32 $0x18060, s24;
	v6 =	vld [tilespmem:s24+$0x8010]  }
0x27d: {  	v3 =	vld [tilespmem:s24+$0x8020]  }
0x27e: {  	s28 =	sor.u32 $0x18070, s24;
	v0 =	vld [tilespmem:s24+$0x8030]  }
0x27f: {  	[tilespmem:s28+$0x0] =	vst.add.f32.msk $0xffff, v1  }
.Ltmp14:
0x280: {  	v4 =	vld [tilespmem:s24+$0x8040];
	(pc) =	sbr.rel @p0 .LBB2_30-.Ltmp14, $4  }
0x281: {  	v1 =	vld [tilespmem:s24+$0x8050]  }
0x282: {  	v2 =	vld [tilespmem:s24+$0x8060]  }
0x283: {  	[tilespmem:s25+$0x0] =	vst.add.f32.msk $0xffff, v5  }
0x284: {  	[tilespmem:s26+$0x0] =	vst.add.f32.msk $0xffff, v6  }
0x285: {  	[tilespmem:s23+$0x0] =	vst.add.f32.msk $0xffff, v3  }
0x286: {  	[tilespmem:s22+$0x0] =	vst.add.f32.msk $0xffff, v0  }
0x287: {  	[tilespmem:s21+$0x0] =	vst.add.f32.msk $0xffff, v4  }
0x288: {  	[tilespmem:s19+$0x0] =	vst.add.f32.msk $0xffff, v1  }
0x289: {  	s17 =	simm.s32 $0x0;
	s18 =	simm.s32 $0x0;
	s25 =	simm.s32 $0x0;
	[tilespmem:s20+$0x0] =	vst.add.f32.msk $0xffff, v2  }
0x28a: {  	[hbm4b:s3+s17] =	stream.linear.scatter [tilespmem:s10], [sflag:$0x7], $0x4000, $0x38;
	[tilespmem:$0x1C000] =	vst v63  }
0x28b: {  	s18 =	sand.u32 $0x2000, s18;
	s19 =	sand.u32 $0x380, s25;
	_ =	swait.ge [sflag:s9], $0x4000  }
0x28c: {  	s26 =	sand.u32 $0x1C00, s17;
	s18 =	sor.u32 s19, s18;
	[sflag:s9] =	ssyncset.done $0x0  }
0x28d: {  	s20 =	sor.u32 s26, s18;
	[sflag:s9] =	ssyncadd.s32 $0xFFFFC000  }
0x28e: {  	v1 =	vld [tilespmem:s20+$0xC070]  }
0x28f: {  	v5 =	vld [tilespmem:s20+$0xC000]  }
0x290: {  	v6 =	vld [tilespmem:s20+$0xC010]  }
0x291: {  	v3 =	vld [tilespmem:s20+$0xC020]  }
0x292: {  	v0 =	vld [tilespmem:s20+$0xC030]  }
0x293: {  	v4 =	vld [tilespmem:s20+$0xC040]  }
0x294: {  	s18 =	sor.u32 $0x10070, s20;
	v2 =	vld [tilespmem:s20+$0xC060]  }
0x295: {  	[tilespmem:s18+$0x0] =	vst.add.f32.msk $0xffff, v1  }
0x296: {  	s28 =	sor.u32 $0x10000, s20;
	s24 =	sor.u32 $0x10010, s20;
	v1 =	vld [tilespmem:s20+$0xC050]  }
0x297: {  	s23 =	sor.u32 $0x10020, s20;
	s22 =	sor.u32 $0x10030, s20;
	s21 =	sor.u32 $0x10040, s20;
	[tilespmem:s28+$0x0] =	vst.add.f32.msk $0xffff, v5  }
0x298: {  	s19 =	sor.u32 $0x10050, s20;
	s18 =	simm.s32 $0x0;
	s20 =	sor.u32 $0x10060, s20;
	[tilespmem:s24+$0x0] =	vst.add.f32.msk $0xffff, v6  }
.LBB2_32:
0x299: {  	s18 =	sadd.s32 $0x8, s18;
	[tilespmem:s23+$0x0] =	vst.add.f32.msk $0xffff, v3  }
0x29a: {  	s23 =	sshll.u32 s18, $0x4;
	s24 =	sshll.u32 s18, $0x1;
	p0 =	slt.u32 s18, $0x3F8;
	[tilespmem:s22+$0x0] =	vst.add.f32.msk $0xffff, v0  }
0x29b: {  	s17 =	sadd.s32 $0x400, s17;
	s22 =	sand.u32 $0x2000, s23;
	s23 =	sand.u32 $0x380, s24;
	[tilespmem:s21+$0x0] =	vst.add.f32.msk $0xffff, v4  }
0x29c: {  	s21 =	sand.u32 $0x1C00, s17;
	s22 =	sor.u32 s23, s22;
	[tilespmem:s19+$0x0] =	vst.add.f32.msk $0xffff, v1  }
0x29d: {  	s24 =	sor.u32 s21, s22;
	[tilespmem:s20+$0x0] =	vst.add.f32.msk $0xffff, v2  }
0x29e: {  	s25 =	sor.u32 $0x10000, s24;
	s26 =	sor.u32 $0x10010, s24;
	s23 =	sor.u32 $0x10020, s24;
	v1 =	vld [tilespmem:s24+$0xC070]  }
0x29f: {  	s22 =	sor.u32 $0x10030, s24;
	s21 =	sor.u32 $0x10040, s24;
	s19 =	sor.u32 $0x10050, s24;
	v5 =	vld [tilespmem:s24+$0xC000]  }
0x2a0: {  	s20 =	sor.u32 $0x10060, s24;
	v6 =	vld [tilespmem:s24+$0xC010]  }
0x2a1: {  	v3 =	vld [tilespmem:s24+$0xC020]  }
0x2a2: {  	s28 =	sor.u32 $0x10070, s24;
	v0 =	vld [tilespmem:s24+$0xC030]  }
0x2a3: {  	[tilespmem:s28+$0x0] =	vst.add.f32.msk $0xffff, v1  }
.Ltmp15:
0x2a4: {  	v4 =	vld [tilespmem:s24+$0xC040];
	(pc) =	sbr.rel @p0 .LBB2_32-.Ltmp15, $4  }
0x2a5: {  	v1 =	vld [tilespmem:s24+$0xC050]  }
0x2a6: {  	v2 =	vld [tilespmem:s24+$0xC060]  }
0x2a7: {  	[tilespmem:s25+$0x0] =	vst.add.f32.msk $0xffff, v5  }
0x2a8: {  	[tilespmem:s26+$0x0] =	vst.add.f32.msk $0xffff, v6  }
0x2a9: {  	[tilespmem:s23+$0x0] =	vst.add.f32.msk $0xffff, v3  }
0x2aa: {  	[tilespmem:s22+$0x0] =	vst.add.f32.msk $0xffff, v0  }
0x2ab: {  	[tilespmem:s21+$0x0] =	vst.add.f32.msk $0xffff, v4  }
0x2ac: {  	[tilespmem:s19+$0x0] =	vst.add.f32.msk $0xffff, v1  }
0x2ad: {  	[tilespmem:s20+$0x0] =	vst.add.f32.msk $0xffff, v2  }
0x2ae: {  	[hbm4b:s4+s1] =	stream.linear.scatter [tilespmem:s6], [sflag:$0x5], $0x4000, $0x38;
	[tilespmem:$0x1C000] =	vst v63  }
0x2af: {  	_ =	swait.ge [sflag:s14], $0x4000  }
0x2b0: {  	[sflag:s14] =	ssyncset.done $0x0  }
0x2b1: {  	s16 =	sadd.s32 $0x1, s16;
	[sflag:s14] =	ssyncadd.s32 $0xFFFFC000  }
0x2b2: {  	p0 =	sne.s32 s16, s5;
	_ =	swait.ge [sflag:s15], $0x4000  }
.Ltmp16:
0x2b3: {  	[sflag:s15] =	ssyncset.done $0x0;
	(pc) =	sbr.rel @p0 .LBB2_1-.Ltmp16, $4  }
0x2b4: {  	[sflag:s15] =	ssyncadd.s32 $0xFFFFC000  }
0x2b5: {  	_ =	swait.ge [sflag:s12], $0x4000  }
0x2b6: {  	[sflag:s12] =	ssyncset.done $0x0  }
0x2b7: {  	[sflag:s12] =	ssyncadd.s32 $0xFFFFC000  }
0x2b8: {  	_ =	sfence.sel $0x180000  }
0x2b9: {  	[bflag:$0x0] =	sbarrier.arrive $0xFFFF  }
0x2ba: {  	_ =	strace $0x90000047  }
0x2bb: {  	s0 =	stileid.u32;
	[bflag:$0x2] =	sbarrier.arrive $0xFFFF  }
0x2bc: {  	p0 =	sne.s32 s0, $0x0;
	s0 =	rddreg [dreg:$0x3]  }
0x2bd: {  	s0 =	sadd.s32 @!p0 $0x100000, s0  }
0x2be: {  	[sflag:s0] =	ssyncadd.tile.s32 @!p0 $0x1;
	_ =	shalt  }
.Lfunc_end2:
_tile_overlayer_lowered:
.L_overlay_start_2:
0x2bf: {  	(tag) =	ssettag $0x2  }
0x2c0: {  	s0 =	rddreg [dreg:$0x0];
	s2 =	stileid.u32  }
0x2c1: {  	s1 =	rddreg [dreg:$0x1];
	p0 =	sne.s32 s2, $0x0  }
0x2c2: {  	s3 =	rddreg [dreg:$0x2];
	[bflag:$0x3] =	sbarrier.arrive $0xFFFF;
	s2 =	simm.s32 @!p0 $0x1C08  }
0x2c3: {  	[timem:s3], [sflag:s2] =	dma.local @!p0 [hbm:s0], s1  }
0x2c4: {  	s0 =	simm.s32 @!p0 $0x8  }
0x2c5: {  	_ =	swait.ge @!p0 [sflag:s0], s1  }
0x2c6: {  	s1 =	ssub.s32 @!p0 $0x0, s1;
	[sflag:s0] =	ssyncset.done @!p0 $0x0  }
0x2c7: {  	[sflag:s0] =	ssyncadd.s32 @!p0 s1  }
0x2c8: {  	[bflag:$0x3] =	sbarrier.arrive $0xFFFF  }
0x2c9: {  	_ =	shalt  }

</sc_bundles>
